<compile_context>
chip_gen: v7x
topology: tpu7x:2x2x1
jax: 0.10.2.dev20260603
libtpu: 0.0.44.dev20260713+nightly
codegen_flags: <defaults>
</compile_context>

<pallas_src>
import functools

import jax
import jax.numpy as jnp
from jax import lax
from jax.experimental import pallas as pl
from jax.experimental.pallas import tpu as pltpu
from jax.experimental.pallas import tpu_sc as plsc

NC = 2
NS = 16
LN = 128



def _mm0_body(h_ref, ws_ref, wn_ref, b_ref, s_ref, z_ref):
    h = h_ref[...]
    s_ref[...] = jnp.dot(h, ws_ref[...], preferred_element_type=jnp.float32) + b_ref[...]
    z_ref[...] = jnp.dot(h, wn_ref[...], preferred_element_type=jnp.float32)


def _comb_mm_body(sp_ref, a_ref, d_ref, ws_ref, wn_ref, b_ref, s_ref, z_ref):
    agg = a_ref[0] + a_ref[1]
    dg = jnp.maximum(d_ref[0, :, 0:1] + d_ref[1, :, 0:1], 1.0)
    h = jnp.maximum(sp_ref[...] + agg / dg, 0.0)
    s_ref[...] = jnp.dot(h, ws_ref[...], preferred_element_type=jnp.float32) + b_ref[...]
    z_ref[...] = jnp.dot(h, wn_ref[...], preferred_element_type=jnp.float32)


def _final_body(sp_ref, a_ref, d_ref, o_ref):
    agg = a_ref[0] + a_ref[1]
    dg = jnp.maximum(d_ref[0, :, 0:1] + d_ref[1, :, 0:1], 1.0)
    o_ref[...] = sp_ref[...] + agg / dg


def _mm0(h, ws, wn, b, blk):
    n, d = h.shape
    return pl.pallas_call(
        _mm0_body,
        grid=(n // blk,),
        in_specs=[
            pl.BlockSpec((blk, d), lambda i: (i, 0)),
            pl.BlockSpec((d, d), lambda i: (0, 0)),
            pl.BlockSpec((d, d), lambda i: (0, 0)),
            pl.BlockSpec((1, d), lambda i: (0, 0)),
        ],
        out_specs=[
            pl.BlockSpec((blk, d), lambda i: (i, 0)),
            pl.BlockSpec((blk, d), lambda i: (i, 0)),
        ],
        out_shape=[jax.ShapeDtypeStruct((n, d), jnp.float32)] * 2,
    )(h, ws, wn, b)


def _comb_mm(s_prev, apart, degpart, ws, wn, b, blk):
    n, d = s_prev.shape
    n_pad = apart.shape[1]
    return pl.pallas_call(
        _comb_mm_body,
        grid=(n // blk,),
        in_specs=[
            pl.BlockSpec((blk, d), lambda i: (i, 0)),
            pl.BlockSpec((2, blk, d), lambda i: (0, i, 0)),
            pl.BlockSpec((2, blk, d), lambda i: (0, i, 0)),
            pl.BlockSpec((d, d), lambda i: (0, 0)),
            pl.BlockSpec((d, d), lambda i: (0, 0)),
            pl.BlockSpec((1, d), lambda i: (0, 0)),
        ],
        out_specs=[
            pl.BlockSpec((blk, d), lambda i: (i, 0)),
            pl.BlockSpec((blk, d), lambda i: (i, 0)),
        ],
        out_shape=[jax.ShapeDtypeStruct((n, d), jnp.float32)] * 2,
    )(s_prev, apart, degpart, ws, wn, b)


def _final(s_prev, apart, degpart, blk):
    n, d = s_prev.shape
    return pl.pallas_call(
        _final_body,
        grid=(n // blk,),
        in_specs=[
            pl.BlockSpec((blk, d), lambda i: (i, 0)),
            pl.BlockSpec((2, blk, d), lambda i: (0, i, 0)),
            pl.BlockSpec((2, blk, d), lambda i: (0, i, 0)),
        ],
        out_specs=pl.BlockSpec((blk, d), lambda i: (i, 0)),
        out_shape=jax.ShapeDtypeStruct((n, d), jnp.float32),
    )(s_prev, apart, degpart)



def _make_sc_scatter(n_pad, d, n_chunks):
    rows_per_sub = n_pad // NS
    mesh = plsc.VectorSubcoreMesh(
        core_axis_name="c", subcore_axis_name="s", num_cores=NC, num_subcores=NS
    )
    assert n_chunks % 4 == 0
    hc = n_chunks // 2
    half = hc // 2
    out_type = [jax.ShapeDtypeStruct((NC, n_pad, d), jnp.float32)]
    scratch = [
        pltpu.VMEM((hc, LN), jnp.int32),
        pltpu.VMEM((hc, LN), jnp.int32),
        pltpu.VMEM((2, LN, d), jnp.float32),
        pltpu.VMEM_SHARED((n_pad, d), jnp.float32),
        pltpu.SemaphoreType.DMA((2,)),
    ]

    def body(z_hbm, src_hbm, dst_hbm, zrow_hbm, a_out,
             src_v, dst_v, row_v, a_sp, sem):
        cid = lax.axis_index("c")
        sid = lax.axis_index("s")
        wid = cid * NS + sid
        base = sid * rows_per_sub
        pltpu.sync_copy(zrow_hbm, a_sp.at[pl.ds(base, rows_per_sub)])
        plsc.subcore_barrier()

        def gather(j, k):
            return pltpu.async_copy(z_hbm.at[src_v.at[j]], row_v.at[k], sem.at[k])

        def gwait(j, k):
            pltpu.make_async_copy(z_hbm.at[src_v.at[j]], row_v.at[k], sem.at[k]).wait()

        def scat(j, k):
            pltpu.sync_copy(row_v.at[k], a_sp.at[dst_v.at[j]], add=True)

        for p in range(2):
            pltpu.sync_copy(src_hbm.at[wid, pl.ds(p * hc, hc)], src_v)
            pltpu.sync_copy(dst_hbm.at[wid, pl.ds(p * hc, hc)], dst_v)
            gather(0, 0)

            def step(i, carry):
                j = 2 * i
                gather(j + 1, 1)
                gwait(j, 0)
                scat(j, 0)

                @pl.when(i + 1 < half)
                def _():
                    gather(j + 2, 0)

                gwait(j + 1, 1)
                scat(j + 1, 1)
                return carry

            lax.fori_loop(0, half, step, 0)
        plsc.subcore_barrier()
        pltpu.sync_copy(a_sp.at[pl.ds(base, rows_per_sub)],
                        a_out.at[cid, pl.ds(base, rows_per_sub), :])

    return pl.kernel(body, out_type=out_type, mesh=mesh, scratch_types=scratch)


def _make_sc_deg(n_pad, d, n_chunks):
    rows_per_sub = n_pad // NS
    mesh = plsc.VectorSubcoreMesh(
        core_axis_name="c", subcore_axis_name="s", num_cores=NC, num_subcores=NS
    )
    out_type = [jax.ShapeDtypeStruct((NC, n_pad, d), jnp.float32)]
    scratch = [
        pltpu.VMEM((n_chunks, LN), jnp.int32),
        pltpu.VMEM((LN, d), jnp.float32),
        pltpu.VMEM_SHARED((n_pad, d), jnp.float32),
    ]

    def body(dst_hbm, zrow_hbm, ones_hbm, deg_out, dst_v, ones_v, deg_sp):
        cid = lax.axis_index("c")
        sid = lax.axis_index("s")
        wid = cid * NS + sid
        base = sid * rows_per_sub
        pltpu.sync_copy(dst_hbm.at[wid], dst_v)
        pltpu.sync_copy(ones_hbm, ones_v)
        pltpu.sync_copy(zrow_hbm, deg_sp.at[pl.ds(base, rows_per_sub)])
        plsc.subcore_barrier()

        def step(j, carry):
            pltpu.sync_copy(ones_v, deg_sp.at[dst_v.at[j]], add=True)
            return carry

        lax.fori_loop(0, n_chunks, step, 0)
        plsc.subcore_barrier()
        pltpu.sync_copy(deg_sp.at[pl.ds(base, rows_per_sub)],
                        deg_out.at[cid, pl.ds(base, rows_per_sub), :])

    return pl.kernel(body, out_type=out_type, mesh=mesh, scratch_types=scratch)



def kernel(feat, edge_index, W_self_0, W_neigh_0, b_0,
           W_self_1, W_neigh_1, b_1, W_self_2, W_neigh_2, b_2):
    n, d = feat.shape
    e = edge_index.shape[1]
    nw = NC * NS
    n_chunks = -(-(-(-e // (nw * LN))) // 4) * 4
    e_pad = nw * LN * n_chunks
    n_pad = -(-(n + 1) // (NS * 8)) * (NS * 8)

    src = edge_index[0].astype(jnp.int32)
    dst = edge_index[1].astype(jnp.int32)
    pad = e_pad - e
    src3 = jnp.concatenate([src, jnp.zeros((pad,), jnp.int32)]).reshape(nw, n_chunks, LN)
    dst3 = jnp.concatenate([dst, jnp.full((pad,), n, jnp.int32)]).reshape(nw, n_chunks, LN)

    rows_per_sub = n_pad // NS
    zrow = jnp.zeros((rows_per_sub, d), jnp.float32)
    onesr = jnp.ones((LN, d), jnp.float32)

    b0 = b_0.reshape(1, d)
    b1 = b_1.reshape(1, d)
    b2 = b_2.reshape(1, d)

    blk = 2000
    sc_deg = _make_sc_deg(n_pad, d, n_chunks)
    sc = _make_sc_scatter(n_pad, d, n_chunks)

    degp, = sc_deg(dst3, zrow, onesr)
    s0, z0 = _mm0(feat, W_self_0, W_neigh_0, b0, blk)
    a0, = sc(z0, src3, dst3, zrow)
    s1, z1 = _comb_mm(s0, a0, degp, W_self_1, W_neigh_1, b1, blk)
    a1, = sc(z1, src3, dst3, zrow)
    s2, z2 = _comb_mm(s1, a1, degp, W_self_2, W_neigh_2, b2, blk)
    a2, = sc(z2, src3, dst3, zrow)
    return _final(s2, a2, degp, blk)

# --- scband reference (transcript-rebuilt; emitter-appended) ---
"""Pipeline reference for scband-sage-3204045603665 (READ-ONLY COPY).

The authoritative reference and input builder live on the scoring server;
editing this copy changes nothing except your own understanding.
"""

import jax, jax.numpy as jnp
import numpy as np

N_NODES = 10000
N_EDGES = 320000
D_IN = 128
D_HID = 128
D_OUT = 128


def setup_inputs(seed: int = 0) -> dict:
    key = jax.random.key(seed)
    ks = jax.random.split(key, 12)
    feat = jax.random.normal(ks[0], (N_NODES, D_IN), dtype=jnp.float32)
    edge_index = jax.random.randint(ks[1], (2, N_EDGES), 0, N_NODES, dtype=jnp.int64)
    # SAGEConv params per layer: fc_self weight, fc_neigh weight, bias
    def lin(k, din, dout):
        return jax.random.normal(k, (din, dout), dtype=jnp.float32) * (1.0 / np.sqrt(din))
    return {
        "feat": feat,
        "edge_index": edge_index,
        "W_self_0": lin(ks[2], D_IN, D_HID),
        "W_neigh_0": lin(ks[3], D_IN, D_HID),
        "b_0": jnp.zeros((D_HID,), dtype=jnp.float32),
        "W_self_1": lin(ks[4], D_HID, D_HID),
        "W_neigh_1": lin(ks[5], D_HID, D_HID),
        "b_1": jnp.zeros((D_HID,), dtype=jnp.float32),
        "W_self_2": lin(ks[6], D_HID, D_OUT),
        "W_neigh_2": lin(ks[7], D_HID, D_OUT),
        "b_2": jnp.zeros((D_OUT,), dtype=jnp.float32),
    }


def _sage_conv(h, src, dst, n_nodes, W_self, W_neigh, b):
    # mean aggregator: gather neighbor feats along edges, scatter-add to dst, divide by degree
    msg = h[src]  # gather [E, d]
    agg = jax.ops.segment_sum(msg, dst, num_segments=n_nodes)
    deg = jax.ops.segment_sum(jnp.ones((src.shape[0], 1), dtype=h.dtype), dst, num_segments=n_nodes)
    h_neigh = agg / jnp.maximum(deg, 1.0)
    return h @ W_self + h_neigh @ W_neigh + b


def reference(feat, edge_index, W_self_0, W_neigh_0, b_0, W_self_1, W_neigh_1, b_1, W_self_2, W_neigh_2, b_2):
    src = edge_index[0]
    dst = edge_index[1]
    n = feat.shape[0]
    h = _sage_conv(feat, src, dst, n, W_self_0, W_neigh_0, b_0)
    h = jax.nn.relu(h)  # dropout is identity in eval mode
    h = _sage_conv(h, src, dst, n, W_self_1, W_neigh_1, b_1)
    h = jax.nn.relu(h)
    h = _sage_conv(h, src, dst, n, W_self_2, W_neigh_2, b_2)
    return h

if __name__ == "__main__":
    import jax
    _d = setup_inputs()
    print(jax.jit(kernel)(*tuple(_d.values())))

</pallas_src>

<mosaic_0001>
#map = affine_map<(d0, d1) -> (0, 0)>
#map1 = affine_map<(d0, d1) -> (0, 0, 0)>
module attributes {stable_mosaic.version = 14 : i64} {
  func.func @body(%arg0: i32, %arg1: i32, %arg2: memref<10000x128xf32, #tpu.memory_space<hbm>>, %arg3: memref<32x80x128xi32, #tpu.memory_space<hbm>>, %arg4: memref<32x80x128xi32, #tpu.memory_space<hbm>>, %arg5: memref<632x128xf32, #tpu.memory_space<hbm>>, %arg6: memref<2x10112x128xf32, #tpu.memory_space<hbm>>, %arg7: memref<40x128xi32, #tpu.memory_space<vmem>>, %arg8: memref<40x128xi32, #tpu.memory_space<vmem>>, %arg9: memref<2x128x128xf32, #tpu.memory_space<vmem>>, %arg10: memref<10112x128xf32, #tpu.memory_space<vmem_shared>>, %arg11: memref<2x!tpu.dma_semaphore, #tpu.memory_space<semaphore_mem>>) attributes {dimension_semantics = [#tpu.dimension_semantics<core_parallel>, #tpu.dimension_semantics<subcore_parallel>], iteration_bounds = array<i64: 2, 16>, scalar_prefetch = 0 : i64, scratch_operands = 5 : i64, tpu.core_type = #tpu.core_type<sc_vector_subcore>, window_params = [{transform_indices = #map}, {transform_indices = #map1}, {transform_indices = #map1}, {transform_indices = #map}, {transform_indices = #map1}]} {
    %mul3A = arith.constant 16 : i32
    %mul3A_0 = arith.muli %arg0, %mul3A : i32
    %add3A = arith.addi %mul3A_0, %arg1 : i32
    %mul3A_1 = arith.constant 632 : i32
    %mul3A_2 = arith.muli %arg1, %mul3A_1 : i32
    "tpu.region"() ({
      %run_scoped3A = tpu.sem_alloc : memref<!tpu.dma_semaphore, #tpu.memory_space<semaphore_mem>>
      %dma_start3A_44 = arith.constant 0 : i32
      %dma_start3A_45 = tpu.memref_slice %arg10[%mul3A_2, %dma_start3A_44] : memref<10112x128xf32, #tpu.memory_space<vmem_shared>> -> memref<632x128xf32, #tpu.memory_space<vmem_shared>>
      tpu.enqueue_dma source(%arg5 : memref<632x128xf32, #tpu.memory_space<hbm>>) target(%dma_start3A_45 : memref<632x128xf32, #tpu.memory_space<vmem_shared>>) target_semaphore(%run_scoped3A : memref<!tpu.dma_semaphore, #tpu.memory_space<semaphore_mem>>)
      %dma_wait3A = arith.constant 0 : i32
      %dma_wait3A_46 = tpu.memref_slice %arg10[%mul3A_2, %dma_wait3A] : memref<10112x128xf32, #tpu.memory_space<vmem_shared>> -> memref<632x128xf32, #tpu.memory_space<vmem_shared>>
      tpu.wait_dma2 semaphore(%run_scoped3A : memref<!tpu.dma_semaphore, #tpu.memory_space<semaphore_mem>>) src(%arg5 : memref<632x128xf32, #tpu.memory_space<hbm>>) dst(%dma_wait3A_46 : memref<632x128xf32, #tpu.memory_space<vmem_shared>>)
      tpu.yield
    }) : () -> ()
    %barrier3A = arith.constant 0 : index
    tpu.barrier barrier_id(%barrier3A)
    "tpu.region"() ({
      %run_scoped3A = tpu.sem_alloc : memref<!tpu.dma_semaphore, #tpu.memory_space<semaphore_mem>>
      %dma_start3A_44 = arith.constant 0 : i32
      %dma_start3A_45 = arith.constant 0 : i32
      %dma_start3A_46 = tpu.memref_slice %arg3[%add3A, %dma_start3A_44, %dma_start3A_45] : memref<32x80x128xi32, #tpu.memory_space<hbm>> -> memref<1x40x128xi32, #tpu.memory_space<hbm>>
      %dma_start3A_47 = tpu.memref_squeeze %dma_start3A_46 : memref<1x40x128xi32, #tpu.memory_space<hbm>> -> memref<40x128xi32, #tpu.memory_space<hbm>>
      %dma_start3A_48 = arith.constant 0 : i32
      %dma_start3A_49 = arith.constant 0 : i32
      %dma_start3A_50 = tpu.memref_slice %arg3[%add3A, %dma_start3A_48, %dma_start3A_49] : memref<32x80x128xi32, #tpu.memory_space<hbm>> -> memref<1x40x128xi32, #tpu.memory_space<hbm>>
      %dma_start3A_51 = tpu.memref_squeeze %dma_start3A_50 : memref<1x40x128xi32, #tpu.memory_space<hbm>> -> memref<40x128xi32, #tpu.memory_space<hbm>>
      tpu.enqueue_dma source(%dma_start3A_51 : memref<40x128xi32, #tpu.memory_space<hbm>>) target(%arg7 : memref<40x128xi32, #tpu.memory_space<vmem>>) target_semaphore(%run_scoped3A : memref<!tpu.dma_semaphore, #tpu.memory_space<semaphore_mem>>)
      %dma_wait3A = arith.constant 0 : i32
      %dma_wait3A_52 = arith.constant 0 : i32
      %dma_wait3A_53 = tpu.memref_slice %arg3[%add3A, %dma_wait3A, %dma_wait3A_52] : memref<32x80x128xi32, #tpu.memory_space<hbm>> -> memref<1x40x128xi32, #tpu.memory_space<hbm>>
      %dma_wait3A_54 = tpu.memref_squeeze %dma_wait3A_53 : memref<1x40x128xi32, #tpu.memory_space<hbm>> -> memref<40x128xi32, #tpu.memory_space<hbm>>
      %dma_wait3A_55 = arith.constant 0 : i32
      %dma_wait3A_56 = arith.constant 0 : i32
      %dma_wait3A_57 = tpu.memref_slice %arg3[%add3A, %dma_wait3A_55, %dma_wait3A_56] : memref<32x80x128xi32, #tpu.memory_space<hbm>> -> memref<1x40x128xi32, #tpu.memory_space<hbm>>
      %dma_wait3A_58 = tpu.memref_squeeze %dma_wait3A_57 : memref<1x40x128xi32, #tpu.memory_space<hbm>> -> memref<40x128xi32, #tpu.memory_space<hbm>>
      tpu.wait_dma2 semaphore(%run_scoped3A : memref<!tpu.dma_semaphore, #tpu.memory_space<semaphore_mem>>) src(%dma_wait3A_58 : memref<40x128xi32, #tpu.memory_space<hbm>>) dst(%arg7 : memref<40x128xi32, #tpu.memory_space<vmem>>)
      tpu.yield
    }) : () -> ()
    "tpu.region"() ({
      %run_scoped3A = tpu.sem_alloc : memref<!tpu.dma_semaphore, #tpu.memory_space<semaphore_mem>>
      %dma_start3A_44 = arith.constant 0 : i32
      %dma_start3A_45 = arith.constant 0 : i32
      %dma_start3A_46 = tpu.memref_slice %arg4[%add3A, %dma_start3A_44, %dma_start3A_45] : memref<32x80x128xi32, #tpu.memory_space<hbm>> -> memref<1x40x128xi32, #tpu.memory_space<hbm>>
      %dma_start3A_47 = tpu.memref_squeeze %dma_start3A_46 : memref<1x40x128xi32, #tpu.memory_space<hbm>> -> memref<40x128xi32, #tpu.memory_space<hbm>>
      %dma_start3A_48 = arith.constant 0 : i32
      %dma_start3A_49 = arith.constant 0 : i32
      %dma_start3A_50 = tpu.memref_slice %arg4[%add3A, %dma_start3A_48, %dma_start3A_49] : memref<32x80x128xi32, #tpu.memory_space<hbm>> -> memref<1x40x128xi32, #tpu.memory_space<hbm>>
      %dma_start3A_51 = tpu.memref_squeeze %dma_start3A_50 : memref<1x40x128xi32, #tpu.memory_space<hbm>> -> memref<40x128xi32, #tpu.memory_space<hbm>>
      tpu.enqueue_dma source(%dma_start3A_51 : memref<40x128xi32, #tpu.memory_space<hbm>>) target(%arg8 : memref<40x128xi32, #tpu.memory_space<vmem>>) target_semaphore(%run_scoped3A : memref<!tpu.dma_semaphore, #tpu.memory_space<semaphore_mem>>)
      %dma_wait3A = arith.constant 0 : i32
      %dma_wait3A_52 = arith.constant 0 : i32
      %dma_wait3A_53 = tpu.memref_slice %arg4[%add3A, %dma_wait3A, %dma_wait3A_52] : memref<32x80x128xi32, #tpu.memory_space<hbm>> -> memref<1x40x128xi32, #tpu.memory_space<hbm>>
      %dma_wait3A_54 = tpu.memref_squeeze %dma_wait3A_53 : memref<1x40x128xi32, #tpu.memory_space<hbm>> -> memref<40x128xi32, #tpu.memory_space<hbm>>
      %dma_wait3A_55 = arith.constant 0 : i32
      %dma_wait3A_56 = arith.constant 0 : i32
      %dma_wait3A_57 = tpu.memref_slice %arg4[%add3A, %dma_wait3A_55, %dma_wait3A_56] : memref<32x80x128xi32, #tpu.memory_space<hbm>> -> memref<1x40x128xi32, #tpu.memory_space<hbm>>
      %dma_wait3A_58 = tpu.memref_squeeze %dma_wait3A_57 : memref<1x40x128xi32, #tpu.memory_space<hbm>> -> memref<40x128xi32, #tpu.memory_space<hbm>>
      tpu.wait_dma2 semaphore(%run_scoped3A : memref<!tpu.dma_semaphore, #tpu.memory_space<semaphore_mem>>) src(%dma_wait3A_58 : memref<40x128xi32, #tpu.memory_space<hbm>>) dst(%arg8 : memref<40x128xi32, #tpu.memory_space<vmem>>)
      tpu.yield
    }) : () -> ()
    %dma_start3A = arith.constant 0 : i32
    %dma_start3A_3 = arith.constant 0 : i32
    %dma_start3A_4 = arith.constant 0 : i32
    %dma_start3A_5 = arith.constant 0 : i32
    %dma_start3A_6 = arith.constant 0 : i32
    %dma_start3A_7 = tpu.memref_slice %arg9[%dma_start3A_3, %dma_start3A_5, %dma_start3A_6] : memref<2x128x128xf32, #tpu.memory_space<vmem>> -> memref<1x128x128xf32, #tpu.memory_space<vmem>>
    %dma_start3A_8 = tpu.memref_squeeze %dma_start3A_7 : memref<1x128x128xf32, #tpu.memory_space<vmem>> -> memref<128x128xf32, #tpu.memory_space<vmem>>
    %dma_start3A_9 = arith.constant 0 : i32
    %dma_start3A_10 = tpu.memref_slice %arg7[%dma_start3A, %dma_start3A_9] : memref<40x128xi32, #tpu.memory_space<vmem>> -> memref<1x128xi32, #tpu.memory_space<vmem>>
    %dma_start3A_11 = tpu.memref_squeeze %dma_start3A_10 : memref<1x128xi32, #tpu.memory_space<vmem>> -> memref<128xi32, #tpu.memory_space<vmem>>
    %dma_start3A_12 = arith.constant 0 : i32
    %dma_start3A_13 = arith.constant 0 : i32
    %dma_start3A_14 = tpu.memref_slice %arg2[%dma_start3A_12, %dma_start3A_13] : memref<10000x128xf32, #tpu.memory_space<hbm>> -> memref<10000x128xf32, #tpu.memory_space<hbm>>
    %dma_start3A_15 = tpu.memref_slice %arg11[%dma_start3A_4] : memref<2x!tpu.dma_semaphore, #tpu.memory_space<semaphore_mem>> -> memref<1x!tpu.dma_semaphore, #tpu.memory_space<semaphore_mem>>
    %dma_start3A_16 = tpu.memref_squeeze %dma_start3A_15 : memref<1x!tpu.dma_semaphore, #tpu.memory_space<semaphore_mem>> -> memref<!tpu.dma_semaphore, #tpu.memory_space<semaphore_mem>>
    tpu.enqueue_indirect_dma source(%dma_start3A_14 : memref<10000x128xf32, #tpu.memory_space<hbm>>) target(%dma_start3A_8 : memref<128x128xf32, #tpu.memory_space<vmem>>) offsets(%dma_start3A_11 : memref<128xi32, #tpu.memory_space<vmem>>) semaphore(%dma_start3A_16 : memref<!tpu.dma_semaphore, #tpu.memory_space<semaphore_mem>>)
    %scan3A = arith.constant 0 : i32
    %scan3A_17 = arith.constant 0 : i32
    %scan3A_18 = arith.constant 20 : i32
    %scan3A_19 = arith.addi %scan3A_17, %scan3A_18 : i32
    %scan3A_20 = arith.constant 1 : i32
    scf.for %scan3A_44 = %scan3A_17 to %scan3A_19 step %scan3A_20  : i32 {
      %mul3A_45 = arith.constant 2 : i32
      %mul3A_46 = arith.muli %mul3A_45, %scan3A_44 : i32
      %add3A_47 = arith.constant 1 : i32
      %add3A_48 = arith.addi %mul3A_46, %add3A_47 : i32
      %dma_start3A_49 = arith.constant 1 : i32
      %dma_start3A_50 = arith.constant 1 : i32
      %dma_start3A_51 = arith.constant 0 : i32
      %dma_start3A_52 = arith.constant 0 : i32
      %dma_start3A_53 = tpu.memref_slice %arg9[%dma_start3A_49, %dma_start3A_51, %dma_start3A_52] : memref<2x128x128xf32, #tpu.memory_space<vmem>> -> memref<1x128x128xf32, #tpu.memory_space<vmem>>
      %dma_start3A_54 = tpu.memref_squeeze %dma_start3A_53 : memref<1x128x128xf32, #tpu.memory_space<vmem>> -> memref<128x128xf32, #tpu.memory_space<vmem>>
      %dma_start3A_55 = arith.constant 0 : i32
      %dma_start3A_56 = tpu.memref_slice %arg7[%add3A_48, %dma_start3A_55] : memref<40x128xi32, #tpu.memory_space<vmem>> -> memref<1x128xi32, #tpu.memory_space<vmem>>
      %dma_start3A_57 = tpu.memref_squeeze %dma_start3A_56 : memref<1x128xi32, #tpu.memory_space<vmem>> -> memref<128xi32, #tpu.memory_space<vmem>>
      %dma_start3A_58 = arith.constant 0 : i32
      %dma_start3A_59 = arith.constant 0 : i32
      %dma_start3A_60 = tpu.memref_slice %arg2[%dma_start3A_58, %dma_start3A_59] : memref<10000x128xf32, #tpu.memory_space<hbm>> -> memref<10000x128xf32, #tpu.memory_space<hbm>>
      %dma_start3A_61 = tpu.memref_slice %arg11[%dma_start3A_50] : memref<2x!tpu.dma_semaphore, #tpu.memory_space<semaphore_mem>> -> memref<1x!tpu.dma_semaphore, #tpu.memory_space<semaphore_mem>>
      %dma_start3A_62 = tpu.memref_squeeze %dma_start3A_61 : memref<1x!tpu.dma_semaphore, #tpu.memory_space<semaphore_mem>> -> memref<!tpu.dma_semaphore, #tpu.memory_space<semaphore_mem>>
      tpu.enqueue_indirect_dma source(%dma_start3A_60 : memref<10000x128xf32, #tpu.memory_space<hbm>>) target(%dma_start3A_54 : memref<128x128xf32, #tpu.memory_space<vmem>>) offsets(%dma_start3A_57 : memref<128xi32, #tpu.memory_space<vmem>>) semaphore(%dma_start3A_62 : memref<!tpu.dma_semaphore, #tpu.memory_space<semaphore_mem>>)
      %dma_wait3A = arith.constant 0 : i32
      %dma_wait3A_63 = arith.constant 0 : i32
      %dma_wait3A_64 = arith.constant 0 : i32
      %dma_wait3A_65 = arith.constant 0 : i32
      %dma_wait3A_66 = tpu.memref_slice %arg9[%dma_wait3A, %dma_wait3A_64, %dma_wait3A_65] : memref<2x128x128xf32, #tpu.memory_space<vmem>> -> memref<1x128x128xf32, #tpu.memory_space<vmem>>
      %dma_wait3A_67 = tpu.memref_squeeze %dma_wait3A_66 : memref<1x128x128xf32, #tpu.memory_space<vmem>> -> memref<128x128xf32, #tpu.memory_space<vmem>>
      %dma_wait3A_68 = arith.constant 0 : i32
      %dma_wait3A_69 = tpu.memref_slice %arg7[%mul3A_46, %dma_wait3A_68] : memref<40x128xi32, #tpu.memory_space<vmem>> -> memref<1x128xi32, #tpu.memory_space<vmem>>
      %dma_wait3A_70 = tpu.memref_squeeze %dma_wait3A_69 : memref<1x128xi32, #tpu.memory_space<vmem>> -> memref<128xi32, #tpu.memory_space<vmem>>
      %dma_wait3A_71 = arith.constant 0 : i32
      %dma_wait3A_72 = arith.constant 0 : i32
      %dma_wait3A_73 = tpu.memref_slice %arg2[%dma_wait3A_71, %dma_wait3A_72] : memref<10000x128xf32, #tpu.memory_space<hbm>> -> memref<10000x128xf32, #tpu.memory_space<hbm>>
      %dma_wait3A_74 = tpu.memref_slice %arg11[%dma_wait3A_63] : memref<2x!tpu.dma_semaphore, #tpu.memory_space<semaphore_mem>> -> memref<1x!tpu.dma_semaphore, #tpu.memory_space<semaphore_mem>>
      %dma_wait3A_75 = tpu.memref_squeeze %dma_wait3A_74 : memref<1x!tpu.dma_semaphore, #tpu.memory_space<semaphore_mem>> -> memref<!tpu.dma_semaphore, #tpu.memory_space<semaphore_mem>>
      tpu.wait_indirect_dma semaphore(%dma_wait3A_75 : memref<!tpu.dma_semaphore, #tpu.memory_space<semaphore_mem>>) src(%dma_wait3A_73 : memref<10000x128xf32, #tpu.memory_space<hbm>>) dst(%dma_wait3A_67 : memref<128x128xf32, #tpu.memory_space<vmem>>)
      %run_scoped3A = arith.constant 0 : i32
      "tpu.region"() ({
        %run_scoped3A_99 = tpu.sem_alloc : memref<!tpu.dma_semaphore, #tpu.memory_space<semaphore_mem>>
        %dma_start3A_100 = arith.constant 0 : i32
        %dma_start3A_101 = arith.constant 0 : i32
        %dma_start3A_102 = tpu.memref_slice %arg9[%run_scoped3A, %dma_start3A_100, %dma_start3A_101] : memref<2x128x128xf32, #tpu.memory_space<vmem>> -> memref<1x128x128xf32, #tpu.memory_space<vmem>>
        %dma_start3A_103 = tpu.memref_squeeze %dma_start3A_102 : memref<1x128x128xf32, #tpu.memory_space<vmem>> -> memref<128x128xf32, #tpu.memory_space<vmem>>
        %dma_start3A_104 = arith.constant 0 : i32
        %dma_start3A_105 = tpu.memref_slice %arg8[%mul3A_46, %dma_start3A_104] : memref<40x128xi32, #tpu.memory_space<vmem>> -> memref<1x128xi32, #tpu.memory_space<vmem>>
        %dma_start3A_106 = tpu.memref_squeeze %dma_start3A_105 : memref<1x128xi32, #tpu.memory_space<vmem>> -> memref<128xi32, #tpu.memory_space<vmem>>
        %dma_start3A_107 = arith.constant 0 : i32
        %dma_start3A_108 = arith.constant 0 : i32
        %dma_start3A_109 = tpu.memref_slice %arg10[%dma_start3A_107, %dma_start3A_108] : memref<10112x128xf32, #tpu.memory_space<vmem_shared>> -> memref<10112x128xf32, #tpu.memory_space<vmem_shared>>
        tpu.enqueue_indirect_dma source(%dma_start3A_103 : memref<128x128xf32, #tpu.memory_space<vmem>>) target(%dma_start3A_109 : memref<10112x128xf32, #tpu.memory_space<vmem_shared>>) offsets(%dma_start3A_106 : memref<128xi32, #tpu.memory_space<vmem>>) semaphore(%run_scoped3A_99 : memref<!tpu.dma_semaphore, #tpu.memory_space<semaphore_mem>>) {add = true}
        %dma_wait3A_110 = arith.constant 0 : i32
        %dma_wait3A_111 = arith.constant 0 : i32
        %dma_wait3A_112 = tpu.memref_slice %arg9[%run_scoped3A, %dma_wait3A_110, %dma_wait3A_111] : memref<2x128x128xf32, #tpu.memory_space<vmem>> -> memref<1x128x128xf32, #tpu.memory_space<vmem>>
        %dma_wait3A_113 = tpu.memref_squeeze %dma_wait3A_112 : memref<1x128x128xf32, #tpu.memory_space<vmem>> -> memref<128x128xf32, #tpu.memory_space<vmem>>
        %dma_wait3A_114 = arith.constant 0 : i32
        %dma_wait3A_115 = tpu.memref_slice %arg8[%mul3A_46, %dma_wait3A_114] : memref<40x128xi32, #tpu.memory_space<vmem>> -> memref<1x128xi32, #tpu.memory_space<vmem>>
        %dma_wait3A_116 = tpu.memref_squeeze %dma_wait3A_115 : memref<1x128xi32, #tpu.memory_space<vmem>> -> memref<128xi32, #tpu.memory_space<vmem>>
        %dma_wait3A_117 = arith.constant 0 : i32
        %dma_wait3A_118 = arith.constant 0 : i32
        %dma_wait3A_119 = tpu.memref_slice %arg10[%dma_wait3A_117, %dma_wait3A_118] : memref<10112x128xf32, #tpu.memory_space<vmem_shared>> -> memref<10112x128xf32, #tpu.memory_space<vmem_shared>>
        tpu.wait_indirect_dma semaphore(%run_scoped3A_99 : memref<!tpu.dma_semaphore, #tpu.memory_space<semaphore_mem>>) src(%dma_wait3A_113 : memref<128x128xf32, #tpu.memory_space<vmem>>) dst(%dma_wait3A_119 : memref<10112x128xf32, #tpu.memory_space<vmem_shared>>)
        tpu.yield
      }) : () -> ()
      %add3A_76 = arith.constant 1 : i32
      %add3A_77 = arith.addi %scan3A_44, %add3A_76 : i32
      %lt3A = arith.constant 20 : i32
      %lt3A_78 = arith.cmpi slt, %add3A_77, %lt3A : i32
      %convert_element_type3A = arith.extui %lt3A_78 : i1 to i32
      %cond3A = arith.constant 0 : i32
      %cond3A_79 = arith.cmpi ne, %convert_element_type3A, %cond3A : i32
      scf.if %cond3A_79 {
        %add3A_99 = arith.constant 2 : i32
        %add3A_100 = arith.addi %mul3A_46, %add3A_99 : i32
        %dma_start3A_101 = arith.constant 0 : i32
        %dma_start3A_102 = arith.constant 0 : i32
        %dma_start3A_103 = arith.constant 0 : i32
        %dma_start3A_104 = arith.constant 0 : i32
        %dma_start3A_105 = tpu.memref_slice %arg9[%dma_start3A_101, %dma_start3A_103, %dma_start3A_104] : memref<2x128x128xf32, #tpu.memory_space<vmem>> -> memref<1x128x128xf32, #tpu.memory_space<vmem>>
        %dma_start3A_106 = tpu.memref_squeeze %dma_start3A_105 : memref<1x128x128xf32, #tpu.memory_space<vmem>> -> memref<128x128xf32, #tpu.memory_space<vmem>>
        %dma_start3A_107 = arith.constant 0 : i32
        %dma_start3A_108 = tpu.memref_slice %arg7[%add3A_100, %dma_start3A_107] : memref<40x128xi32, #tpu.memory_space<vmem>> -> memref<1x128xi32, #tpu.memory_space<vmem>>
        %dma_start3A_109 = tpu.memref_squeeze %dma_start3A_108 : memref<1x128xi32, #tpu.memory_space<vmem>> -> memref<128xi32, #tpu.memory_space<vmem>>
        %dma_start3A_110 = arith.constant 0 : i32
        %dma_start3A_111 = arith.constant 0 : i32
        %dma_start3A_112 = tpu.memref_slice %arg2[%dma_start3A_110, %dma_start3A_111] : memref<10000x128xf32, #tpu.memory_space<hbm>> -> memref<10000x128xf32, #tpu.memory_space<hbm>>
        %dma_start3A_113 = tpu.memref_slice %arg11[%dma_start3A_102] : memref<2x!tpu.dma_semaphore, #tpu.memory_space<semaphore_mem>> -> memref<1x!tpu.dma_semaphore, #tpu.memory_space<semaphore_mem>>
        %dma_start3A_114 = tpu.memref_squeeze %dma_start3A_113 : memref<1x!tpu.dma_semaphore, #tpu.memory_space<semaphore_mem>> -> memref<!tpu.dma_semaphore, #tpu.memory_space<semaphore_mem>>
        tpu.enqueue_indirect_dma source(%dma_start3A_112 : memref<10000x128xf32, #tpu.memory_space<hbm>>) target(%dma_start3A_106 : memref<128x128xf32, #tpu.memory_space<vmem>>) offsets(%dma_start3A_109 : memref<128xi32, #tpu.memory_space<vmem>>) semaphore(%dma_start3A_114 : memref<!tpu.dma_semaphore, #tpu.memory_space<semaphore_mem>>)
      } else {
      }
      %add3A_80 = arith.constant 1 : i32
      %add3A_81 = arith.addi %mul3A_46, %add3A_80 : i32
      %dma_wait3A_82 = arith.constant 1 : i32
      %dma_wait3A_83 = arith.constant 1 : i32
      %dma_wait3A_84 = arith.constant 0 : i32
      %dma_wait3A_85 = arith.constant 0 : i32
      %dma_wait3A_86 = tpu.memref_slice %arg9[%dma_wait3A_82, %dma_wait3A_84, %dma_wait3A_85] : memref<2x128x128xf32, #tpu.memory_space<vmem>> -> memref<1x128x128xf32, #tpu.memory_space<vmem>>
      %dma_wait3A_87 = tpu.memref_squeeze %dma_wait3A_86 : memref<1x128x128xf32, #tpu.memory_space<vmem>> -> memref<128x128xf32, #tpu.memory_space<vmem>>
      %dma_wait3A_88 = arith.constant 0 : i32
      %dma_wait3A_89 = tpu.memref_slice %arg7[%add3A_81, %dma_wait3A_88] : memref<40x128xi32, #tpu.memory_space<vmem>> -> memref<1x128xi32, #tpu.memory_space<vmem>>
      %dma_wait3A_90 = tpu.memref_squeeze %dma_wait3A_89 : memref<1x128xi32, #tpu.memory_space<vmem>> -> memref<128xi32, #tpu.memory_space<vmem>>
      %dma_wait3A_91 = arith.constant 0 : i32
      %dma_wait3A_92 = arith.constant 0 : i32
      %dma_wait3A_93 = tpu.memref_slice %arg2[%dma_wait3A_91, %dma_wait3A_92] : memref<10000x128xf32, #tpu.memory_space<hbm>> -> memref<10000x128xf32, #tpu.memory_space<hbm>>
      %dma_wait3A_94 = tpu.memref_slice %arg11[%dma_wait3A_83] : memref<2x!tpu.dma_semaphore, #tpu.memory_space<semaphore_mem>> -> memref<1x!tpu.dma_semaphore, #tpu.memory_space<semaphore_mem>>
      %dma_wait3A_95 = tpu.memref_squeeze %dma_wait3A_94 : memref<1x!tpu.dma_semaphore, #tpu.memory_space<semaphore_mem>> -> memref<!tpu.dma_semaphore, #tpu.memory_space<semaphore_mem>>
      tpu.wait_indirect_dma semaphore(%dma_wait3A_95 : memref<!tpu.dma_semaphore, #tpu.memory_space<semaphore_mem>>) src(%dma_wait3A_93 : memref<10000x128xf32, #tpu.memory_space<hbm>>) dst(%dma_wait3A_87 : memref<128x128xf32, #tpu.memory_space<vmem>>)
      %add3A_96 = arith.constant 1 : i32
      %add3A_97 = arith.addi %mul3A_46, %add3A_96 : i32
      %run_scoped3A_98 = arith.constant 1 : i32
      "tpu.region"() ({
        %run_scoped3A_99 = tpu.sem_alloc : memref<!tpu.dma_semaphore, #tpu.memory_space<semaphore_mem>>
        %dma_start3A_100 = arith.constant 0 : i32
        %dma_start3A_101 = arith.constant 0 : i32
        %dma_start3A_102 = tpu.memref_slice %arg9[%run_scoped3A_98, %dma_start3A_100, %dma_start3A_101] : memref<2x128x128xf32, #tpu.memory_space<vmem>> -> memref<1x128x128xf32, #tpu.memory_space<vmem>>
        %dma_start3A_103 = tpu.memref_squeeze %dma_start3A_102 : memref<1x128x128xf32, #tpu.memory_space<vmem>> -> memref<128x128xf32, #tpu.memory_space<vmem>>
        %dma_start3A_104 = arith.constant 0 : i32
        %dma_start3A_105 = tpu.memref_slice %arg8[%add3A_97, %dma_start3A_104] : memref<40x128xi32, #tpu.memory_space<vmem>> -> memref<1x128xi32, #tpu.memory_space<vmem>>
        %dma_start3A_106 = tpu.memref_squeeze %dma_start3A_105 : memref<1x128xi32, #tpu.memory_space<vmem>> -> memref<128xi32, #tpu.memory_space<vmem>>
        %dma_start3A_107 = arith.constant 0 : i32
        %dma_start3A_108 = arith.constant 0 : i32
        %dma_start3A_109 = tpu.memref_slice %arg10[%dma_start3A_107, %dma_start3A_108] : memref<10112x128xf32, #tpu.memory_space<vmem_shared>> -> memref<10112x128xf32, #tpu.memory_space<vmem_shared>>
        tpu.enqueue_indirect_dma source(%dma_start3A_103 : memref<128x128xf32, #tpu.memory_space<vmem>>) target(%dma_start3A_109 : memref<10112x128xf32, #tpu.memory_space<vmem_shared>>) offsets(%dma_start3A_106 : memref<128xi32, #tpu.memory_space<vmem>>) semaphore(%run_scoped3A_99 : memref<!tpu.dma_semaphore, #tpu.memory_space<semaphore_mem>>) {add = true}
        %dma_wait3A_110 = arith.constant 0 : i32
        %dma_wait3A_111 = arith.constant 0 : i32
        %dma_wait3A_112 = tpu.memref_slice %arg9[%run_scoped3A_98, %dma_wait3A_110, %dma_wait3A_111] : memref<2x128x128xf32, #tpu.memory_space<vmem>> -> memref<1x128x128xf32, #tpu.memory_space<vmem>>
        %dma_wait3A_113 = tpu.memref_squeeze %dma_wait3A_112 : memref<1x128x128xf32, #tpu.memory_space<vmem>> -> memref<128x128xf32, #tpu.memory_space<vmem>>
        %dma_wait3A_114 = arith.constant 0 : i32
        %dma_wait3A_115 = tpu.memref_slice %arg8[%add3A_97, %dma_wait3A_114] : memref<40x128xi32, #tpu.memory_space<vmem>> -> memref<1x128xi32, #tpu.memory_space<vmem>>
        %dma_wait3A_116 = tpu.memref_squeeze %dma_wait3A_115 : memref<1x128xi32, #tpu.memory_space<vmem>> -> memref<128xi32, #tpu.memory_space<vmem>>
        %dma_wait3A_117 = arith.constant 0 : i32
        %dma_wait3A_118 = arith.constant 0 : i32
        %dma_wait3A_119 = tpu.memref_slice %arg10[%dma_wait3A_117, %dma_wait3A_118] : memref<10112x128xf32, #tpu.memory_space<vmem_shared>> -> memref<10112x128xf32, #tpu.memory_space<vmem_shared>>
        tpu.wait_indirect_dma semaphore(%run_scoped3A_99 : memref<!tpu.dma_semaphore, #tpu.memory_space<semaphore_mem>>) src(%dma_wait3A_113 : memref<128x128xf32, #tpu.memory_space<vmem>>) dst(%dma_wait3A_119 : memref<10112x128xf32, #tpu.memory_space<vmem_shared>>)
        tpu.yield
      }) : () -> ()
    }
    %scan3A_21 = arith.constant 20 : i32
    "tpu.region"() ({
      %run_scoped3A = tpu.sem_alloc : memref<!tpu.dma_semaphore, #tpu.memory_space<semaphore_mem>>
      %dma_start3A_44 = arith.constant 40 : i32
      %dma_start3A_45 = arith.constant 0 : i32
      %dma_start3A_46 = tpu.memref_slice %arg3[%add3A, %dma_start3A_44, %dma_start3A_45] : memref<32x80x128xi32, #tpu.memory_space<hbm>> -> memref<1x40x128xi32, #tpu.memory_space<hbm>>
      %dma_start3A_47 = tpu.memref_squeeze %dma_start3A_46 : memref<1x40x128xi32, #tpu.memory_space<hbm>> -> memref<40x128xi32, #tpu.memory_space<hbm>>
      %dma_start3A_48 = arith.constant 40 : i32
      %dma_start3A_49 = arith.constant 0 : i32
      %dma_start3A_50 = tpu.memref_slice %arg3[%add3A, %dma_start3A_48, %dma_start3A_49] : memref<32x80x128xi32, #tpu.memory_space<hbm>> -> memref<1x40x128xi32, #tpu.memory_space<hbm>>
      %dma_start3A_51 = tpu.memref_squeeze %dma_start3A_50 : memref<1x40x128xi32, #tpu.memory_space<hbm>> -> memref<40x128xi32, #tpu.memory_space<hbm>>
      tpu.enqueue_dma source(%dma_start3A_51 : memref<40x128xi32, #tpu.memory_space<hbm>>) target(%arg7 : memref<40x128xi32, #tpu.memory_space<vmem>>) target_semaphore(%run_scoped3A : memref<!tpu.dma_semaphore, #tpu.memory_space<semaphore_mem>>)
      %dma_wait3A = arith.constant 40 : i32
      %dma_wait3A_52 = arith.constant 0 : i32
      %dma_wait3A_53 = tpu.memref_slice %arg3[%add3A, %dma_wait3A, %dma_wait3A_52] : memref<32x80x128xi32, #tpu.memory_space<hbm>> -> memref<1x40x128xi32, #tpu.memory_space<hbm>>
      %dma_wait3A_54 = tpu.memref_squeeze %dma_wait3A_53 : memref<1x40x128xi32, #tpu.memory_space<hbm>> -> memref<40x128xi32, #tpu.memory_space<hbm>>
      %dma_wait3A_55 = arith.constant 40 : i32
      %dma_wait3A_56 = arith.constant 0 : i32
      %dma_wait3A_57 = tpu.memref_slice %arg3[%add3A, %dma_wait3A_55, %dma_wait3A_56] : memref<32x80x128xi32, #tpu.memory_space<hbm>> -> memref<1x40x128xi32, #tpu.memory_space<hbm>>
      %dma_wait3A_58 = tpu.memref_squeeze %dma_wait3A_57 : memref<1x40x128xi32, #tpu.memory_space<hbm>> -> memref<40x128xi32, #tpu.memory_space<hbm>>
      tpu.wait_dma2 semaphore(%run_scoped3A : memref<!tpu.dma_semaphore, #tpu.memory_space<semaphore_mem>>) src(%dma_wait3A_58 : memref<40x128xi32, #tpu.memory_space<hbm>>) dst(%arg7 : memref<40x128xi32, #tpu.memory_space<vmem>>)
      tpu.yield
    }) : () -> ()
    "tpu.region"() ({
      %run_scoped3A = tpu.sem_alloc : memref<!tpu.dma_semaphore, #tpu.memory_space<semaphore_mem>>
      %dma_start3A_44 = arith.constant 40 : i32
      %dma_start3A_45 = arith.constant 0 : i32
      %dma_start3A_46 = tpu.memref_slice %arg4[%add3A, %dma_start3A_44, %dma_start3A_45] : memref<32x80x128xi32, #tpu.memory_space<hbm>> -> memref<1x40x128xi32, #tpu.memory_space<hbm>>
      %dma_start3A_47 = tpu.memref_squeeze %dma_start3A_46 : memref<1x40x128xi32, #tpu.memory_space<hbm>> -> memref<40x128xi32, #tpu.memory_space<hbm>>
      %dma_start3A_48 = arith.constant 40 : i32
      %dma_start3A_49 = arith.constant 0 : i32
      %dma_start3A_50 = tpu.memref_slice %arg4[%add3A, %dma_start3A_48, %dma_start3A_49] : memref<32x80x128xi32, #tpu.memory_space<hbm>> -> memref<1x40x128xi32, #tpu.memory_space<hbm>>
      %dma_start3A_51 = tpu.memref_squeeze %dma_start3A_50 : memref<1x40x128xi32, #tpu.memory_space<hbm>> -> memref<40x128xi32, #tpu.memory_space<hbm>>
      tpu.enqueue_dma source(%dma_start3A_51 : memref<40x128xi32, #tpu.memory_space<hbm>>) target(%arg8 : memref<40x128xi32, #tpu.memory_space<vmem>>) target_semaphore(%run_scoped3A : memref<!tpu.dma_semaphore, #tpu.memory_space<semaphore_mem>>)
      %dma_wait3A = arith.constant 40 : i32
      %dma_wait3A_52 = arith.constant 0 : i32
      %dma_wait3A_53 = tpu.memref_slice %arg4[%add3A, %dma_wait3A, %dma_wait3A_52] : memref<32x80x128xi32, #tpu.memory_space<hbm>> -> memref<1x40x128xi32, #tpu.memory_space<hbm>>
      %dma_wait3A_54 = tpu.memref_squeeze %dma_wait3A_53 : memref<1x40x128xi32, #tpu.memory_space<hbm>> -> memref<40x128xi32, #tpu.memory_space<hbm>>
      %dma_wait3A_55 = arith.constant 40 : i32
      %dma_wait3A_56 = arith.constant 0 : i32
      %dma_wait3A_57 = tpu.memref_slice %arg4[%add3A, %dma_wait3A_55, %dma_wait3A_56] : memref<32x80x128xi32, #tpu.memory_space<hbm>> -> memref<1x40x128xi32, #tpu.memory_space<hbm>>
      %dma_wait3A_58 = tpu.memref_squeeze %dma_wait3A_57 : memref<1x40x128xi32, #tpu.memory_space<hbm>> -> memref<40x128xi32, #tpu.memory_space<hbm>>
      tpu.wait_dma2 semaphore(%run_scoped3A : memref<!tpu.dma_semaphore, #tpu.memory_space<semaphore_mem>>) src(%dma_wait3A_58 : memref<40x128xi32, #tpu.memory_space<hbm>>) dst(%arg8 : memref<40x128xi32, #tpu.memory_space<vmem>>)
      tpu.yield
    }) : () -> ()
    %dma_start3A_22 = arith.constant 0 : i32
    %dma_start3A_23 = arith.constant 0 : i32
    %dma_start3A_24 = arith.constant 0 : i32
    %dma_start3A_25 = arith.constant 0 : i32
    %dma_start3A_26 = arith.constant 0 : i32
    %dma_start3A_27 = tpu.memref_slice %arg9[%dma_start3A_23, %dma_start3A_25, %dma_start3A_26] : memref<2x128x128xf32, #tpu.memory_space<vmem>> -> memref<1x128x128xf32, #tpu.memory_space<vmem>>
    %dma_start3A_28 = tpu.memref_squeeze %dma_start3A_27 : memref<1x128x128xf32, #tpu.memory_space<vmem>> -> memref<128x128xf32, #tpu.memory_space<vmem>>
    %dma_start3A_29 = arith.constant 0 : i32
    %dma_start3A_30 = tpu.memref_slice %arg7[%dma_start3A_22, %dma_start3A_29] : memref<40x128xi32, #tpu.memory_space<vmem>> -> memref<1x128xi32, #tpu.memory_space<vmem>>
    %dma_start3A_31 = tpu.memref_squeeze %dma_start3A_30 : memref<1x128xi32, #tpu.memory_space<vmem>> -> memref<128xi32, #tpu.memory_space<vmem>>
    %dma_start3A_32 = arith.constant 0 : i32
    %dma_start3A_33 = arith.constant 0 : i32
    %dma_start3A_34 = tpu.memref_slice %arg2[%dma_start3A_32, %dma_start3A_33] : memref<10000x128xf32, #tpu.memory_space<hbm>> -> memref<10000x128xf32, #tpu.memory_space<hbm>>
    %dma_start3A_35 = tpu.memref_slice %arg11[%dma_start3A_24] : memref<2x!tpu.dma_semaphore, #tpu.memory_space<semaphore_mem>> -> memref<1x!tpu.dma_semaphore, #tpu.memory_space<semaphore_mem>>
    %dma_start3A_36 = tpu.memref_squeeze %dma_start3A_35 : memref<1x!tpu.dma_semaphore, #tpu.memory_space<semaphore_mem>> -> memref<!tpu.dma_semaphore, #tpu.memory_space<semaphore_mem>>
    tpu.enqueue_indirect_dma source(%dma_start3A_34 : memref<10000x128xf32, #tpu.memory_space<hbm>>) target(%dma_start3A_28 : memref<128x128xf32, #tpu.memory_space<vmem>>) offsets(%dma_start3A_31 : memref<128xi32, #tpu.memory_space<vmem>>) semaphore(%dma_start3A_36 : memref<!tpu.dma_semaphore, #tpu.memory_space<semaphore_mem>>)
    %scan3A_37 = arith.constant 0 : i32
    %scan3A_38 = arith.constant 0 : i32
    %scan3A_39 = arith.constant 20 : i32
    %scan3A_40 = arith.addi %scan3A_38, %scan3A_39 : i32
    %scan3A_41 = arith.constant 1 : i32
    scf.for %scan3A_44 = %scan3A_38 to %scan3A_40 step %scan3A_41  : i32 {
      %mul3A_45 = arith.constant 2 : i32
      %mul3A_46 = arith.muli %mul3A_45, %scan3A_44 : i32
      %add3A_47 = arith.constant 1 : i32
      %add3A_48 = arith.addi %mul3A_46, %add3A_47 : i32
      %dma_start3A_49 = arith.constant 1 : i32
      %dma_start3A_50 = arith.constant 1 : i32
      %dma_start3A_51 = arith.constant 0 : i32
      %dma_start3A_52 = arith.constant 0 : i32
      %dma_start3A_53 = tpu.memref_slice %arg9[%dma_start3A_49, %dma_start3A_51, %dma_start3A_52] : memref<2x128x128xf32, #tpu.memory_space<vmem>> -> memref<1x128x128xf32, #tpu.memory_space<vmem>>
      %dma_start3A_54 = tpu.memref_squeeze %dma_start3A_53 : memref<1x128x128xf32, #tpu.memory_space<vmem>> -> memref<128x128xf32, #tpu.memory_space<vmem>>
      %dma_start3A_55 = arith.constant 0 : i32
      %dma_start3A_56 = tpu.memref_slice %arg7[%add3A_48, %dma_start3A_55] : memref<40x128xi32, #tpu.memory_space<vmem>> -> memref<1x128xi32, #tpu.memory_space<vmem>>
      %dma_start3A_57 = tpu.memref_squeeze %dma_start3A_56 : memref<1x128xi32, #tpu.memory_space<vmem>> -> memref<128xi32, #tpu.memory_space<vmem>>
      %dma_start3A_58 = arith.constant 0 : i32
      %dma_start3A_59 = arith.constant 0 : i32
      %dma_start3A_60 = tpu.memref_slice %arg2[%dma_start3A_58, %dma_start3A_59] : memref<10000x128xf32, #tpu.memory_space<hbm>> -> memref<10000x128xf32, #tpu.memory_space<hbm>>
      %dma_start3A_61 = tpu.memref_slice %arg11[%dma_start3A_50] : memref<2x!tpu.dma_semaphore, #tpu.memory_space<semaphore_mem>> -> memref<1x!tpu.dma_semaphore, #tpu.memory_space<semaphore_mem>>
      %dma_start3A_62 = tpu.memref_squeeze %dma_start3A_61 : memref<1x!tpu.dma_semaphore, #tpu.memory_space<semaphore_mem>> -> memref<!tpu.dma_semaphore, #tpu.memory_space<semaphore_mem>>
      tpu.enqueue_indirect_dma source(%dma_start3A_60 : memref<10000x128xf32, #tpu.memory_space<hbm>>) target(%dma_start3A_54 : memref<128x128xf32, #tpu.memory_space<vmem>>) offsets(%dma_start3A_57 : memref<128xi32, #tpu.memory_space<vmem>>) semaphore(%dma_start3A_62 : memref<!tpu.dma_semaphore, #tpu.memory_space<semaphore_mem>>)
      %dma_wait3A = arith.constant 0 : i32
      %dma_wait3A_63 = arith.constant 0 : i32
      %dma_wait3A_64 = arith.constant 0 : i32
      %dma_wait3A_65 = arith.constant 0 : i32
      %dma_wait3A_66 = tpu.memref_slice %arg9[%dma_wait3A, %dma_wait3A_64, %dma_wait3A_65] : memref<2x128x128xf32, #tpu.memory_space<vmem>> -> memref<1x128x128xf32, #tpu.memory_space<vmem>>
      %dma_wait3A_67 = tpu.memref_squeeze %dma_wait3A_66 : memref<1x128x128xf32, #tpu.memory_space<vmem>> -> memref<128x128xf32, #tpu.memory_space<vmem>>
      %dma_wait3A_68 = arith.constant 0 : i32
      %dma_wait3A_69 = tpu.memref_slice %arg7[%mul3A_46, %dma_wait3A_68] : memref<40x128xi32, #tpu.memory_space<vmem>> -> memref<1x128xi32, #tpu.memory_space<vmem>>
      %dma_wait3A_70 = tpu.memref_squeeze %dma_wait3A_69 : memref<1x128xi32, #tpu.memory_space<vmem>> -> memref<128xi32, #tpu.memory_space<vmem>>
      %dma_wait3A_71 = arith.constant 0 : i32
      %dma_wait3A_72 = arith.constant 0 : i32
      %dma_wait3A_73 = tpu.memref_slice %arg2[%dma_wait3A_71, %dma_wait3A_72] : memref<10000x128xf32, #tpu.memory_space<hbm>> -> memref<10000x128xf32, #tpu.memory_space<hbm>>
      %dma_wait3A_74 = tpu.memref_slice %arg11[%dma_wait3A_63] : memref<2x!tpu.dma_semaphore, #tpu.memory_space<semaphore_mem>> -> memref<1x!tpu.dma_semaphore, #tpu.memory_space<semaphore_mem>>
      %dma_wait3A_75 = tpu.memref_squeeze %dma_wait3A_74 : memref<1x!tpu.dma_semaphore, #tpu.memory_space<semaphore_mem>> -> memref<!tpu.dma_semaphore, #tpu.memory_space<semaphore_mem>>
      tpu.wait_indirect_dma semaphore(%dma_wait3A_75 : memref<!tpu.dma_semaphore, #tpu.memory_space<semaphore_mem>>) src(%dma_wait3A_73 : memref<10000x128xf32, #tpu.memory_space<hbm>>) dst(%dma_wait3A_67 : memref<128x128xf32, #tpu.memory_space<vmem>>)
      %run_scoped3A = arith.constant 0 : i32
      "tpu.region"() ({
        %run_scoped3A_99 = tpu.sem_alloc : memref<!tpu.dma_semaphore, #tpu.memory_space<semaphore_mem>>
        %dma_start3A_100 = arith.constant 0 : i32
        %dma_start3A_101 = arith.constant 0 : i32
        %dma_start3A_102 = tpu.memref_slice %arg9[%run_scoped3A, %dma_start3A_100, %dma_start3A_101] : memref<2x128x128xf32, #tpu.memory_space<vmem>> -> memref<1x128x128xf32, #tpu.memory_space<vmem>>
        %dma_start3A_103 = tpu.memref_squeeze %dma_start3A_102 : memref<1x128x128xf32, #tpu.memory_space<vmem>> -> memref<128x128xf32, #tpu.memory_space<vmem>>
        %dma_start3A_104 = arith.constant 0 : i32
        %dma_start3A_105 = tpu.memref_slice %arg8[%mul3A_46, %dma_start3A_104] : memref<40x128xi32, #tpu.memory_space<vmem>> -> memref<1x128xi32, #tpu.memory_space<vmem>>
        %dma_start3A_106 = tpu.memref_squeeze %dma_start3A_105 : memref<1x128xi32, #tpu.memory_space<vmem>> -> memref<128xi32, #tpu.memory_space<vmem>>
        %dma_start3A_107 = arith.constant 0 : i32
        %dma_start3A_108 = arith.constant 0 : i32
        %dma_start3A_109 = tpu.memref_slice %arg10[%dma_start3A_107, %dma_start3A_108] : memref<10112x128xf32, #tpu.memory_space<vmem_shared>> -> memref<10112x128xf32, #tpu.memory_space<vmem_shared>>
        tpu.enqueue_indirect_dma source(%dma_start3A_103 : memref<128x128xf32, #tpu.memory_space<vmem>>) target(%dma_start3A_109 : memref<10112x128xf32, #tpu.memory_space<vmem_shared>>) offsets(%dma_start3A_106 : memref<128xi32, #tpu.memory_space<vmem>>) semaphore(%run_scoped3A_99 : memref<!tpu.dma_semaphore, #tpu.memory_space<semaphore_mem>>) {add = true}
        %dma_wait3A_110 = arith.constant 0 : i32
        %dma_wait3A_111 = arith.constant 0 : i32
        %dma_wait3A_112 = tpu.memref_slice %arg9[%run_scoped3A, %dma_wait3A_110, %dma_wait3A_111] : memref<2x128x128xf32, #tpu.memory_space<vmem>> -> memref<1x128x128xf32, #tpu.memory_space<vmem>>
        %dma_wait3A_113 = tpu.memref_squeeze %dma_wait3A_112 : memref<1x128x128xf32, #tpu.memory_space<vmem>> -> memref<128x128xf32, #tpu.memory_space<vmem>>
        %dma_wait3A_114 = arith.constant 0 : i32
        %dma_wait3A_115 = tpu.memref_slice %arg8[%mul3A_46, %dma_wait3A_114] : memref<40x128xi32, #tpu.memory_space<vmem>> -> memref<1x128xi32, #tpu.memory_space<vmem>>
        %dma_wait3A_116 = tpu.memref_squeeze %dma_wait3A_115 : memref<1x128xi32, #tpu.memory_space<vmem>> -> memref<128xi32, #tpu.memory_space<vmem>>
        %dma_wait3A_117 = arith.constant 0 : i32
        %dma_wait3A_118 = arith.constant 0 : i32
        %dma_wait3A_119 = tpu.memref_slice %arg10[%dma_wait3A_117, %dma_wait3A_118] : memref<10112x128xf32, #tpu.memory_space<vmem_shared>> -> memref<10112x128xf32, #tpu.memory_space<vmem_shared>>
        tpu.wait_indirect_dma semaphore(%run_scoped3A_99 : memref<!tpu.dma_semaphore, #tpu.memory_space<semaphore_mem>>) src(%dma_wait3A_113 : memref<128x128xf32, #tpu.memory_space<vmem>>) dst(%dma_wait3A_119 : memref<10112x128xf32, #tpu.memory_space<vmem_shared>>)
        tpu.yield
      }) : () -> ()
      %add3A_76 = arith.constant 1 : i32
      %add3A_77 = arith.addi %scan3A_44, %add3A_76 : i32
      %lt3A = arith.constant 20 : i32
      %lt3A_78 = arith.cmpi slt, %add3A_77, %lt3A : i32
      %convert_element_type3A = arith.extui %lt3A_78 : i1 to i32
      %cond3A = arith.constant 0 : i32
      %cond3A_79 = arith.cmpi ne, %convert_element_type3A, %cond3A : i32
      scf.if %cond3A_79 {
        %add3A_99 = arith.constant 2 : i32
        %add3A_100 = arith.addi %mul3A_46, %add3A_99 : i32
        %dma_start3A_101 = arith.constant 0 : i32
        %dma_start3A_102 = arith.constant 0 : i32
        %dma_start3A_103 = arith.constant 0 : i32
        %dma_start3A_104 = arith.constant 0 : i32
        %dma_start3A_105 = tpu.memref_slice %arg9[%dma_start3A_101, %dma_start3A_103, %dma_start3A_104] : memref<2x128x128xf32, #tpu.memory_space<vmem>> -> memref<1x128x128xf32, #tpu.memory_space<vmem>>
        %dma_start3A_106 = tpu.memref_squeeze %dma_start3A_105 : memref<1x128x128xf32, #tpu.memory_space<vmem>> -> memref<128x128xf32, #tpu.memory_space<vmem>>
        %dma_start3A_107 = arith.constant 0 : i32
        %dma_start3A_108 = tpu.memref_slice %arg7[%add3A_100, %dma_start3A_107] : memref<40x128xi32, #tpu.memory_space<vmem>> -> memref<1x128xi32, #tpu.memory_space<vmem>>
        %dma_start3A_109 = tpu.memref_squeeze %dma_start3A_108 : memref<1x128xi32, #tpu.memory_space<vmem>> -> memref<128xi32, #tpu.memory_space<vmem>>
        %dma_start3A_110 = arith.constant 0 : i32
        %dma_start3A_111 = arith.constant 0 : i32
        %dma_start3A_112 = tpu.memref_slice %arg2[%dma_start3A_110, %dma_start3A_111] : memref<10000x128xf32, #tpu.memory_space<hbm>> -> memref<10000x128xf32, #tpu.memory_space<hbm>>
        %dma_start3A_113 = tpu.memref_slice %arg11[%dma_start3A_102] : memref<2x!tpu.dma_semaphore, #tpu.memory_space<semaphore_mem>> -> memref<1x!tpu.dma_semaphore, #tpu.memory_space<semaphore_mem>>
        %dma_start3A_114 = tpu.memref_squeeze %dma_start3A_113 : memref<1x!tpu.dma_semaphore, #tpu.memory_space<semaphore_mem>> -> memref<!tpu.dma_semaphore, #tpu.memory_space<semaphore_mem>>
        tpu.enqueue_indirect_dma source(%dma_start3A_112 : memref<10000x128xf32, #tpu.memory_space<hbm>>) target(%dma_start3A_106 : memref<128x128xf32, #tpu.memory_space<vmem>>) offsets(%dma_start3A_109 : memref<128xi32, #tpu.memory_space<vmem>>) semaphore(%dma_start3A_114 : memref<!tpu.dma_semaphore, #tpu.memory_space<semaphore_mem>>)
      } else {
      }
      %add3A_80 = arith.constant 1 : i32
      %add3A_81 = arith.addi %mul3A_46, %add3A_80 : i32
      %dma_wait3A_82 = arith.constant 1 : i32
      %dma_wait3A_83 = arith.constant 1 : i32
      %dma_wait3A_84 = arith.constant 0 : i32
      %dma_wait3A_85 = arith.constant 0 : i32
      %dma_wait3A_86 = tpu.memref_slice %arg9[%dma_wait3A_82, %dma_wait3A_84, %dma_wait3A_85] : memref<2x128x128xf32, #tpu.memory_space<vmem>> -> memref<1x128x128xf32, #tpu.memory_space<vmem>>
      %dma_wait3A_87 = tpu.memref_squeeze %dma_wait3A_86 : memref<1x128x128xf32, #tpu.memory_space<vmem>> -> memref<128x128xf32, #tpu.memory_space<vmem>>
      %dma_wait3A_88 = arith.constant 0 : i32
      %dma_wait3A_89 = tpu.memref_slice %arg7[%add3A_81, %dma_wait3A_88] : memref<40x128xi32, #tpu.memory_space<vmem>> -> memref<1x128xi32, #tpu.memory_space<vmem>>
      %dma_wait3A_90 = tpu.memref_squeeze %dma_wait3A_89 : memref<1x128xi32, #tpu.memory_space<vmem>> -> memref<128xi32, #tpu.memory_space<vmem>>
      %dma_wait3A_91 = arith.constant 0 : i32
      %dma_wait3A_92 = arith.constant 0 : i32
      %dma_wait3A_93 = tpu.memref_slice %arg2[%dma_wait3A_91, %dma_wait3A_92] : memref<10000x128xf32, #tpu.memory_space<hbm>> -> memref<10000x128xf32, #tpu.memory_space<hbm>>
      %dma_wait3A_94 = tpu.memref_slice %arg11[%dma_wait3A_83] : memref<2x!tpu.dma_semaphore, #tpu.memory_space<semaphore_mem>> -> memref<1x!tpu.dma_semaphore, #tpu.memory_space<semaphore_mem>>
      %dma_wait3A_95 = tpu.memref_squeeze %dma_wait3A_94 : memref<1x!tpu.dma_semaphore, #tpu.memory_space<semaphore_mem>> -> memref<!tpu.dma_semaphore, #tpu.memory_space<semaphore_mem>>
      tpu.wait_indirect_dma semaphore(%dma_wait3A_95 : memref<!tpu.dma_semaphore, #tpu.memory_space<semaphore_mem>>) src(%dma_wait3A_93 : memref<10000x128xf32, #tpu.memory_space<hbm>>) dst(%dma_wait3A_87 : memref<128x128xf32, #tpu.memory_space<vmem>>)
      %add3A_96 = arith.constant 1 : i32
      %add3A_97 = arith.addi %mul3A_46, %add3A_96 : i32
      %run_scoped3A_98 = arith.constant 1 : i32
      "tpu.region"() ({
        %run_scoped3A_99 = tpu.sem_alloc : memref<!tpu.dma_semaphore, #tpu.memory_space<semaphore_mem>>
        %dma_start3A_100 = arith.constant 0 : i32
        %dma_start3A_101 = arith.constant 0 : i32
        %dma_start3A_102 = tpu.memref_slice %arg9[%run_scoped3A_98, %dma_start3A_100, %dma_start3A_101] : memref<2x128x128xf32, #tpu.memory_space<vmem>> -> memref<1x128x128xf32, #tpu.memory_space<vmem>>
        %dma_start3A_103 = tpu.memref_squeeze %dma_start3A_102 : memref<1x128x128xf32, #tpu.memory_space<vmem>> -> memref<128x128xf32, #tpu.memory_space<vmem>>
        %dma_start3A_104 = arith.constant 0 : i32
        %dma_start3A_105 = tpu.memref_slice %arg8[%add3A_97, %dma_start3A_104] : memref<40x128xi32, #tpu.memory_space<vmem>> -> memref<1x128xi32, #tpu.memory_space<vmem>>
        %dma_start3A_106 = tpu.memref_squeeze %dma_start3A_105 : memref<1x128xi32, #tpu.memory_space<vmem>> -> memref<128xi32, #tpu.memory_space<vmem>>
        %dma_start3A_107 = arith.constant 0 : i32
        %dma_start3A_108 = arith.constant 0 : i32
        %dma_start3A_109 = tpu.memref_slice %arg10[%dma_start3A_107, %dma_start3A_108] : memref<10112x128xf32, #tpu.memory_space<vmem_shared>> -> memref<10112x128xf32, #tpu.memory_space<vmem_shared>>
        tpu.enqueue_indirect_dma source(%dma_start3A_103 : memref<128x128xf32, #tpu.memory_space<vmem>>) target(%dma_start3A_109 : memref<10112x128xf32, #tpu.memory_space<vmem_shared>>) offsets(%dma_start3A_106 : memref<128xi32, #tpu.memory_space<vmem>>) semaphore(%run_scoped3A_99 : memref<!tpu.dma_semaphore, #tpu.memory_space<semaphore_mem>>) {add = true}
        %dma_wait3A_110 = arith.constant 0 : i32
        %dma_wait3A_111 = arith.constant 0 : i32
        %dma_wait3A_112 = tpu.memref_slice %arg9[%run_scoped3A_98, %dma_wait3A_110, %dma_wait3A_111] : memref<2x128x128xf32, #tpu.memory_space<vmem>> -> memref<1x128x128xf32, #tpu.memory_space<vmem>>
        %dma_wait3A_113 = tpu.memref_squeeze %dma_wait3A_112 : memref<1x128x128xf32, #tpu.memory_space<vmem>> -> memref<128x128xf32, #tpu.memory_space<vmem>>
        %dma_wait3A_114 = arith.constant 0 : i32
        %dma_wait3A_115 = tpu.memref_slice %arg8[%add3A_97, %dma_wait3A_114] : memref<40x128xi32, #tpu.memory_space<vmem>> -> memref<1x128xi32, #tpu.memory_space<vmem>>
        %dma_wait3A_116 = tpu.memref_squeeze %dma_wait3A_115 : memref<1x128xi32, #tpu.memory_space<vmem>> -> memref<128xi32, #tpu.memory_space<vmem>>
        %dma_wait3A_117 = arith.constant 0 : i32
        %dma_wait3A_118 = arith.constant 0 : i32
        %dma_wait3A_119 = tpu.memref_slice %arg10[%dma_wait3A_117, %dma_wait3A_118] : memref<10112x128xf32, #tpu.memory_space<vmem_shared>> -> memref<10112x128xf32, #tpu.memory_space<vmem_shared>>
        tpu.wait_indirect_dma semaphore(%run_scoped3A_99 : memref<!tpu.dma_semaphore, #tpu.memory_space<semaphore_mem>>) src(%dma_wait3A_113 : memref<128x128xf32, #tpu.memory_space<vmem>>) dst(%dma_wait3A_119 : memref<10112x128xf32, #tpu.memory_space<vmem_shared>>)
        tpu.yield
      }) : () -> ()
    }
    %scan3A_42 = arith.constant 20 : i32
    %barrier3A_43 = arith.constant 0 : index
    tpu.barrier barrier_id(%barrier3A_43)
    "tpu.region"() ({
      %run_scoped3A = tpu.sem_alloc : memref<!tpu.dma_semaphore, #tpu.memory_space<semaphore_mem>>
      %dma_start3A_44 = arith.constant 0 : i32
      %dma_start3A_45 = tpu.memref_slice %arg6[%arg0, %mul3A_2, %dma_start3A_44] : memref<2x10112x128xf32, #tpu.memory_space<hbm>> -> memref<1x632x128xf32, #tpu.memory_space<hbm>>
      %dma_start3A_46 = tpu.memref_squeeze %dma_start3A_45 : memref<1x632x128xf32, #tpu.memory_space<hbm>> -> memref<632x128xf32, #tpu.memory_space<hbm>>
      %dma_start3A_47 = arith.constant 0 : i32
      %dma_start3A_48 = tpu.memref_slice %arg10[%mul3A_2, %dma_start3A_47] : memref<10112x128xf32, #tpu.memory_space<vmem_shared>> -> memref<632x128xf32, #tpu.memory_space<vmem_shared>>
      tpu.enqueue_dma source(%dma_start3A_48 : memref<632x128xf32, #tpu.memory_space<vmem_shared>>) target(%dma_start3A_46 : memref<632x128xf32, #tpu.memory_space<hbm>>) target_semaphore(%run_scoped3A : memref<!tpu.dma_semaphore, #tpu.memory_space<semaphore_mem>>)
      %dma_wait3A = arith.constant 0 : i32
      %dma_wait3A_49 = tpu.memref_slice %arg6[%arg0, %mul3A_2, %dma_wait3A] : memref<2x10112x128xf32, #tpu.memory_space<hbm>> -> memref<1x632x128xf32, #tpu.memory_space<hbm>>
      %dma_wait3A_50 = tpu.memref_squeeze %dma_wait3A_49 : memref<1x632x128xf32, #tpu.memory_space<hbm>> -> memref<632x128xf32, #tpu.memory_space<hbm>>
      %dma_wait3A_51 = arith.constant 0 : i32
      %dma_wait3A_52 = tpu.memref_slice %arg10[%mul3A_2, %dma_wait3A_51] : memref<10112x128xf32, #tpu.memory_space<vmem_shared>> -> memref<632x128xf32, #tpu.memory_space<vmem_shared>>
      tpu.wait_dma2 semaphore(%run_scoped3A : memref<!tpu.dma_semaphore, #tpu.memory_space<semaphore_mem>>) src(%dma_wait3A_52 : memref<632x128xf32, #tpu.memory_space<vmem_shared>>) dst(%dma_wait3A_50 : memref<632x128xf32, #tpu.memory_space<hbm>>)
      tpu.yield
    }) : () -> ()
    return
  }
}

#map = affine_map<(d0, d1) -> (0, 0)>
#map1 = affine_map<(d0, d1) -> (0, 0, 0)>
module attributes {stable_mosaic.version = 14 : i64} {
  func.func @body(%arg0: i32, %arg1: i32, %arg2: memref<10000x128xf32, #tpu.memory_space<hbm>>, %arg3: memref<32x80x128xi32, #tpu.memory_space<hbm>>, %arg4: memref<32x80x128xi32, #tpu.memory_space<hbm>>, %arg5: memref<632x128xf32, #tpu.memory_space<hbm>>, %arg6: memref<2x10112x128xf32, #tpu.memory_space<hbm>>, %arg7: memref<40x128xi32, #tpu.memory_space<vmem>>, %arg8: memref<40x128xi32, #tpu.memory_space<vmem>>, %arg9: memref<2x128x128xf32, #tpu.memory_space<vmem>>, %arg10: memref<10112x128xf32, #tpu.memory_space<vmem_shared>>, %arg11: memref<2x!tpu.dma_semaphore, #tpu.memory_space<semaphore_mem>>) attributes {dimension_semantics = [#tpu.dimension_semantics<core_parallel>, #tpu.dimension_semantics<subcore_parallel>], iteration_bounds = array<i64: 2, 16>, scalar_prefetch = 0 : i64, scratch_operands = 5 : i64, tpu.core_type = #tpu.core_type<sc_vector_subcore>, window_params = [{transform_indices = #map}, {transform_indices = #map1}, {transform_indices = #map1}, {transform_indices = #map}, {transform_indices = #map1}]} {
    %mul3A = arith.constant 16 : i32
    %mul3A_0 = arith.muli %arg0, %mul3A : i32
    %add3A = arith.addi %mul3A_0, %arg1 : i32
    %mul3A_1 = arith.constant 632 : i32
    %mul3A_2 = arith.muli %arg1, %mul3A_1 : i32
    "tpu.region"() ({
      %run_scoped3A = tpu.sem_alloc : memref<!tpu.dma_semaphore, #tpu.memory_space<semaphore_mem>>
      %dma_start3A_44 = arith.constant 0 : i32
      %dma_start3A_45 = tpu.memref_slice %arg10[%mul3A_2, %dma_start3A_44] : memref<10112x128xf32, #tpu.memory_space<vmem_shared>> -> memref<632x128xf32, #tpu.memory_space<vmem_shared>>
      tpu.enqueue_dma source(%arg5 : memref<632x128xf32, #tpu.memory_space<hbm>>) target(%dma_start3A_45 : memref<632x128xf32, #tpu.memory_space<vmem_shared>>) target_semaphore(%run_scoped3A : memref<!tpu.dma_semaphore, #tpu.memory_space<semaphore_mem>>)
      %dma_wait3A = arith.constant 0 : i32
      %dma_wait3A_46 = tpu.memref_slice %arg10[%mul3A_2, %dma_wait3A] : memref<10112x128xf32, #tpu.memory_space<vmem_shared>> -> memref<632x128xf32, #tpu.memory_space<vmem_shared>>
      tpu.wait_dma2 semaphore(%run_scoped3A : memref<!tpu.dma_semaphore, #tpu.memory_space<semaphore_mem>>) src(%arg5 : memref<632x128xf32, #tpu.memory_space<hbm>>) dst(%dma_wait3A_46 : memref<632x128xf32, #tpu.memory_space<vmem_shared>>)
      tpu.yield
    }) : () -> ()
    %barrier3A = arith.constant 0 : index
    tpu.barrier barrier_id(%barrier3A)
    "tpu.region"() ({
      %run_scoped3A = tpu.sem_alloc : memref<!tpu.dma_semaphore, #tpu.memory_space<semaphore_mem>>
      %dma_start3A_44 = arith.constant 0 : i32
      %dma_start3A_45 = arith.constant 0 : i32
      %dma_start3A_46 = tpu.memref_slice %arg3[%add3A, %dma_start3A_44, %dma_start3A_45] : memref<32x80x128xi32, #tpu.memory_space<hbm>> -> memref<1x40x128xi32, #tpu.memory_space<hbm>>
      %dma_start3A_47 = tpu.memref_squeeze %dma_start3A_46 : memref<1x40x128xi32, #tpu.memory_space<hbm>> -> memref<40x128xi32, #tpu.memory_space<hbm>>
      %dma_start3A_48 = arith.constant 0 : i32
      %dma_start3A_49 = arith.constant 0 : i32
      %dma_start3A_50 = tpu.memref_slice %arg3[%add3A, %dma_start3A_48, %dma_start3A_49] : memref<32x80x128xi32, #tpu.memory_space<hbm>> -> memref<1x40x128xi32, #tpu.memory_space<hbm>>
      %dma_start3A_51 = tpu.memref_squeeze %dma_start3A_50 : memref<1x40x128xi32, #tpu.memory_space<hbm>> -> memref<40x128xi32, #tpu.memory_space<hbm>>
      tpu.enqueue_dma source(%dma_start3A_51 : memref<40x128xi32, #tpu.memory_space<hbm>>) target(%arg7 : memref<40x128xi32, #tpu.memory_space<vmem>>) target_semaphore(%run_scoped3A : memref<!tpu.dma_semaphore, #tpu.memory_space<semaphore_mem>>)
      %dma_wait3A = arith.constant 0 : i32
      %dma_wait3A_52 = arith.constant 0 : i32
      %dma_wait3A_53 = tpu.memref_slice %arg3[%add3A, %dma_wait3A, %dma_wait3A_52] : memref<32x80x128xi32, #tpu.memory_space<hbm>> -> memref<1x40x128xi32, #tpu.memory_space<hbm>>
      %dma_wait3A_54 = tpu.memref_squeeze %dma_wait3A_53 : memref<1x40x128xi32, #tpu.memory_space<hbm>> -> memref<40x128xi32, #tpu.memory_space<hbm>>
      %dma_wait3A_55 = arith.constant 0 : i32
      %dma_wait3A_56 = arith.constant 0 : i32
      %dma_wait3A_57 = tpu.memref_slice %arg3[%add3A, %dma_wait3A_55, %dma_wait3A_56] : memref<32x80x128xi32, #tpu.memory_space<hbm>> -> memref<1x40x128xi32, #tpu.memory_space<hbm>>
      %dma_wait3A_58 = tpu.memref_squeeze %dma_wait3A_57 : memref<1x40x128xi32, #tpu.memory_space<hbm>> -> memref<40x128xi32, #tpu.memory_space<hbm>>
      tpu.wait_dma2 semaphore(%run_scoped3A : memref<!tpu.dma_semaphore, #tpu.memory_space<semaphore_mem>>) src(%dma_wait3A_58 : memref<40x128xi32, #tpu.memory_space<hbm>>) dst(%arg7 : memref<40x128xi32, #tpu.memory_space<vmem>>)
      tpu.yield
    }) : () -> ()
    "tpu.region"() ({
      %run_scoped3A = tpu.sem_alloc : memref<!tpu.dma_semaphore, #tpu.memory_space<semaphore_mem>>
      %dma_start3A_44 = arith.constant 0 : i32
      %dma_start3A_45 = arith.constant 0 : i32
      %dma_start3A_46 = tpu.memref_slice %arg4[%add3A, %dma_start3A_44, %dma_start3A_45] : memref<32x80x128xi32, #tpu.memory_space<hbm>> -> memref<1x40x128xi32, #tpu.memory_space<hbm>>
      %dma_start3A_47 = tpu.memref_squeeze %dma_start3A_46 : memref<1x40x128xi32, #tpu.memory_space<hbm>> -> memref<40x128xi32, #tpu.memory_space<hbm>>
      %dma_start3A_48 = arith.constant 0 : i32
      %dma_start3A_49 = arith.constant 0 : i32
      %dma_start3A_50 = tpu.memref_slice %arg4[%add3A, %dma_start3A_48, %dma_start3A_49] : memref<32x80x128xi32, #tpu.memory_space<hbm>> -> memref<1x40x128xi32, #tpu.memory_space<hbm>>
      %dma_start3A_51 = tpu.memref_squeeze %dma_start3A_50 : memref<1x40x128xi32, #tpu.memory_space<hbm>> -> memref<40x128xi32, #tpu.memory_space<hbm>>
      tpu.enqueue_dma source(%dma_start3A_51 : memref<40x128xi32, #tpu.memory_space<hbm>>) target(%arg8 : memref<40x128xi32, #tpu.memory_space<vmem>>) target_semaphore(%run_scoped3A : memref<!tpu.dma_semaphore, #tpu.memory_space<semaphore_mem>>)
      %dma_wait3A = arith.constant 0 : i32
      %dma_wait3A_52 = arith.constant 0 : i32
      %dma_wait3A_53 = tpu.memref_slice %arg4[%add3A, %dma_wait3A, %dma_wait3A_52] : memref<32x80x128xi32, #tpu.memory_space<hbm>> -> memref<1x40x128xi32, #tpu.memory_space<hbm>>
      %dma_wait3A_54 = tpu.memref_squeeze %dma_wait3A_53 : memref<1x40x128xi32, #tpu.memory_space<hbm>> -> memref<40x128xi32, #tpu.memory_space<hbm>>
      %dma_wait3A_55 = arith.constant 0 : i32
      %dma_wait3A_56 = arith.constant 0 : i32
      %dma_wait3A_57 = tpu.memref_slice %arg4[%add3A, %dma_wait3A_55, %dma_wait3A_56] : memref<32x80x128xi32, #tpu.memory_space<hbm>> -> memref<1x40x128xi32, #tpu.memory_space<hbm>>
      %dma_wait3A_58 = tpu.memref_squeeze %dma_wait3A_57 : memref<1x40x128xi32, #tpu.memory_space<hbm>> -> memref<40x128xi32, #tpu.memory_space<hbm>>
      tpu.wait_dma2 semaphore(%run_scoped3A : memref<!tpu.dma_semaphore, #tpu.memory_space<semaphore_mem>>) src(%dma_wait3A_58 : memref<40x128xi32, #tpu.memory_space<hbm>>) dst(%arg8 : memref<40x128xi32, #tpu.memory_space<vmem>>)
      tpu.yield
    }) : () -> ()
    %dma_start3A = arith.constant 0 : i32
    %dma_start3A_3 = arith.constant 0 : i32
    %dma_start3A_4 = arith.constant 0 : i32
    %dma_start3A_5 = arith.constant 0 : i32
    %dma_start3A_6 = arith.constant 0 : i32
    %dma_start3A_7 = tpu.memref_slice %arg9[%dma_start3A_3, %dma_start3A_5, %dma_start3A_6] : memref<2x128x128xf32, #tpu.memory_space<vmem>> -> memref<1x128x128xf32, #tpu.memory_space<vmem>>
    %dma_start3A_8 = tpu.memref_squeeze %dma_start3A_7 : memref<1x128x128xf32, #tpu.memory_space<vmem>> -> memref<128x128xf32, #tpu.memory_space<vmem>>
    %dma_start3A_9 = arith.constant 0 : i32
    %dma_start3A_10 = tpu.memref_slice %arg7[%dma_start3A, %dma_start3A_9] : memref<40x128xi32, #tpu.memory_space<vmem>> -> memref<1x128xi32, #tpu.memory_space<vmem>>
    %dma_start3A_11 = tpu.memref_squeeze %dma_start3A_10 : memref<1x128xi32, #tpu.memory_space<vmem>> -> memref<128xi32, #tpu.memory_space<vmem>>
    %dma_start3A_12 = arith.constant 0 : i32
    %dma_start3A_13 = arith.constant 0 : i32
    %dma_start3A_14 = tpu.memref_slice %arg2[%dma_start3A_12, %dma_start3A_13] : memref<10000x128xf32, #tpu.memory_space<hbm>> -> memref<10000x128xf32, #tpu.memory_space<hbm>>
    %dma_start3A_15 = tpu.memref_slice %arg11[%dma_start3A_4] : memref<2x!tpu.dma_semaphore, #tpu.memory_space<semaphore_mem>> -> memref<1x!tpu.dma_semaphore, #tpu.memory_space<semaphore_mem>>
    %dma_start3A_16 = tpu.memref_squeeze %dma_start3A_15 : memref<1x!tpu.dma_semaphore, #tpu.memory_space<semaphore_mem>> -> memref<!tpu.dma_semaphore, #tpu.memory_space<semaphore_mem>>
    tpu.enqueue_indirect_dma source(%dma_start3A_14 : memref<10000x128xf32, #tpu.memory_space<hbm>>) target(%dma_start3A_8 : memref<128x128xf32, #tpu.memory_space<vmem>>) offsets(%dma_start3A_11 : memref<128xi32, #tpu.memory_space<vmem>>) semaphore(%dma_start3A_16 : memref<!tpu.dma_semaphore, #tpu.memory_space<semaphore_mem>>)
    %scan3A = arith.constant 0 : i32
    %scan3A_17 = arith.constant 0 : i32
    %scan3A_18 = arith.constant 20 : i32
    %scan3A_19 = arith.addi %scan3A_17, %scan3A_18 : i32
    %scan3A_20 = arith.constant 1 : i32
    scf.for %scan3A_44 = %scan3A_17 to %scan3A_19 step %scan3A_20  : i32 {
      %mul3A_45 = arith.constant 2 : i32
      %mul3A_46 = arith.muli %mul3A_45, %scan3A_44 : i32
      %add3A_47 = arith.constant 1 : i32
      %add3A_48 = arith.addi %mul3A_46, %add3A_47 : i32
      %dma_start3A_49 = arith.constant 1 : i32
      %dma_start3A_50 = arith.constant 1 : i32
      %dma_start3A_51 = arith.constant 0 : i32
      %dma_start3A_52 = arith.constant 0 : i32
      %dma_start3A_53 = tpu.memref_slice %arg9[%dma_start3A_49, %dma_start3A_51, %dma_start3A_52] : memref<2x128x128xf32, #tpu.memory_space<vmem>> -> memref<1x128x128xf32, #tpu.memory_space<vmem>>
      %dma_start3A_54 = tpu.memref_squeeze %dma_start3A_53 : memref<1x128x128xf32, #tpu.memory_space<vmem>> -> memref<128x128xf32, #tpu.memory_space<vmem>>
      %dma_start3A_55 = arith.constant 0 : i32
      %dma_start3A_56 = tpu.memref_slice %arg7[%add3A_48, %dma_start3A_55] : memref<40x128xi32, #tpu.memory_space<vmem>> -> memref<1x128xi32, #tpu.memory_space<vmem>>
      %dma_start3A_57 = tpu.memref_squeeze %dma_start3A_56 : memref<1x128xi32, #tpu.memory_space<vmem>> -> memref<128xi32, #tpu.memory_space<vmem>>
      %dma_start3A_58 = arith.constant 0 : i32
      %dma_start3A_59 = arith.constant 0 : i32
      %dma_start3A_60 = tpu.memref_slice %arg2[%dma_start3A_58, %dma_start3A_59] : memref<10000x128xf32, #tpu.memory_space<hbm>> -> memref<10000x128xf32, #tpu.memory_space<hbm>>
      %dma_start3A_61 = tpu.memref_slice %arg11[%dma_start3A_50] : memref<2x!tpu.dma_semaphore, #tpu.memory_space<semaphore_mem>> -> memref<1x!tpu.dma_semaphore, #tpu.memory_space<semaphore_mem>>
      %dma_start3A_62 = tpu.memref_squeeze %dma_start3A_61 : memref<1x!tpu.dma_semaphore, #tpu.memory_space<semaphore_mem>> -> memref<!tpu.dma_semaphore, #tpu.memory_space<semaphore_mem>>
      tpu.enqueue_indirect_dma source(%dma_start3A_60 : memref<10000x128xf32, #tpu.memory_space<hbm>>) target(%dma_start3A_54 : memref<128x128xf32, #tpu.memory_space<vmem>>) offsets(%dma_start3A_57 : memref<128xi32, #tpu.memory_space<vmem>>) semaphore(%dma_start3A_62 : memref<!tpu.dma_semaphore, #tpu.memory_space<semaphore_mem>>)
      %dma_wait3A = arith.constant 0 : i32
      %dma_wait3A_63 = arith.constant 0 : i32
      %dma_wait3A_64 = arith.constant 0 : i32
      %dma_wait3A_65 = arith.constant 0 : i32
      %dma_wait3A_66 = tpu.memref_slice %arg9[%dma_wait3A, %dma_wait3A_64, %dma_wait3A_65] : memref<2x128x128xf32, #tpu.memory_space<vmem>> -> memref<1x128x128xf32, #tpu.memory_space<vmem>>
      %dma_wait3A_67 = tpu.memref_squeeze %dma_wait3A_66 : memref<1x128x128xf32, #tpu.memory_space<vmem>> -> memref<128x128xf32, #tpu.memory_space<vmem>>
      %dma_wait3A_68 = arith.constant 0 : i32
      %dma_wait3A_69 = tpu.memref_slice %arg7[%mul3A_46, %dma_wait3A_68] : memref<40x128xi32, #tpu.memory_space<vmem>> -> memref<1x128xi32, #tpu.memory_space<vmem>>
      %dma_wait3A_70 = tpu.memref_squeeze %dma_wait3A_69 : memref<1x128xi32, #tpu.memory_space<vmem>> -> memref<128xi32, #tpu.memory_space<vmem>>
      %dma_wait3A_71 = arith.constant 0 : i32
      %dma_wait3A_72 = arith.constant 0 : i32
      %dma_wait3A_73 = tpu.memref_slice %arg2[%dma_wait3A_71, %dma_wait3A_72] : memref<10000x128xf32, #tpu.memory_space<hbm>> -> memref<10000x128xf32, #tpu.memory_space<hbm>>
      %dma_wait3A_74 = tpu.memref_slice %arg11[%dma_wait3A_63] : memref<2x!tpu.dma_semaphore, #tpu.memory_space<semaphore_mem>> -> memref<1x!tpu.dma_semaphore, #tpu.memory_space<semaphore_mem>>
      %dma_wait3A_75 = tpu.memref_squeeze %dma_wait3A_74 : memref<1x!tpu.dma_semaphore, #tpu.memory_space<semaphore_mem>> -> memref<!tpu.dma_semaphore, #tpu.memory_space<semaphore_mem>>
      tpu.wait_indirect_dma semaphore(%dma_wait3A_75 : memref<!tpu.dma_semaphore, #tpu.memory_space<semaphore_mem>>) src(%dma_wait3A_73 : memref<10000x128xf32, #tpu.memory_space<hbm>>) dst(%dma_wait3A_67 : memref<128x128xf32, #tpu.memory_space<vmem>>)
      %run_scoped3A = arith.constant 0 : i32
      "tpu.region"() ({
        %run_scoped3A_99 = tpu.sem_alloc : memref<!tpu.dma_semaphore, #tpu.memory_space<semaphore_mem>>
        %dma_start3A_100 = arith.constant 0 : i32
        %dma_start3A_101 = arith.constant 0 : i32
        %dma_start3A_102 = tpu.memref_slice %arg9[%run_scoped3A, %dma_start3A_100, %dma_start3A_101] : memref<2x128x128xf32, #tpu.memory_space<vmem>> -> memref<1x128x128xf32, #tpu.memory_space<vmem>>
        %dma_start3A_103 = tpu.memref_squeeze %dma_start3A_102 : memref<1x128x128xf32, #tpu.memory_space<vmem>> -> memref<128x128xf32, #tpu.memory_space<vmem>>
        %dma_start3A_104 = arith.constant 0 : i32
        %dma_start3A_105 = tpu.memref_slice %arg8[%mul3A_46, %dma_start3A_104] : memref<40x128xi32, #tpu.memory_space<vmem>> -> memref<1x128xi32, #tpu.memory_space<vmem>>
        %dma_start3A_106 = tpu.memref_squeeze %dma_start3A_105 : memref<1x128xi32, #tpu.memory_space<vmem>> -> memref<128xi32, #tpu.memory_space<vmem>>
        %dma_start3A_107 = arith.constant 0 : i32
        %dma_start3A_108 = arith.constant 0 : i32
        %dma_start3A_109 = tpu.memref_slice %arg10[%dma_start3A_107, %dma_start3A_108] : memref<10112x128xf32, #tpu.memory_space<vmem_shared>> -> memref<10112x128xf32, #tpu.memory_space<vmem_shared>>
        tpu.enqueue_indirect_dma source(%dma_start3A_103 : memref<128x128xf32, #tpu.memory_space<vmem>>) target(%dma_start3A_109 : memref<10112x128xf32, #tpu.memory_space<vmem_shared>>) offsets(%dma_start3A_106 : memref<128xi32, #tpu.memory_space<vmem>>) semaphore(%run_scoped3A_99 : memref<!tpu.dma_semaphore, #tpu.memory_space<semaphore_mem>>) {add = true}
        %dma_wait3A_110 = arith.constant 0 : i32
        %dma_wait3A_111 = arith.constant 0 : i32
        %dma_wait3A_112 = tpu.memref_slice %arg9[%run_scoped3A, %dma_wait3A_110, %dma_wait3A_111] : memref<2x128x128xf32, #tpu.memory_space<vmem>> -> memref<1x128x128xf32, #tpu.memory_space<vmem>>
        %dma_wait3A_113 = tpu.memref_squeeze %dma_wait3A_112 : memref<1x128x128xf32, #tpu.memory_space<vmem>> -> memref<128x128xf32, #tpu.memory_space<vmem>>
        %dma_wait3A_114 = arith.constant 0 : i32
        %dma_wait3A_115 = tpu.memref_slice %arg8[%mul3A_46, %dma_wait3A_114] : memref<40x128xi32, #tpu.memory_space<vmem>> -> memref<1x128xi32, #tpu.memory_space<vmem>>
        %dma_wait3A_116 = tpu.memref_squeeze %dma_wait3A_115 : memref<1x128xi32, #tpu.memory_space<vmem>> -> memref<128xi32, #tpu.memory_space<vmem>>
        %dma_wait3A_117 = arith.constant 0 : i32
        %dma_wait3A_118 = arith.constant 0 : i32
        %dma_wait3A_119 = tpu.memref_slice %arg10[%dma_wait3A_117, %dma_wait3A_118] : memref<10112x128xf32, #tpu.memory_space<vmem_shared>> -> memref<10112x128xf32, #tpu.memory_space<vmem_shared>>
        tpu.wait_indirect_dma semaphore(%run_scoped3A_99 : memref<!tpu.dma_semaphore, #tpu.memory_space<semaphore_mem>>) src(%dma_wait3A_113 : memref<128x128xf32, #tpu.memory_space<vmem>>) dst(%dma_wait3A_119 : memref<10112x128xf32, #tpu.memory_space<vmem_shared>>)
        tpu.yield
      }) : () -> ()
      %add3A_76 = arith.constant 1 : i32
      %add3A_77 = arith.addi %scan3A_44, %add3A_76 : i32
      %lt3A = arith.constant 20 : i32
      %lt3A_78 = arith.cmpi slt, %add3A_77, %lt3A : i32
      %convert_element_type3A = arith.extui %lt3A_78 : i1 to i32
      %cond3A = arith.constant 0 : i32
      %cond3A_79 = arith.cmpi ne, %convert_element_type3A, %cond3A : i32
      scf.if %cond3A_79 {
        %add3A_99 = arith.constant 2 : i32
        %add3A_100 = arith.addi %mul3A_46, %add3A_99 : i32
        %dma_start3A_101 = arith.constant 0 : i32
        %dma_start3A_102 = arith.constant 0 : i32
        %dma_start3A_103 = arith.constant 0 : i32
        %dma_start3A_104 = arith.constant 0 : i32
        %dma_start3A_105 = tpu.memref_slice %arg9[%dma_start3A_101, %dma_start3A_103, %dma_start3A_104] : memref<2x128x128xf32, #tpu.memory_space<vmem>> -> memref<1x128x128xf32, #tpu.memory_space<vmem>>
        %dma_start3A_106 = tpu.memref_squeeze %dma_start3A_105 : memref<1x128x128xf32, #tpu.memory_space<vmem>> -> memref<128x128xf32, #tpu.memory_space<vmem>>
        %dma_start3A_107 = arith.constant 0 : i32
        %dma_start3A_108 = tpu.memref_slice %arg7[%add3A_100, %dma_start3A_107] : memref<40x128xi32, #tpu.memory_space<vmem>> -> memref<1x128xi32, #tpu.memory_space<vmem>>
        %dma_start3A_109 = tpu.memref_squeeze %dma_start3A_108 : memref<1x128xi32, #tpu.memory_space<vmem>> -> memref<128xi32, #tpu.memory_space<vmem>>
        %dma_start3A_110 = arith.constant 0 : i32
        %dma_start3A_111 = arith.constant 0 : i32
        %dma_start3A_112 = tpu.memref_slice %arg2[%dma_start3A_110, %dma_start3A_111] : memref<10000x128xf32, #tpu.memory_space<hbm>> -> memref<10000x128xf32, #tpu.memory_space<hbm>>
        %dma_start3A_113 = tpu.memref_slice %arg11[%dma_start3A_102] : memref<2x!tpu.dma_semaphore, #tpu.memory_space<semaphore_mem>> -> memref<1x!tpu.dma_semaphore, #tpu.memory_space<semaphore_mem>>
        %dma_start3A_114 = tpu.memref_squeeze %dma_start3A_113 : memref<1x!tpu.dma_semaphore, #tpu.memory_space<semaphore_mem>> -> memref<!tpu.dma_semaphore, #tpu.memory_space<semaphore_mem>>
        tpu.enqueue_indirect_dma source(%dma_start3A_112 : memref<10000x128xf32, #tpu.memory_space<hbm>>) target(%dma_start3A_106 : memref<128x128xf32, #tpu.memory_space<vmem>>) offsets(%dma_start3A_109 : memref<128xi32, #tpu.memory_space<vmem>>) semaphore(%dma_start3A_114 : memref<!tpu.dma_semaphore, #tpu.memory_space<semaphore_mem>>)
      } else {
      }
      %add3A_80 = arith.constant 1 : i32
      %add3A_81 = arith.addi %mul3A_46, %add3A_80 : i32
      %dma_wait3A_82 = arith.constant 1 : i32
      %dma_wait3A_83 = arith.constant 1 : i32
      %dma_wait3A_84 = arith.constant 0 : i32
      %dma_wait3A_85 = arith.constant 0 : i32
      %dma_wait3A_86 = tpu.memref_slice %arg9[%dma_wait3A_82, %dma_wait3A_84, %dma_wait3A_85] : memref<2x128x128xf32, #tpu.memory_space<vmem>> -> memref<1x128x128xf32, #tpu.memory_space<vmem>>
      %dma_wait3A_87 = tpu.memref_squeeze %dma_wait3A_86 : memref<1x128x128xf32, #tpu.memory_space<vmem>> -> memref<128x128xf32, #tpu.memory_space<vmem>>
      %dma_wait3A_88 = arith.constant 0 : i32
      %dma_wait3A_89 = tpu.memref_slice %arg7[%add3A_81, %dma_wait3A_88] : memref<40x128xi32, #tpu.memory_space<vmem>> -> memref<1x128xi32, #tpu.memory_space<vmem>>
      %dma_wait3A_90 = tpu.memref_squeeze %dma_wait3A_89 : memref<1x128xi32, #tpu.memory_space<vmem>> -> memref<128xi32, #tpu.memory_space<vmem>>
      %dma_wait3A_91 = arith.constant 0 : i32
      %dma_wait3A_92 = arith.constant 0 : i32
      %dma_wait3A_93 = tpu.memref_slice %arg2[%dma_wait3A_91, %dma_wait3A_92] : memref<10000x128xf32, #tpu.memory_space<hbm>> -> memref<10000x128xf32, #tpu.memory_space<hbm>>
      %dma_wait3A_94 = tpu.memref_slice %arg11[%dma_wait3A_83] : memref<2x!tpu.dma_semaphore, #tpu.memory_space<semaphore_mem>> -> memref<1x!tpu.dma_semaphore, #tpu.memory_space<semaphore_mem>>
      %dma_wait3A_95 = tpu.memref_squeeze %dma_wait3A_94 : memref<1x!tpu.dma_semaphore, #tpu.memory_space<semaphore_mem>> -> memref<!tpu.dma_semaphore, #tpu.memory_space<semaphore_mem>>
      tpu.wait_indirect_dma semaphore(%dma_wait3A_95 : memref<!tpu.dma_semaphore, #tpu.memory_space<semaphore_mem>>) src(%dma_wait3A_93 : memref<10000x128xf32, #tpu.memory_space<hbm>>) dst(%dma_wait3A_87 : memref<128x128xf32, #tpu.memory_space<vmem>>)
      %add3A_96 = arith.constant 1 : i32
      %add3A_97 = arith.addi %mul3A_46, %add3A_96 : i32
      %run_scoped3A_98 = arith.constant 1 : i32
      "tpu.region"() ({
        %run_scoped3A_99 = tpu.sem_alloc : memref<!tpu.dma_semaphore, #tpu.memory_space<semaphore_mem>>
        %dma_start3A_100 = arith.constant 0 : i32
        %dma_start3A_101 = arith.constant 0 : i32
        %dma_start3A_102 = tpu.memref_slice %arg9[%run_scoped3A_98, %dma_start3A_100, %dma_start3A_101] : memref<2x128x128xf32, #tpu.memory_space<vmem>> -> memref<1x128x128xf32, #tpu.memory_space<vmem>>
        %dma_start3A_103 = tpu.memref_squeeze %dma_start3A_102 : memref<1x128x128xf32, #tpu.memory_space<vmem>> -> memref<128x128xf32, #tpu.memory_space<vmem>>
        %dma_start3A_104 = arith.constant 0 : i32
        %dma_start3A_105 = tpu.memref_slice %arg8[%add3A_97, %dma_start3A_104] : memref<40x128xi32, #tpu.memory_space<vmem>> -> memref<1x128xi32, #tpu.memory_space<vmem>>
        %dma_start3A_106 = tpu.memref_squeeze %dma_start3A_105 : memref<1x128xi32, #tpu.memory_space<vmem>> -> memref<128xi32, #tpu.memory_space<vmem>>
        %dma_start3A_107 = arith.constant 0 : i32
        %dma_start3A_108 = arith.constant 0 : i32
        %dma_start3A_109 = tpu.memref_slice %arg10[%dma_start3A_107, %dma_start3A_108] : memref<10112x128xf32, #tpu.memory_space<vmem_shared>> -> memref<10112x128xf32, #tpu.memory_space<vmem_shared>>
        tpu.enqueue_indirect_dma source(%dma_start3A_103 : memref<128x128xf32, #tpu.memory_space<vmem>>) target(%dma_start3A_109 : memref<10112x128xf32, #tpu.memory_space<vmem_shared>>) offsets(%dma_start3A_106 : memref<128xi32, #tpu.memory_space<vmem>>) semaphore(%run_scoped3A_99 : memref<!tpu.dma_semaphore, #tpu.memory_space<semaphore_mem>>) {add = true}
        %dma_wait3A_110 = arith.constant 0 : i32
        %dma_wait3A_111 = arith.constant 0 : i32
        %dma_wait3A_112 = tpu.memref_slice %arg9[%run_scoped3A_98, %dma_wait3A_110, %dma_wait3A_111] : memref<2x128x128xf32, #tpu.memory_space<vmem>> -> memref<1x128x128xf32, #tpu.memory_space<vmem>>
        %dma_wait3A_113 = tpu.memref_squeeze %dma_wait3A_112 : memref<1x128x128xf32, #tpu.memory_space<vmem>> -> memref<128x128xf32, #tpu.memory_space<vmem>>
        %dma_wait3A_114 = arith.constant 0 : i32
        %dma_wait3A_115 = tpu.memref_slice %arg8[%add3A_97, %dma_wait3A_114] : memref<40x128xi32, #tpu.memory_space<vmem>> -> memref<1x128xi32, #tpu.memory_space<vmem>>
        %dma_wait3A_116 = tpu.memref_squeeze %dma_wait3A_115 : memref<1x128xi32, #tpu.memory_space<vmem>> -> memref<128xi32, #tpu.memory_space<vmem>>
        %dma_wait3A_117 = arith.constant 0 : i32
        %dma_wait3A_118 = arith.constant 0 : i32
        %dma_wait3A_119 = tpu.memref_slice %arg10[%dma_wait3A_117, %dma_wait3A_118] : memref<10112x128xf32, #tpu.memory_space<vmem_shared>> -> memref<10112x128xf32, #tpu.memory_space<vmem_shared>>
        tpu.wait_indirect_dma semaphore(%run_scoped3A_99 : memref<!tpu.dma_semaphore, #tpu.memory_space<semaphore_mem>>) src(%dma_wait3A_113 : memref<128x128xf32, #tpu.memory_space<vmem>>) dst(%dma_wait3A_119 : memref<10112x128xf32, #tpu.memory_space<vmem_shared>>)
        tpu.yield
      }) : () -> ()
    }
    %scan3A_21 = arith.constant 20 : i32
    "tpu.region"() ({
      %run_scoped3A = tpu.sem_alloc : memref<!tpu.dma_semaphore, #tpu.memory_space<semaphore_mem>>
      %dma_start3A_44 = arith.constant 40 : i32
      %dma_start3A_45 = arith.constant 0 : i32
      %dma_start3A_46 = tpu.memref_slice %arg3[%add3A, %dma_start3A_44, %dma_start3A_45] : memref<32x80x128xi32, #tpu.memory_space<hbm>> -> memref<1x40x128xi32, #tpu.memory_space<hbm>>
      %dma_start3A_47 = tpu.memref_squeeze %dma_start3A_46 : memref<1x40x128xi32, #tpu.memory_space<hbm>> -> memref<40x128xi32, #tpu.memory_space<hbm>>
      %dma_start3A_48 = arith.constant 40 : i32
      %dma_start3A_49 = arith.constant 0 : i32
      %dma_start3A_50 = tpu.memref_slice %arg3[%add3A, %dma_start3A_48, %dma_start3A_49] : memref<32x80x128xi32, #tpu.memory_space<hbm>> -> memref<1x40x128xi32, #tpu.memory_space<hbm>>
      %dma_start3A_51 = tpu.memref_squeeze %dma_start3A_50 : memref<1x40x128xi32, #tpu.memory_space<hbm>> -> memref<40x128xi32, #tpu.memory_space<hbm>>
      tpu.enqueue_dma source(%dma_start3A_51 : memref<40x128xi32, #tpu.memory_space<hbm>>) target(%arg7 : memref<40x128xi32, #tpu.memory_space<vmem>>) target_semaphore(%run_scoped3A : memref<!tpu.dma_semaphore, #tpu.memory_space<semaphore_mem>>)
      %dma_wait3A = arith.constant 40 : i32
      %dma_wait3A_52 = arith.constant 0 : i32
      %dma_wait3A_53 = tpu.memref_slice %arg3[%add3A, %dma_wait3A, %dma_wait3A_52] : memref<32x80x128xi32, #tpu.memory_space<hbm>> -> memref<1x40x128xi32, #tpu.memory_space<hbm>>
      %dma_wait3A_54 = tpu.memref_squeeze %dma_wait3A_53 : memref<1x40x128xi32, #tpu.memory_space<hbm>> -> memref<40x128xi32, #tpu.memory_space<hbm>>
      %dma_wait3A_55 = arith.constant 40 : i32
      %dma_wait3A_56 = arith.constant 0 : i32
      %dma_wait3A_57 = tpu.memref_slice %arg3[%add3A, %dma_wait3A_55, %dma_wait3A_56] : memref<32x80x128xi32, #tpu.memory_space<hbm>> -> memref<1x40x128xi32, #tpu.memory_space<hbm>>
      %dma_wait3A_58 = tpu.memref_squeeze %dma_wait3A_57 : memref<1x40x128xi32, #tpu.memory_space<hbm>> -> memref<40x128xi32, #tpu.memory_space<hbm>>
      tpu.wait_dma2 semaphore(%run_scoped3A : memref<!tpu.dma_semaphore, #tpu.memory_space<semaphore_mem>>) src(%dma_wait3A_58 : memref<40x128xi32, #tpu.memory_space<hbm>>) dst(%arg7 : memref<40x128xi32, #tpu.memory_space<vmem>>)
      tpu.yield
    }) : () -> ()
    "tpu.region"() ({
      %run_scoped3A = tpu.sem_alloc : memref<!tpu.dma_semaphore, #tpu.memory_space<semaphore_mem>>
      %dma_start3A_44 = arith.constant 40 : i32
      %dma_start3A_45 = arith.constant 0 : i32
      %dma_start3A_46 = tpu.memref_slice %arg4[%add3A, %dma_start3A_44, %dma_start3A_45] : memref<32x80x128xi32, #tpu.memory_space<hbm>> -> memref<1x40x128xi32, #tpu.memory_space<hbm>>
      %dma_start3A_47 = tpu.memref_squeeze %dma_start3A_46 : memref<1x40x128xi32, #tpu.memory_space<hbm>> -> memref<40x128xi32, #tpu.memory_space<hbm>>
      %dma_start3A_48 = arith.constant 40 : i32
      %dma_start3A_49 = arith.constant 0 : i32
      %dma_start3A_50 = tpu.memref_slice %arg4[%add3A, %dma_start3A_48, %dma_start3A_49] : memref<32x80x128xi32, #tpu.memory_space<hbm>> -> memref<1x40x128xi32, #tpu.memory_space<hbm>>
      %dma_start3A_51 = tpu.memref_squeeze %dma_start3A_50 : memref<1x40x128xi32, #tpu.memory_space<hbm>> -> memref<40x128xi32, #tpu.memory_space<hbm>>
      tpu.enqueue_dma source(%dma_start3A_51 : memref<40x128xi32, #tpu.memory_space<hbm>>) target(%arg8 : memref<40x128xi32, #tpu.memory_space<vmem>>) target_semaphore(%run_scoped3A : memref<!tpu.dma_semaphore, #tpu.memory_space<semaphore_mem>>)
      %dma_wait3A = arith.constant 40 : i32
      %dma_wait3A_52 = arith.constant 0 : i32
      %dma_wait3A_53 = tpu.memref_slice %arg4[%add3A, %dma_wait3A, %dma_wait3A_52] : memref<32x80x128xi32, #tpu.memory_space<hbm>> -> memref<1x40x128xi32, #tpu.memory_space<hbm>>
      %dma_wait3A_54 = tpu.memref_squeeze %dma_wait3A_53 : memref<1x40x128xi32, #tpu.memory_space<hbm>> -> memref<40x128xi32, #tpu.memory_space<hbm>>
      %dma_wait3A_55 = arith.constant 40 : i32
      %dma_wait3A_56 = arith.constant 0 : i32
      %dma_wait3A_57 = tpu.memref_slice %arg4[%add3A, %dma_wait3A_55, %dma_wait3A_56] : memref<32x80x128xi32, #tpu.memory_space<hbm>> -> memref<1x40x128xi32, #tpu.memory_space<hbm>>
      %dma_wait3A_58 = tpu.memref_squeeze %dma_wait3A_57 : memref<1x40x128xi32, #tpu.memory_space<hbm>> -> memref<40x128xi32, #tpu.memory_space<hbm>>
      tpu.wait_dma2 semaphore(%run_scoped3A : memref<!tpu.dma_semaphore, #tpu.memory_space<semaphore_mem>>) src(%dma_wait3A_58 : memref<40x128xi32, #tpu.memory_space<hbm>>) dst(%arg8 : memref<40x128xi32, #tpu.memory_space<vmem>>)
      tpu.yield
    }) : () -> ()
    %dma_start3A_22 = arith.constant 0 : i32
    %dma_start3A_23 = arith.constant 0 : i32
    %dma_start3A_24 = arith.constant 0 : i32
    %dma_start3A_25 = arith.constant 0 : i32
    %dma_start3A_26 = arith.constant 0 : i32
    %dma_start3A_27 = tpu.memref_slice %arg9[%dma_start3A_23, %dma_start3A_25, %dma_start3A_26] : memref<2x128x128xf32, #tpu.memory_space<vmem>> -> memref<1x128x128xf32, #tpu.memory_space<vmem>>
    %dma_start3A_28 = tpu.memref_squeeze %dma_start3A_27 : memref<1x128x128xf32, #tpu.memory_space<vmem>> -> memref<128x128xf32, #tpu.memory_space<vmem>>
    %dma_start3A_29 = arith.constant 0 : i32
    %dma_start3A_30 = tpu.memref_slice %arg7[%dma_start3A_22, %dma_start3A_29] : memref<40x128xi32, #tpu.memory_space<vmem>> -> memref<1x128xi32, #tpu.memory_space<vmem>>
    %dma_start3A_31 = tpu.memref_squeeze %dma_start3A_30 : memref<1x128xi32, #tpu.memory_space<vmem>> -> memref<128xi32, #tpu.memory_space<vmem>>
    %dma_start3A_32 = arith.constant 0 : i32
    %dma_start3A_33 = arith.constant 0 : i32
    %dma_start3A_34 = tpu.memref_slice %arg2[%dma_start3A_32, %dma_start3A_33] : memref<10000x128xf32, #tpu.memory_space<hbm>> -> memref<10000x128xf32, #tpu.memory_space<hbm>>
    %dma_start3A_35 = tpu.memref_slice %arg11[%dma_start3A_24] : memref<2x!tpu.dma_semaphore, #tpu.memory_space<semaphore_mem>> -> memref<1x!tpu.dma_semaphore, #tpu.memory_space<semaphore_mem>>
    %dma_start3A_36 = tpu.memref_squeeze %dma_start3A_35 : memref<1x!tpu.dma_semaphore, #tpu.memory_space<semaphore_mem>> -> memref<!tpu.dma_semaphore, #tpu.memory_space<semaphore_mem>>
    tpu.enqueue_indirect_dma source(%dma_start3A_34 : memref<10000x128xf32, #tpu.memory_space<hbm>>) target(%dma_start3A_28 : memref<128x128xf32, #tpu.memory_space<vmem>>) offsets(%dma_start3A_31 : memref<128xi32, #tpu.memory_space<vmem>>) semaphore(%dma_start3A_36 : memref<!tpu.dma_semaphore, #tpu.memory_space<semaphore_mem>>)
    %scan3A_37 = arith.constant 0 : i32
    %scan3A_38 = arith.constant 0 : i32
    %scan3A_39 = arith.constant 20 : i32
    %scan3A_40 = arith.addi %scan3A_38, %scan3A_39 : i32
    %scan3A_41 = arith.constant 1 : i32
    scf.for %scan3A_44 = %scan3A_38 to %scan3A_40 step %scan3A_41  : i32 {
      %mul3A_45 = arith.constant 2 : i32
      %mul3A_46 = arith.muli %mul3A_45, %scan3A_44 : i32
      %add3A_47 = arith.constant 1 : i32
      %add3A_48 = arith.addi %mul3A_46, %add3A_47 : i32
      %dma_start3A_49 = arith.constant 1 : i32
      %dma_start3A_50 = arith.constant 1 : i32
      %dma_start3A_51 = arith.constant 0 : i32
      %dma_start3A_52 = arith.constant 0 : i32
      %dma_start3A_53 = tpu.memref_slice %arg9[%dma_start3A_49, %dma_start3A_51, %dma_start3A_52] : memref<2x128x128xf32, #tpu.memory_space<vmem>> -> memref<1x128x128xf32, #tpu.memory_space<vmem>>
      %dma_start3A_54 = tpu.memref_squeeze %dma_start3A_53 : memref<1x128x128xf32, #tpu.memory_space<vmem>> -> memref<128x128xf32, #tpu.memory_space<vmem>>
      %dma_start3A_55 = arith.constant 0 : i32
      %dma_start3A_56 = tpu.memref_slice %arg7[%add3A_48, %dma_start3A_55] : memref<40x128xi32, #tpu.memory_space<vmem>> -> memref<1x128xi32, #tpu.memory_space<vmem>>
      %dma_start3A_57 = tpu.memref_squeeze %dma_start3A_56 : memref<1x128xi32, #tpu.memory_space<vmem>> -> memref<128xi32, #tpu.memory_space<vmem>>
      %dma_start3A_58 = arith.constant 0 : i32
      %dma_start3A_59 = arith.constant 0 : i32
      %dma_start3A_60 = tpu.memref_slice %arg2[%dma_start3A_58, %dma_start3A_59] : memref<10000x128xf32, #tpu.memory_space<hbm>> -> memref<10000x128xf32, #tpu.memory_space<hbm>>
      %dma_start3A_61 = tpu.memref_slice %arg11[%dma_start3A_50] : memref<2x!tpu.dma_semaphore, #tpu.memory_space<semaphore_mem>> -> memref<1x!tpu.dma_semaphore, #tpu.memory_space<semaphore_mem>>
      %dma_start3A_62 = tpu.memref_squeeze %dma_start3A_61 : memref<1x!tpu.dma_semaphore, #tpu.memory_space<semaphore_mem>> -> memref<!tpu.dma_semaphore, #tpu.memory_space<semaphore_mem>>
      tpu.enqueue_indirect_dma source(%dma_start3A_60 : memref<10000x128xf32, #tpu.memory_space<hbm>>) target(%dma_start3A_54 : memref<128x128xf32, #tpu.memory_space<vmem>>) offsets(%dma_start3A_57 : memref<128xi32, #tpu.memory_space<vmem>>) semaphore(%dma_start3A_62 : memref<!tpu.dma_semaphore, #tpu.memory_space<semaphore_mem>>)
      %dma_wait3A = arith.constant 0 : i32
      %dma_wait3A_63 = arith.constant 0 : i32
      %dma_wait3A_64 = arith.constant 0 : i32
      %dma_wait3A_65 = arith.constant 0 : i32
      %dma_wait3A_66 = tpu.memref_slice %arg9[%dma_wait3A, %dma_wait3A_64, %dma_wait3A_65] : memref<2x128x128xf32, #tpu.memory_space<vmem>> -> memref<1x128x128xf32, #tpu.memory_space<vmem>>
      %dma_wait3A_67 = tpu.memref_squeeze %dma_wait3A_66 : memref<1x128x128xf32, #tpu.memory_space<vmem>> -> memref<128x128xf32, #tpu.memory_space<vmem>>
      %dma_wait3A_68 = arith.constant 0 : i32
      %dma_wait3A_69 = tpu.memref_slice %arg7[%mul3A_46, %dma_wait3A_68] : memref<40x128xi32, #tpu.memory_space<vmem>> -> memref<1x128xi32, #tpu.memory_space<vmem>>
      %dma_wait3A_70 = tpu.memref_squeeze %dma_wait3A_69 : memref<1x128xi32, #tpu.memory_space<vmem>> -> memref<128xi32, #tpu.memory_space<vmem>>
      %dma_wait3A_71 = arith.constant 0 : i32
      %dma_wait3A_72 = arith.constant 0 : i32
      %dma_wait3A_73 = tpu.memref_slice %arg2[%dma_wait3A_71, %dma_wait3A_72] : memref<10000x128xf32, #tpu.memory_space<hbm>> -> memref<10000x128xf32, #tpu.memory_space<hbm>>
      %dma_wait3A_74 = tpu.memref_slice %arg11[%dma_wait3A_63] : memref<2x!tpu.dma_semaphore, #tpu.memory_space<semaphore_mem>> -> memref<1x!tpu.dma_semaphore, #tpu.memory_space<semaphore_mem>>
      %dma_wait3A_75 = tpu.memref_squeeze %dma_wait3A_74 : memref<1x!tpu.dma_semaphore, #tpu.memory_space<semaphore_mem>> -> memref<!tpu.dma_semaphore, #tpu.memory_space<semaphore_mem>>
      tpu.wait_indirect_dma semaphore(%dma_wait3A_75 : memref<!tpu.dma_semaphore, #tpu.memory_space<semaphore_mem>>) src(%dma_wait3A_73 : memref<10000x128xf32, #tpu.memory_space<hbm>>) dst(%dma_wait3A_67 : memref<128x128xf32, #tpu.memory_space<vmem>>)
      %run_scoped3A = arith.constant 0 : i32
      "tpu.region"() ({
        %run_scoped3A_99 = tpu.sem_alloc : memref<!tpu.dma_semaphore, #tpu.memory_space<semaphore_mem>>
        %dma_start3A_100 = arith.constant 0 : i32
        %dma_start3A_101 = arith.constant 0 : i32
        %dma_start3A_102 = tpu.memref_slice %arg9[%run_scoped3A, %dma_start3A_100, %dma_start3A_101] : memref<2x128x128xf32, #tpu.memory_space<vmem>> -> memref<1x128x128xf32, #tpu.memory_space<vmem>>
        %dma_start3A_103 = tpu.memref_squeeze %dma_start3A_102 : memref<1x128x128xf32, #tpu.memory_space<vmem>> -> memref<128x128xf32, #tpu.memory_space<vmem>>
        %dma_start3A_104 = arith.constant 0 : i32
        %dma_start3A_105 = tpu.memref_slice %arg8[%mul3A_46, %dma_start3A_104] : memref<40x128xi32, #tpu.memory_space<vmem>> -> memref<1x128xi32, #tpu.memory_space<vmem>>
        %dma_start3A_106 = tpu.memref_squeeze %dma_start3A_105 : memref<1x128xi32, #tpu.memory_space<vmem>> -> memref<128xi32, #tpu.memory_space<vmem>>
        %dma_start3A_107 = arith.constant 0 : i32
        %dma_start3A_108 = arith.constant 0 : i32
        %dma_start3A_109 = tpu.memref_slice %arg10[%dma_start3A_107, %dma_start3A_108] : memref<10112x128xf32, #tpu.memory_space<vmem_shared>> -> memref<10112x128xf32, #tpu.memory_space<vmem_shared>>
        tpu.enqueue_indirect_dma source(%dma_start3A_103 : memref<128x128xf32, #tpu.memory_space<vmem>>) target(%dma_start3A_109 : memref<10112x128xf32, #tpu.memory_space<vmem_shared>>) offsets(%dma_start3A_106 : memref<128xi32, #tpu.memory_space<vmem>>) semaphore(%run_scoped3A_99 : memref<!tpu.dma_semaphore, #tpu.memory_space<semaphore_mem>>) {add = true}
        %dma_wait3A_110 = arith.constant 0 : i32
        %dma_wait3A_111 = arith.constant 0 : i32
        %dma_wait3A_112 = tpu.memref_slice %arg9[%run_scoped3A, %dma_wait3A_110, %dma_wait3A_111] : memref<2x128x128xf32, #tpu.memory_space<vmem>> -> memref<1x128x128xf32, #tpu.memory_space<vmem>>
        %dma_wait3A_113 = tpu.memref_squeeze %dma_wait3A_112 : memref<1x128x128xf32, #tpu.memory_space<vmem>> -> memref<128x128xf32, #tpu.memory_space<vmem>>
        %dma_wait3A_114 = arith.constant 0 : i32
        %dma_wait3A_115 = tpu.memref_slice %arg8[%mul3A_46, %dma_wait3A_114] : memref<40x128xi32, #tpu.memory_space<vmem>> -> memref<1x128xi32, #tpu.memory_space<vmem>>
        %dma_wait3A_116 = tpu.memref_squeeze %dma_wait3A_115 : memref<1x128xi32, #tpu.memory_space<vmem>> -> memref<128xi32, #tpu.memory_space<vmem>>
        %dma_wait3A_117 = arith.constant 0 : i32
        %dma_wait3A_118 = arith.constant 0 : i32
        %dma_wait3A_119 = tpu.memref_slice %arg10[%dma_wait3A_117, %dma_wait3A_118] : memref<10112x128xf32, #tpu.memory_space<vmem_shared>> -> memref<10112x128xf32, #tpu.memory_space<vmem_shared>>
        tpu.wait_indirect_dma semaphore(%run_scoped3A_99 : memref<!tpu.dma_semaphore, #tpu.memory_space<semaphore_mem>>) src(%dma_wait3A_113 : memref<128x128xf32, #tpu.memory_space<vmem>>) dst(%dma_wait3A_119 : memref<10112x128xf32, #tpu.memory_space<vmem_shared>>)
        tpu.yield
      }) : () -> ()
      %add3A_76 = arith.constant 1 : i32
      %add3A_77 = arith.addi %scan3A_44, %add3A_76 : i32
      %lt3A = arith.constant 20 : i32
      %lt3A_78 = arith.cmpi slt, %add3A_77, %lt3A : i32
      %convert_element_type3A = arith.extui %lt3A_78 : i1 to i32
      %cond3A = arith.constant 0 : i32
      %cond3A_79 = arith.cmpi ne, %convert_element_type3A, %cond3A : i32
      scf.if %cond3A_79 {
        %add3A_99 = arith.constant 2 : i32
        %add3A_100 = arith.addi %mul3A_46, %add3A_99 : i32
        %dma_start3A_101 = arith.constant 0 : i32
        %dma_start3A_102 = arith.constant 0 : i32
        %dma_start3A_103 = arith.constant 0 : i32
        %dma_start3A_104 = arith.constant 0 : i32
        %dma_start3A_105 = tpu.memref_slice %arg9[%dma_start3A_101, %dma_start3A_103, %dma_start3A_104] : memref<2x128x128xf32, #tpu.memory_space<vmem>> -> memref<1x128x128xf32, #tpu.memory_space<vmem>>
        %dma_start3A_106 = tpu.memref_squeeze %dma_start3A_105 : memref<1x128x128xf32, #tpu.memory_space<vmem>> -> memref<128x128xf32, #tpu.memory_space<vmem>>
        %dma_start3A_107 = arith.constant 0 : i32
        %dma_start3A_108 = tpu.memref_slice %arg7[%add3A_100, %dma_start3A_107] : memref<40x128xi32, #tpu.memory_space<vmem>> -> memref<1x128xi32, #tpu.memory_space<vmem>>
        %dma_start3A_109 = tpu.memref_squeeze %dma_start3A_108 : memref<1x128xi32, #tpu.memory_space<vmem>> -> memref<128xi32, #tpu.memory_space<vmem>>
        %dma_start3A_110 = arith.constant 0 : i32
        %dma_start3A_111 = arith.constant 0 : i32
        %dma_start3A_112 = tpu.memref_slice %arg2[%dma_start3A_110, %dma_start3A_111] : memref<10000x128xf32, #tpu.memory_space<hbm>> -> memref<10000x128xf32, #tpu.memory_space<hbm>>
        %dma_start3A_113 = tpu.memref_slice %arg11[%dma_start3A_102] : memref<2x!tpu.dma_semaphore, #tpu.memory_space<semaphore_mem>> -> memref<1x!tpu.dma_semaphore, #tpu.memory_space<semaphore_mem>>
        %dma_start3A_114 = tpu.memref_squeeze %dma_start3A_113 : memref<1x!tpu.dma_semaphore, #tpu.memory_space<semaphore_mem>> -> memref<!tpu.dma_semaphore, #tpu.memory_space<semaphore_mem>>
        tpu.enqueue_indirect_dma source(%dma_start3A_112 : memref<10000x128xf32, #tpu.memory_space<hbm>>) target(%dma_start3A_106 : memref<128x128xf32, #tpu.memory_space<vmem>>) offsets(%dma_start3A_109 : memref<128xi32, #tpu.memory_space<vmem>>) semaphore(%dma_start3A_114 : memref<!tpu.dma_semaphore, #tpu.memory_space<semaphore_mem>>)
      } else {
      }
      %add3A_80 = arith.constant 1 : i32
      %add3A_81 = arith.addi %mul3A_46, %add3A_80 : i32
      %dma_wait3A_82 = arith.constant 1 : i32
      %dma_wait3A_83 = arith.constant 1 : i32
      %dma_wait3A_84 = arith.constant 0 : i32
      %dma_wait3A_85 = arith.constant 0 : i32
      %dma_wait3A_86 = tpu.memref_slice %arg9[%dma_wait3A_82, %dma_wait3A_84, %dma_wait3A_85] : memref<2x128x128xf32, #tpu.memory_space<vmem>> -> memref<1x128x128xf32, #tpu.memory_space<vmem>>
      %dma_wait3A_87 = tpu.memref_squeeze %dma_wait3A_86 : memref<1x128x128xf32, #tpu.memory_space<vmem>> -> memref<128x128xf32, #tpu.memory_space<vmem>>
      %dma_wait3A_88 = arith.constant 0 : i32
      %dma_wait3A_89 = tpu.memref_slice %arg7[%add3A_81, %dma_wait3A_88] : memref<40x128xi32, #tpu.memory_space<vmem>> -> memref<1x128xi32, #tpu.memory_space<vmem>>
      %dma_wait3A_90 = tpu.memref_squeeze %dma_wait3A_89 : memref<1x128xi32, #tpu.memory_space<vmem>> -> memref<128xi32, #tpu.memory_space<vmem>>
      %dma_wait3A_91 = arith.constant 0 : i32
      %dma_wait3A_92 = arith.constant 0 : i32
      %dma_wait3A_93 = tpu.memref_slice %arg2[%dma_wait3A_91, %dma_wait3A_92] : memref<10000x128xf32, #tpu.memory_space<hbm>> -> memref<10000x128xf32, #tpu.memory_space<hbm>>
      %dma_wait3A_94 = tpu.memref_slice %arg11[%dma_wait3A_83] : memref<2x!tpu.dma_semaphore, #tpu.memory_space<semaphore_mem>> -> memref<1x!tpu.dma_semaphore, #tpu.memory_space<semaphore_mem>>
      %dma_wait3A_95 = tpu.memref_squeeze %dma_wait3A_94 : memref<1x!tpu.dma_semaphore, #tpu.memory_space<semaphore_mem>> -> memref<!tpu.dma_semaphore, #tpu.memory_space<semaphore_mem>>
      tpu.wait_indirect_dma semaphore(%dma_wait3A_95 : memref<!tpu.dma_semaphore, #tpu.memory_space<semaphore_mem>>) src(%dma_wait3A_93 : memref<10000x128xf32, #tpu.memory_space<hbm>>) dst(%dma_wait3A_87 : memref<128x128xf32, #tpu.memory_space<vmem>>)
      %add3A_96 = arith.constant 1 : i32
      %add3A_97 = arith.addi %mul3A_46, %add3A_96 : i32
      %run_scoped3A_98 = arith.constant 1 : i32
      "tpu.region"() ({
        %run_scoped3A_99 = tpu.sem_alloc : memref<!tpu.dma_semaphore, #tpu.memory_space<semaphore_mem>>
        %dma_start3A_100 = arith.constant 0 : i32
        %dma_start3A_101 = arith.constant 0 : i32
        %dma_start3A_102 = tpu.memref_slice %arg9[%run_scoped3A_98, %dma_start3A_100, %dma_start3A_101] : memref<2x128x128xf32, #tpu.memory_space<vmem>> -> memref<1x128x128xf32, #tpu.memory_space<vmem>>
        %dma_start3A_103 = tpu.memref_squeeze %dma_start3A_102 : memref<1x128x128xf32, #tpu.memory_space<vmem>> -> memref<128x128xf32, #tpu.memory_space<vmem>>
        %dma_start3A_104 = arith.constant 0 : i32
        %dma_start3A_105 = tpu.memref_slice %arg8[%add3A_97, %dma_start3A_104] : memref<40x128xi32, #tpu.memory_space<vmem>> -> memref<1x128xi32, #tpu.memory_space<vmem>>
        %dma_start3A_106 = tpu.memref_squeeze %dma_start3A_105 : memref<1x128xi32, #tpu.memory_space<vmem>> -> memref<128xi32, #tpu.memory_space<vmem>>
        %dma_start3A_107 = arith.constant 0 : i32
        %dma_start3A_108 = arith.constant 0 : i32
        %dma_start3A_109 = tpu.memref_slice %arg10[%dma_start3A_107, %dma_start3A_108] : memref<10112x128xf32, #tpu.memory_space<vmem_shared>> -> memref<10112x128xf32, #tpu.memory_space<vmem_shared>>
        tpu.enqueue_indirect_dma source(%dma_start3A_103 : memref<128x128xf32, #tpu.memory_space<vmem>>) target(%dma_start3A_109 : memref<10112x128xf32, #tpu.memory_space<vmem_shared>>) offsets(%dma_start3A_106 : memref<128xi32, #tpu.memory_space<vmem>>) semaphore(%run_scoped3A_99 : memref<!tpu.dma_semaphore, #tpu.memory_space<semaphore_mem>>) {add = true}
        %dma_wait3A_110 = arith.constant 0 : i32
        %dma_wait3A_111 = arith.constant 0 : i32
        %dma_wait3A_112 = tpu.memref_slice %arg9[%run_scoped3A_98, %dma_wait3A_110, %dma_wait3A_111] : memref<2x128x128xf32, #tpu.memory_space<vmem>> -> memref<1x128x128xf32, #tpu.memory_space<vmem>>
        %dma_wait3A_113 = tpu.memref_squeeze %dma_wait3A_112 : memref<1x128x128xf32, #tpu.memory_space<vmem>> -> memref<128x128xf32, #tpu.memory_space<vmem>>
        %dma_wait3A_114 = arith.constant 0 : i32
        %dma_wait3A_115 = tpu.memref_slice %arg8[%add3A_97, %dma_wait3A_114] : memref<40x128xi32, #tpu.memory_space<vmem>> -> memref<1x128xi32, #tpu.memory_space<vmem>>
        %dma_wait3A_116 = tpu.memref_squeeze %dma_wait3A_115 : memref<1x128xi32, #tpu.memory_space<vmem>> -> memref<128xi32, #tpu.memory_space<vmem>>
        %dma_wait3A_117 = arith.constant 0 : i32
        %dma_wait3A_118 = arith.constant 0 : i32
        %dma_wait3A_119 = tpu.memref_slice %arg10[%dma_wait3A_117, %dma_wait3A_118] : memref<10112x128xf32, #tpu.memory_space<vmem_shared>> -> memref<10112x128xf32, #tpu.memory_space<vmem_shared>>
        tpu.wait_indirect_dma semaphore(%run_scoped3A_99 : memref<!tpu.dma_semaphore, #tpu.memory_space<semaphore_mem>>) src(%dma_wait3A_113 : memref<128x128xf32, #tpu.memory_space<vmem>>) dst(%dma_wait3A_119 : memref<10112x128xf32, #tpu.memory_space<vmem_shared>>)
        tpu.yield
      }) : () -> ()
    }
    %scan3A_42 = arith.constant 20 : i32
    %barrier3A_43 = arith.constant 0 : index
    tpu.barrier barrier_id(%barrier3A_43)
    "tpu.region"() ({
      %run_scoped3A = tpu.sem_alloc : memref<!tpu.dma_semaphore, #tpu.memory_space<semaphore_mem>>
      %dma_start3A_44 = arith.constant 0 : i32
      %dma_start3A_45 = tpu.memref_slice %arg6[%arg0, %mul3A_2, %dma_start3A_44] : memref<2x10112x128xf32, #tpu.memory_space<hbm>> -> memref<1x632x128xf32, #tpu.memory_space<hbm>>
      %dma_start3A_46 = tpu.memref_squeeze %dma_start3A_45 : memref<1x632x128xf32, #tpu.memory_space<hbm>> -> memref<632x128xf32, #tpu.memory_space<hbm>>
      %dma_start3A_47 = arith.constant 0 : i32
      %dma_start3A_48 = tpu.memref_slice %arg10[%mul3A_2, %dma_start3A_47] : memref<10112x128xf32, #tpu.memory_space<vmem_shared>> -> memref<632x128xf32, #tpu.memory_space<vmem_shared>>
      tpu.enqueue_dma source(%dma_start3A_48 : memref<632x128xf32, #tpu.memory_space<vmem_shared>>) target(%dma_start3A_46 : memref<632x128xf32, #tpu.memory_space<hbm>>) target_semaphore(%run_scoped3A : memref<!tpu.dma_semaphore, #tpu.memory_space<semaphore_mem>>)
      %dma_wait3A = arith.constant 0 : i32
      %dma_wait3A_49 = tpu.memref_slice %arg6[%arg0, %mul3A_2, %dma_wait3A] : memref<2x10112x128xf32, #tpu.memory_space<hbm>> -> memref<1x632x128xf32, #tpu.memory_space<hbm>>
      %dma_wait3A_50 = tpu.memref_squeeze %dma_wait3A_49 : memref<1x632x128xf32, #tpu.memory_space<hbm>> -> memref<632x128xf32, #tpu.memory_space<hbm>>
      %dma_wait3A_51 = arith.constant 0 : i32
      %dma_wait3A_52 = tpu.memref_slice %arg10[%mul3A_2, %dma_wait3A_51] : memref<10112x128xf32, #tpu.memory_space<vmem_shared>> -> memref<632x128xf32, #tpu.memory_space<vmem_shared>>
      tpu.wait_dma2 semaphore(%run_scoped3A : memref<!tpu.dma_semaphore, #tpu.memory_space<semaphore_mem>>) src(%dma_wait3A_52 : memref<632x128xf32, #tpu.memory_space<vmem_shared>>) dst(%dma_wait3A_50 : memref<632x128xf32, #tpu.memory_space<hbm>>)
      tpu.yield
    }) : () -> ()
    return
  }
}

#map = affine_map<(d0, d1) -> (0, 0, 0)>
#map1 = affine_map<(d0, d1) -> (0, 0)>
module attributes {stable_mosaic.version = 14 : i64} {
  func.func @body(%arg0: i32, %arg1: i32, %arg2: memref<32x80x128xi32, #tpu.memory_space<hbm>>, %arg3: memref<632x128xf32, #tpu.memory_space<hbm>>, %arg4: memref<128x128xf32, #tpu.memory_space<hbm>>, %arg5: memref<2x10112x128xf32, #tpu.memory_space<hbm>>, %arg6: memref<80x128xi32, #tpu.memory_space<vmem>>, %arg7: memref<128x128xf32, #tpu.memory_space<vmem>>, %arg8: memref<10112x128xf32, #tpu.memory_space<vmem_shared>>) attributes {dimension_semantics = [#tpu.dimension_semantics<core_parallel>, #tpu.dimension_semantics<subcore_parallel>], iteration_bounds = array<i64: 2, 16>, scalar_prefetch = 0 : i64, scratch_operands = 3 : i64, tpu.core_type = #tpu.core_type<sc_vector_subcore>, window_params = [{transform_indices = #map}, {transform_indices = #map1}, {transform_indices = #map1}, {transform_indices = #map}]} {
    %mul3A = arith.constant 16 : i32
    %mul3A_0 = arith.muli %arg0, %mul3A : i32
    %add3A = arith.addi %mul3A_0, %arg1 : i32
    %mul3A_1 = arith.constant 632 : i32
    %mul3A_2 = arith.muli %arg1, %mul3A_1 : i32
    "tpu.region"() ({
      %run_scoped3A = tpu.sem_alloc : memref<!tpu.dma_semaphore, #tpu.memory_space<semaphore_mem>>
      %dma_start3A = arith.constant 0 : i32
      %dma_start3A_9 = arith.constant 0 : i32
      %dma_start3A_10 = tpu.memref_slice %arg2[%add3A, %dma_start3A, %dma_start3A_9] : memref<32x80x128xi32, #tpu.memory_space<hbm>> -> memref<1x80x128xi32, #tpu.memory_space<hbm>>
      %dma_start3A_11 = tpu.memref_squeeze %dma_start3A_10 : memref<1x80x128xi32, #tpu.memory_space<hbm>> -> memref<80x128xi32, #tpu.memory_space<hbm>>
      %dma_start3A_12 = arith.constant 0 : i32
      %dma_start3A_13 = arith.constant 0 : i32
      %dma_start3A_14 = tpu.memref_slice %arg2[%add3A, %dma_start3A_12, %dma_start3A_13] : memref<32x80x128xi32, #tpu.memory_space<hbm>> -> memref<1x80x128xi32, #tpu.memory_space<hbm>>
      %dma_start3A_15 = tpu.memref_squeeze %dma_start3A_14 : memref<1x80x128xi32, #tpu.memory_space<hbm>> -> memref<80x128xi32, #tpu.memory_space<hbm>>
      tpu.enqueue_dma source(%dma_start3A_15 : memref<80x128xi32, #tpu.memory_space<hbm>>) target(%arg6 : memref<80x128xi32, #tpu.memory_space<vmem>>) target_semaphore(%run_scoped3A : memref<!tpu.dma_semaphore, #tpu.memory_space<semaphore_mem>>)
      %dma_wait3A = arith.constant 0 : i32
      %dma_wait3A_16 = arith.constant 0 : i32
      %dma_wait3A_17 = tpu.memref_slice %arg2[%add3A, %dma_wait3A, %dma_wait3A_16] : memref<32x80x128xi32, #tpu.memory_space<hbm>> -> memref<1x80x128xi32, #tpu.memory_space<hbm>>
      %dma_wait3A_18 = tpu.memref_squeeze %dma_wait3A_17 : memref<1x80x128xi32, #tpu.memory_space<hbm>> -> memref<80x128xi32, #tpu.memory_space<hbm>>
      %dma_wait3A_19 = arith.constant 0 : i32
      %dma_wait3A_20 = arith.constant 0 : i32
      %dma_wait3A_21 = tpu.memref_slice %arg2[%add3A, %dma_wait3A_19, %dma_wait3A_20] : memref<32x80x128xi32, #tpu.memory_space<hbm>> -> memref<1x80x128xi32, #tpu.memory_space<hbm>>
      %dma_wait3A_22 = tpu.memref_squeeze %dma_wait3A_21 : memref<1x80x128xi32, #tpu.memory_space<hbm>> -> memref<80x128xi32, #tpu.memory_space<hbm>>
      tpu.wait_dma2 semaphore(%run_scoped3A : memref<!tpu.dma_semaphore, #tpu.memory_space<semaphore_mem>>) src(%dma_wait3A_22 : memref<80x128xi32, #tpu.memory_space<hbm>>) dst(%arg6 : memref<80x128xi32, #tpu.memory_space<vmem>>)
      tpu.yield
    }) : () -> ()
    "tpu.region"() ({
      %run_scoped3A = tpu.sem_alloc : memref<!tpu.dma_semaphore, #tpu.memory_space<semaphore_mem>>
      tpu.enqueue_dma source(%arg4 : memref<128x128xf32, #tpu.memory_space<hbm>>) target(%arg7 : memref<128x128xf32, #tpu.memory_space<vmem>>) target_semaphore(%run_scoped3A : memref<!tpu.dma_semaphore, #tpu.memory_space<semaphore_mem>>)
      tpu.wait_dma2 semaphore(%run_scoped3A : memref<!tpu.dma_semaphore, #tpu.memory_space<semaphore_mem>>) src(%arg4 : memref<128x128xf32, #tpu.memory_space<hbm>>) dst(%arg7 : memref<128x128xf32, #tpu.memory_space<vmem>>)
      tpu.yield
    }) : () -> ()
    "tpu.region"() ({
      %run_scoped3A = tpu.sem_alloc : memref<!tpu.dma_semaphore, #tpu.memory_space<semaphore_mem>>
      %dma_start3A = arith.constant 0 : i32
      %dma_start3A_9 = tpu.memref_slice %arg8[%mul3A_2, %dma_start3A] : memref<10112x128xf32, #tpu.memory_space<vmem_shared>> -> memref<632x128xf32, #tpu.memory_space<vmem_shared>>
      tpu.enqueue_dma source(%arg3 : memref<632x128xf32, #tpu.memory_space<hbm>>) target(%dma_start3A_9 : memref<632x128xf32, #tpu.memory_space<vmem_shared>>) target_semaphore(%run_scoped3A : memref<!tpu.dma_semaphore, #tpu.memory_space<semaphore_mem>>)
      %dma_wait3A = arith.constant 0 : i32
      %dma_wait3A_10 = tpu.memref_slice %arg8[%mul3A_2, %dma_wait3A] : memref<10112x128xf32, #tpu.memory_space<vmem_shared>> -> memref<632x128xf32, #tpu.memory_space<vmem_shared>>
      tpu.wait_dma2 semaphore(%run_scoped3A : memref<!tpu.dma_semaphore, #tpu.memory_space<semaphore_mem>>) src(%arg3 : memref<632x128xf32, #tpu.memory_space<hbm>>) dst(%dma_wait3A_10 : memref<632x128xf32, #tpu.memory_space<vmem_shared>>)
      tpu.yield
    }) : () -> ()
    %barrier3A = arith.constant 0 : index
    tpu.barrier barrier_id(%barrier3A)
    %scan3A = arith.constant 0 : i32
    %scan3A_3 = arith.constant 0 : i32
    %scan3A_4 = arith.constant 80 : i32
    %scan3A_5 = arith.addi %scan3A_3, %scan3A_4 : i32
    %scan3A_6 = arith.constant 1 : i32
    scf.for %scan3A_9 = %scan3A_3 to %scan3A_5 step %scan3A_6  : i32 {
      "tpu.region"() ({
        %run_scoped3A = tpu.sem_alloc : memref<!tpu.dma_semaphore, #tpu.memory_space<semaphore_mem>>
        %dma_start3A = arith.constant 0 : i32
        %dma_start3A_10 = tpu.memref_slice %arg6[%scan3A_9, %dma_start3A] : memref<80x128xi32, #tpu.memory_space<vmem>> -> memref<1x128xi32, #tpu.memory_space<vmem>>
        %dma_start3A_11 = tpu.memref_squeeze %dma_start3A_10 : memref<1x128xi32, #tpu.memory_space<vmem>> -> memref<128xi32, #tpu.memory_space<vmem>>
        %dma_start3A_12 = arith.constant 0 : i32
        %dma_start3A_13 = arith.constant 0 : i32
        %dma_start3A_14 = tpu.memref_slice %arg8[%dma_start3A_12, %dma_start3A_13] : memref<10112x128xf32, #tpu.memory_space<vmem_shared>> -> memref<10112x128xf32, #tpu.memory_space<vmem_shared>>
        tpu.enqueue_indirect_dma source(%arg7 : memref<128x128xf32, #tpu.memory_space<vmem>>) target(%dma_start3A_14 : memref<10112x128xf32, #tpu.memory_space<vmem_shared>>) offsets(%dma_start3A_11 : memref<128xi32, #tpu.memory_space<vmem>>) semaphore(%run_scoped3A : memref<!tpu.dma_semaphore, #tpu.memory_space<semaphore_mem>>) {add = true}
        %dma_wait3A = arith.constant 0 : i32
        %dma_wait3A_15 = tpu.memref_slice %arg6[%scan3A_9, %dma_wait3A] : memref<80x128xi32, #tpu.memory_space<vmem>> -> memref<1x128xi32, #tpu.memory_space<vmem>>
        %dma_wait3A_16 = tpu.memref_squeeze %dma_wait3A_15 : memref<1x128xi32, #tpu.memory_space<vmem>> -> memref<128xi32, #tpu.memory_space<vmem>>
        %dma_wait3A_17 = arith.constant 0 : i32
        %dma_wait3A_18 = arith.constant 0 : i32
        %dma_wait3A_19 = tpu.memref_slice %arg8[%dma_wait3A_17, %dma_wait3A_18] : memref<10112x128xf32, #tpu.memory_space<vmem_shared>> -> memref<10112x128xf32, #tpu.memory_space<vmem_shared>>
        tpu.wait_indirect_dma semaphore(%run_scoped3A : memref<!tpu.dma_semaphore, #tpu.memory_space<semaphore_mem>>) src(%arg7 : memref<128x128xf32, #tpu.memory_space<vmem>>) dst(%dma_wait3A_19 : memref<10112x128xf32, #tpu.memory_space<vmem_shared>>)
        tpu.yield
      }) : () -> ()
    }
    %scan3A_7 = arith.constant 80 : i32
    %barrier3A_8 = arith.constant 0 : index
    tpu.barrier barrier_id(%barrier3A_8)
    "tpu.region"() ({
      %run_scoped3A = tpu.sem_alloc : memref<!tpu.dma_semaphore, #tpu.memory_space<semaphore_mem>>
      %dma_start3A = arith.constant 0 : i32
      %dma_start3A_9 = tpu.memref_slice %arg5[%arg0, %mul3A_2, %dma_start3A] : memref<2x10112x128xf32, #tpu.memory_space<hbm>> -> memref<1x632x128xf32, #tpu.memory_space<hbm>>
      %dma_start3A_10 = tpu.memref_squeeze %dma_start3A_9 : memref<1x632x128xf32, #tpu.memory_space<hbm>> -> memref<632x128xf32, #tpu.memory_space<hbm>>
      %dma_start3A_11 = arith.constant 0 : i32
      %dma_start3A_12 = tpu.memref_slice %arg8[%mul3A_2, %dma_start3A_11] : memref<10112x128xf32, #tpu.memory_space<vmem_shared>> -> memref<632x128xf32, #tpu.memory_space<vmem_shared>>
      tpu.enqueue_dma source(%dma_start3A_12 : memref<632x128xf32, #tpu.memory_space<vmem_shared>>) target(%dma_start3A_10 : memref<632x128xf32, #tpu.memory_space<hbm>>) target_semaphore(%run_scoped3A : memref<!tpu.dma_semaphore, #tpu.memory_space<semaphore_mem>>)
      %dma_wait3A = arith.constant 0 : i32
      %dma_wait3A_13 = tpu.memref_slice %arg5[%arg0, %mul3A_2, %dma_wait3A] : memref<2x10112x128xf32, #tpu.memory_space<hbm>> -> memref<1x632x128xf32, #tpu.memory_space<hbm>>
      %dma_wait3A_14 = tpu.memref_squeeze %dma_wait3A_13 : memref<1x632x128xf32, #tpu.memory_space<hbm>> -> memref<632x128xf32, #tpu.memory_space<hbm>>
      %dma_wait3A_15 = arith.constant 0 : i32
      %dma_wait3A_16 = tpu.memref_slice %arg8[%mul3A_2, %dma_wait3A_15] : memref<10112x128xf32, #tpu.memory_space<vmem_shared>> -> memref<632x128xf32, #tpu.memory_space<vmem_shared>>
      tpu.wait_dma2 semaphore(%run_scoped3A : memref<!tpu.dma_semaphore, #tpu.memory_space<semaphore_mem>>) src(%dma_wait3A_16 : memref<632x128xf32, #tpu.memory_space<vmem_shared>>) dst(%dma_wait3A_14 : memref<632x128xf32, #tpu.memory_space<hbm>>)
      tpu.yield
    }) : () -> ()
    return
  }
}

#map = affine_map<(d0, d1) -> (0, 0)>
#map1 = affine_map<(d0, d1) -> (0, 0, 0)>
module attributes {stable_mosaic.version = 14 : i64} {
  func.func @body(%arg0: i32, %arg1: i32, %arg2: memref<10000x128xf32, #tpu.memory_space<hbm>>, %arg3: memref<32x80x128xi32, #tpu.memory_space<hbm>>, %arg4: memref<32x80x128xi32, #tpu.memory_space<hbm>>, %arg5: memref<632x128xf32, #tpu.memory_space<hbm>>, %arg6: memref<2x10112x128xf32, #tpu.memory_space<hbm>>, %arg7: memref<40x128xi32, #tpu.memory_space<vmem>>, %arg8: memref<40x128xi32, #tpu.memory_space<vmem>>, %arg9: memref<2x128x128xf32, #tpu.memory_space<vmem>>, %arg10: memref<10112x128xf32, #tpu.memory_space<vmem_shared>>, %arg11: memref<2x!tpu.dma_semaphore, #tpu.memory_space<semaphore_mem>>) attributes {dimension_semantics = [#tpu.dimension_semantics<core_parallel>, #tpu.dimension_semantics<subcore_parallel>], iteration_bounds = array<i64: 2, 16>, scalar_prefetch = 0 : i64, scratch_operands = 5 : i64, tpu.core_type = #tpu.core_type<sc_vector_subcore>, window_params = [{transform_indices = #map}, {transform_indices = #map1}, {transform_indices = #map1}, {transform_indices = #map}, {transform_indices = #map1}]} {
    %mul3A = arith.constant 16 : i32
    %mul3A_0 = arith.muli %arg0, %mul3A : i32
    %add3A = arith.addi %mul3A_0, %arg1 : i32
    %mul3A_1 = arith.constant 632 : i32
    %mul3A_2 = arith.muli %arg1, %mul3A_1 : i32
    "tpu.region"() ({
      %run_scoped3A = tpu.sem_alloc : memref<!tpu.dma_semaphore, #tpu.memory_space<semaphore_mem>>
      %dma_start3A_44 = arith.constant 0 : i32
      %dma_start3A_45 = tpu.memref_slice %arg10[%mul3A_2, %dma_start3A_44] : memref<10112x128xf32, #tpu.memory_space<vmem_shared>> -> memref<632x128xf32, #tpu.memory_space<vmem_shared>>
      tpu.enqueue_dma source(%arg5 : memref<632x128xf32, #tpu.memory_space<hbm>>) target(%dma_start3A_45 : memref<632x128xf32, #tpu.memory_space<vmem_shared>>) target_semaphore(%run_scoped3A : memref<!tpu.dma_semaphore, #tpu.memory_space<semaphore_mem>>)
      %dma_wait3A = arith.constant 0 : i32
      %dma_wait3A_46 = tpu.memref_slice %arg10[%mul3A_2, %dma_wait3A] : memref<10112x128xf32, #tpu.memory_space<vmem_shared>> -> memref<632x128xf32, #tpu.memory_space<vmem_shared>>
      tpu.wait_dma2 semaphore(%run_scoped3A : memref<!tpu.dma_semaphore, #tpu.memory_space<semaphore_mem>>) src(%arg5 : memref<632x128xf32, #tpu.memory_space<hbm>>) dst(%dma_wait3A_46 : memref<632x128xf32, #tpu.memory_space<vmem_shared>>)
      tpu.yield
    }) : () -> ()
    %barrier3A = arith.constant 0 : index
    tpu.barrier barrier_id(%barrier3A)
    "tpu.region"() ({
      %run_scoped3A = tpu.sem_alloc : memref<!tpu.dma_semaphore, #tpu.memory_space<semaphore_mem>>
      %dma_start3A_44 = arith.constant 0 : i32
      %dma_start3A_45 = arith.constant 0 : i32
      %dma_start3A_46 = tpu.memref_slice %arg3[%add3A, %dma_start3A_44, %dma_start3A_45] : memref<32x80x128xi32, #tpu.memory_space<hbm>> -> memref<1x40x128xi32, #tpu.memory_space<hbm>>
      %dma_start3A_47 = tpu.memref_squeeze %dma_start3A_46 : memref<1x40x128xi32, #tpu.memory_space<hbm>> -> memref<40x128xi32, #tpu.memory_space<hbm>>
      %dma_start3A_48 = arith.constant 0 : i32
      %dma_start3A_49 = arith.constant 0 : i32
      %dma_start3A_50 = tpu.memref_slice %arg3[%add3A, %dma_start3A_48, %dma_start3A_49] : memref<32x80x128xi32, #tpu.memory_space<hbm>> -> memref<1x40x128xi32, #tpu.memory_space<hbm>>
      %dma_start3A_51 = tpu.memref_squeeze %dma_start3A_50 : memref<1x40x128xi32, #tpu.memory_space<hbm>> -> memref<40x128xi32, #tpu.memory_space<hbm>>
      tpu.enqueue_dma source(%dma_start3A_51 : memref<40x128xi32, #tpu.memory_space<hbm>>) target(%arg7 : memref<40x128xi32, #tpu.memory_space<vmem>>) target_semaphore(%run_scoped3A : memref<!tpu.dma_semaphore, #tpu.memory_space<semaphore_mem>>)
      %dma_wait3A = arith.constant 0 : i32
      %dma_wait3A_52 = arith.constant 0 : i32
      %dma_wait3A_53 = tpu.memref_slice %arg3[%add3A, %dma_wait3A, %dma_wait3A_52] : memref<32x80x128xi32, #tpu.memory_space<hbm>> -> memref<1x40x128xi32, #tpu.memory_space<hbm>>
      %dma_wait3A_54 = tpu.memref_squeeze %dma_wait3A_53 : memref<1x40x128xi32, #tpu.memory_space<hbm>> -> memref<40x128xi32, #tpu.memory_space<hbm>>
      %dma_wait3A_55 = arith.constant 0 : i32
      %dma_wait3A_56 = arith.constant 0 : i32
      %dma_wait3A_57 = tpu.memref_slice %arg3[%add3A, %dma_wait3A_55, %dma_wait3A_56] : memref<32x80x128xi32, #tpu.memory_space<hbm>> -> memref<1x40x128xi32, #tpu.memory_space<hbm>>
      %dma_wait3A_58 = tpu.memref_squeeze %dma_wait3A_57 : memref<1x40x128xi32, #tpu.memory_space<hbm>> -> memref<40x128xi32, #tpu.memory_space<hbm>>
      tpu.wait_dma2 semaphore(%run_scoped3A : memref<!tpu.dma_semaphore, #tpu.memory_space<semaphore_mem>>) src(%dma_wait3A_58 : memref<40x128xi32, #tpu.memory_space<hbm>>) dst(%arg7 : memref<40x128xi32, #tpu.memory_space<vmem>>)
      tpu.yield
    }) : () -> ()
    "tpu.region"() ({
      %run_scoped3A = tpu.sem_alloc : memref<!tpu.dma_semaphore, #tpu.memory_space<semaphore_mem>>
      %dma_start3A_44 = arith.constant 0 : i32
      %dma_start3A_45 = arith.constant 0 : i32
      %dma_start3A_46 = tpu.memref_slice %arg4[%add3A, %dma_start3A_44, %dma_start3A_45] : memref<32x80x128xi32, #tpu.memory_space<hbm>> -> memref<1x40x128xi32, #tpu.memory_space<hbm>>
      %dma_start3A_47 = tpu.memref_squeeze %dma_start3A_46 : memref<1x40x128xi32, #tpu.memory_space<hbm>> -> memref<40x128xi32, #tpu.memory_space<hbm>>
      %dma_start3A_48 = arith.constant 0 : i32
      %dma_start3A_49 = arith.constant 0 : i32
      %dma_start3A_50 = tpu.memref_slice %arg4[%add3A, %dma_start3A_48, %dma_start3A_49] : memref<32x80x128xi32, #tpu.memory_space<hbm>> -> memref<1x40x128xi32, #tpu.memory_space<hbm>>
      %dma_start3A_51 = tpu.memref_squeeze %dma_start3A_50 : memref<1x40x128xi32, #tpu.memory_space<hbm>> -> memref<40x128xi32, #tpu.memory_space<hbm>>
      tpu.enqueue_dma source(%dma_start3A_51 : memref<40x128xi32, #tpu.memory_space<hbm>>) target(%arg8 : memref<40x128xi32, #tpu.memory_space<vmem>>) target_semaphore(%run_scoped3A : memref<!tpu.dma_semaphore, #tpu.memory_space<semaphore_mem>>)
      %dma_wait3A = arith.constant 0 : i32
      %dma_wait3A_52 = arith.constant 0 : i32
      %dma_wait3A_53 = tpu.memref_slice %arg4[%add3A, %dma_wait3A, %dma_wait3A_52] : memref<32x80x128xi32, #tpu.memory_space<hbm>> -> memref<1x40x128xi32, #tpu.memory_space<hbm>>
      %dma_wait3A_54 = tpu.memref_squeeze %dma_wait3A_53 : memref<1x40x128xi32, #tpu.memory_space<hbm>> -> memref<40x128xi32, #tpu.memory_space<hbm>>
      %dma_wait3A_55 = arith.constant 0 : i32
      %dma_wait3A_56 = arith.constant 0 : i32
      %dma_wait3A_57 = tpu.memref_slice %arg4[%add3A, %dma_wait3A_55, %dma_wait3A_56] : memref<32x80x128xi32, #tpu.memory_space<hbm>> -> memref<1x40x128xi32, #tpu.memory_space<hbm>>
      %dma_wait3A_58 = tpu.memref_squeeze %dma_wait3A_57 : memref<1x40x128xi32, #tpu.memory_space<hbm>> -> memref<40x128xi32, #tpu.memory_space<hbm>>
      tpu.wait_dma2 semaphore(%run_scoped3A : memref<!tpu.dma_semaphore, #tpu.memory_space<semaphore_mem>>) src(%dma_wait3A_58 : memref<40x128xi32, #tpu.memory_space<hbm>>) dst(%arg8 : memref<40x128xi32, #tpu.memory_space<vmem>>)
      tpu.yield
    }) : () -> ()
    %dma_start3A = arith.constant 0 : i32
    %dma_start3A_3 = arith.constant 0 : i32
    %dma_start3A_4 = arith.constant 0 : i32
    %dma_start3A_5 = arith.constant 0 : i32
    %dma_start3A_6 = arith.constant 0 : i32
    %dma_start3A_7 = tpu.memref_slice %arg9[%dma_start3A_3, %dma_start3A_5, %dma_start3A_6] : memref<2x128x128xf32, #tpu.memory_space<vmem>> -> memref<1x128x128xf32, #tpu.memory_space<vmem>>
    %dma_start3A_8 = tpu.memref_squeeze %dma_start3A_7 : memref<1x128x128xf32, #tpu.memory_space<vmem>> -> memref<128x128xf32, #tpu.memory_space<vmem>>
    %dma_start3A_9 = arith.constant 0 : i32
    %dma_start3A_10 = tpu.memref_slice %arg7[%dma_start3A, %dma_start3A_9] : memref<40x128xi32, #tpu.memory_space<vmem>> -> memref<1x128xi32, #tpu.memory_space<vmem>>
    %dma_start3A_11 = tpu.memref_squeeze %dma_start3A_10 : memref<1x128xi32, #tpu.memory_space<vmem>> -> memref<128xi32, #tpu.memory_space<vmem>>
    %dma_start3A_12 = arith.constant 0 : i32
    %dma_start3A_13 = arith.constant 0 : i32
    %dma_start3A_14 = tpu.memref_slice %arg2[%dma_start3A_12, %dma_start3A_13] : memref<10000x128xf32, #tpu.memory_space<hbm>> -> memref<10000x128xf32, #tpu.memory_space<hbm>>
    %dma_start3A_15 = tpu.memref_slice %arg11[%dma_start3A_4] : memref<2x!tpu.dma_semaphore, #tpu.memory_space<semaphore_mem>> -> memref<1x!tpu.dma_semaphore, #tpu.memory_space<semaphore_mem>>
    %dma_start3A_16 = tpu.memref_squeeze %dma_start3A_15 : memref<1x!tpu.dma_semaphore, #tpu.memory_space<semaphore_mem>> -> memref<!tpu.dma_semaphore, #tpu.memory_space<semaphore_mem>>
    tpu.enqueue_indirect_dma source(%dma_start3A_14 : memref<10000x128xf32, #tpu.memory_space<hbm>>) target(%dma_start3A_8 : memref<128x128xf32, #tpu.memory_space<vmem>>) offsets(%dma_start3A_11 : memref<128xi32, #tpu.memory_space<vmem>>) semaphore(%dma_start3A_16 : memref<!tpu.dma_semaphore, #tpu.memory_space<semaphore_mem>>)
    %scan3A = arith.constant 0 : i32
    %scan3A_17 = arith.constant 0 : i32
    %scan3A_18 = arith.constant 20 : i32
    %scan3A_19 = arith.addi %scan3A_17, %scan3A_18 : i32
    %scan3A_20 = arith.constant 1 : i32
    scf.for %scan3A_44 = %scan3A_17 to %scan3A_19 step %scan3A_20  : i32 {
      %mul3A_45 = arith.constant 2 : i32
      %mul3A_46 = arith.muli %mul3A_45, %scan3A_44 : i32
      %add3A_47 = arith.constant 1 : i32
      %add3A_48 = arith.addi %mul3A_46, %add3A_47 : i32
      %dma_start3A_49 = arith.constant 1 : i32
      %dma_start3A_50 = arith.constant 1 : i32
      %dma_start3A_51 = arith.constant 0 : i32
      %dma_start3A_52 = arith.constant 0 : i32
      %dma_start3A_53 = tpu.memref_slice %arg9[%dma_start3A_49, %dma_start3A_51, %dma_start3A_52] : memref<2x128x128xf32, #tpu.memory_space<vmem>> -> memref<1x128x128xf32, #tpu.memory_space<vmem>>
      %dma_start3A_54 = tpu.memref_squeeze %dma_start3A_53 : memref<1x128x128xf32, #tpu.memory_space<vmem>> -> memref<128x128xf32, #tpu.memory_space<vmem>>
      %dma_start3A_55 = arith.constant 0 : i32
      %dma_start3A_56 = tpu.memref_slice %arg7[%add3A_48, %dma_start3A_55] : memref<40x128xi32, #tpu.memory_space<vmem>> -> memref<1x128xi32, #tpu.memory_space<vmem>>
      %dma_start3A_57 = tpu.memref_squeeze %dma_start3A_56 : memref<1x128xi32, #tpu.memory_space<vmem>> -> memref<128xi32, #tpu.memory_space<vmem>>
      %dma_start3A_58 = arith.constant 0 : i32
      %dma_start3A_59 = arith.constant 0 : i32
      %dma_start3A_60 = tpu.memref_slice %arg2[%dma_start3A_58, %dma_start3A_59] : memref<10000x128xf32, #tpu.memory_space<hbm>> -> memref<10000x128xf32, #tpu.memory_space<hbm>>
      %dma_start3A_61 = tpu.memref_slice %arg11[%dma_start3A_50] : memref<2x!tpu.dma_semaphore, #tpu.memory_space<semaphore_mem>> -> memref<1x!tpu.dma_semaphore, #tpu.memory_space<semaphore_mem>>
      %dma_start3A_62 = tpu.memref_squeeze %dma_start3A_61 : memref<1x!tpu.dma_semaphore, #tpu.memory_space<semaphore_mem>> -> memref<!tpu.dma_semaphore, #tpu.memory_space<semaphore_mem>>
      tpu.enqueue_indirect_dma source(%dma_start3A_60 : memref<10000x128xf32, #tpu.memory_space<hbm>>) target(%dma_start3A_54 : memref<128x128xf32, #tpu.memory_space<vmem>>) offsets(%dma_start3A_57 : memref<128xi32, #tpu.memory_space<vmem>>) semaphore(%dma_start3A_62 : memref<!tpu.dma_semaphore, #tpu.memory_space<semaphore_mem>>)
      %dma_wait3A = arith.constant 0 : i32
      %dma_wait3A_63 = arith.constant 0 : i32
      %dma_wait3A_64 = arith.constant 0 : i32
      %dma_wait3A_65 = arith.constant 0 : i32
      %dma_wait3A_66 = tpu.memref_slice %arg9[%dma_wait3A, %dma_wait3A_64, %dma_wait3A_65] : memref<2x128x128xf32, #tpu.memory_space<vmem>> -> memref<1x128x128xf32, #tpu.memory_space<vmem>>
      %dma_wait3A_67 = tpu.memref_squeeze %dma_wait3A_66 : memref<1x128x128xf32, #tpu.memory_space<vmem>> -> memref<128x128xf32, #tpu.memory_space<vmem>>
      %dma_wait3A_68 = arith.constant 0 : i32
      %dma_wait3A_69 = tpu.memref_slice %arg7[%mul3A_46, %dma_wait3A_68] : memref<40x128xi32, #tpu.memory_space<vmem>> -> memref<1x128xi32, #tpu.memory_space<vmem>>
      %dma_wait3A_70 = tpu.memref_squeeze %dma_wait3A_69 : memref<1x128xi32, #tpu.memory_space<vmem>> -> memref<128xi32, #tpu.memory_space<vmem>>
      %dma_wait3A_71 = arith.constant 0 : i32
      %dma_wait3A_72 = arith.constant 0 : i32
      %dma_wait3A_73 = tpu.memref_slice %arg2[%dma_wait3A_71, %dma_wait3A_72] : memref<10000x128xf32, #tpu.memory_space<hbm>> -> memref<10000x128xf32, #tpu.memory_space<hbm>>
      %dma_wait3A_74 = tpu.memref_slice %arg11[%dma_wait3A_63] : memref<2x!tpu.dma_semaphore, #tpu.memory_space<semaphore_mem>> -> memref<1x!tpu.dma_semaphore, #tpu.memory_space<semaphore_mem>>
      %dma_wait3A_75 = tpu.memref_squeeze %dma_wait3A_74 : memref<1x!tpu.dma_semaphore, #tpu.memory_space<semaphore_mem>> -> memref<!tpu.dma_semaphore, #tpu.memory_space<semaphore_mem>>
      tpu.wait_indirect_dma semaphore(%dma_wait3A_75 : memref<!tpu.dma_semaphore, #tpu.memory_space<semaphore_mem>>) src(%dma_wait3A_73 : memref<10000x128xf32, #tpu.memory_space<hbm>>) dst(%dma_wait3A_67 : memref<128x128xf32, #tpu.memory_space<vmem>>)
      %run_scoped3A = arith.constant 0 : i32
      "tpu.region"() ({
        %run_scoped3A_99 = tpu.sem_alloc : memref<!tpu.dma_semaphore, #tpu.memory_space<semaphore_mem>>
        %dma_start3A_100 = arith.constant 0 : i32
        %dma_start3A_101 = arith.constant 0 : i32
        %dma_start3A_102 = tpu.memref_slice %arg9[%run_scoped3A, %dma_start3A_100, %dma_start3A_101] : memref<2x128x128xf32, #tpu.memory_space<vmem>> -> memref<1x128x128xf32, #tpu.memory_space<vmem>>
        %dma_start3A_103 = tpu.memref_squeeze %dma_start3A_102 : memref<1x128x128xf32, #tpu.memory_space<vmem>> -> memref<128x128xf32, #tpu.memory_space<vmem>>
        %dma_start3A_104 = arith.constant 0 : i32
        %dma_start3A_105 = tpu.memref_slice %arg8[%mul3A_46, %dma_start3A_104] : memref<40x128xi32, #tpu.memory_space<vmem>> -> memref<1x128xi32, #tpu.memory_space<vmem>>
        %dma_start3A_106 = tpu.memref_squeeze %dma_start3A_105 : memref<1x128xi32, #tpu.memory_space<vmem>> -> memref<128xi32, #tpu.memory_space<vmem>>
        %dma_start3A_107 = arith.constant 0 : i32
        %dma_start3A_108 = arith.constant 0 : i32
        %dma_start3A_109 = tpu.memref_slice %arg10[%dma_start3A_107, %dma_start3A_108] : memref<10112x128xf32, #tpu.memory_space<vmem_shared>> -> memref<10112x128xf32, #tpu.memory_space<vmem_shared>>
        tpu.enqueue_indirect_dma source(%dma_start3A_103 : memref<128x128xf32, #tpu.memory_space<vmem>>) target(%dma_start3A_109 : memref<10112x128xf32, #tpu.memory_space<vmem_shared>>) offsets(%dma_start3A_106 : memref<128xi32, #tpu.memory_space<vmem>>) semaphore(%run_scoped3A_99 : memref<!tpu.dma_semaphore, #tpu.memory_space<semaphore_mem>>) {add = true}
        %dma_wait3A_110 = arith.constant 0 : i32
        %dma_wait3A_111 = arith.constant 0 : i32
        %dma_wait3A_112 = tpu.memref_slice %arg9[%run_scoped3A, %dma_wait3A_110, %dma_wait3A_111] : memref<2x128x128xf32, #tpu.memory_space<vmem>> -> memref<1x128x128xf32, #tpu.memory_space<vmem>>
        %dma_wait3A_113 = tpu.memref_squeeze %dma_wait3A_112 : memref<1x128x128xf32, #tpu.memory_space<vmem>> -> memref<128x128xf32, #tpu.memory_space<vmem>>
        %dma_wait3A_114 = arith.constant 0 : i32
        %dma_wait3A_115 = tpu.memref_slice %arg8[%mul3A_46, %dma_wait3A_114] : memref<40x128xi32, #tpu.memory_space<vmem>> -> memref<1x128xi32, #tpu.memory_space<vmem>>
        %dma_wait3A_116 = tpu.memref_squeeze %dma_wait3A_115 : memref<1x128xi32, #tpu.memory_space<vmem>> -> memref<128xi32, #tpu.memory_space<vmem>>
        %dma_wait3A_117 = arith.constant 0 : i32
        %dma_wait3A_118 = arith.constant 0 : i32
        %dma_wait3A_119 = tpu.memref_slice %arg10[%dma_wait3A_117, %dma_wait3A_118] : memref<10112x128xf32, #tpu.memory_space<vmem_shared>> -> memref<10112x128xf32, #tpu.memory_space<vmem_shared>>
        tpu.wait_indirect_dma semaphore(%run_scoped3A_99 : memref<!tpu.dma_semaphore, #tpu.memory_space<semaphore_mem>>) src(%dma_wait3A_113 : memref<128x128xf32, #tpu.memory_space<vmem>>) dst(%dma_wait3A_119 : memref<10112x128xf32, #tpu.memory_space<vmem_shared>>)
        tpu.yield
      }) : () -> ()
      %add3A_76 = arith.constant 1 : i32
      %add3A_77 = arith.addi %scan3A_44, %add3A_76 : i32
      %lt3A = arith.constant 20 : i32
      %lt3A_78 = arith.cmpi slt, %add3A_77, %lt3A : i32
      %convert_element_type3A = arith.extui %lt3A_78 : i1 to i32
      %cond3A = arith.constant 0 : i32
      %cond3A_79 = arith.cmpi ne, %convert_element_type3A, %cond3A : i32
      scf.if %cond3A_79 {
        %add3A_99 = arith.constant 2 : i32
        %add3A_100 = arith.addi %mul3A_46, %add3A_99 : i32
        %dma_start3A_101 = arith.constant 0 : i32
        %dma_start3A_102 = arith.constant 0 : i32
        %dma_start3A_103 = arith.constant 0 : i32
        %dma_start3A_104 = arith.constant 0 : i32
        %dma_start3A_105 = tpu.memref_slice %arg9[%dma_start3A_101, %dma_start3A_103, %dma_start3A_104] : memref<2x128x128xf32, #tpu.memory_space<vmem>> -> memref<1x128x128xf32, #tpu.memory_space<vmem>>
        %dma_start3A_106 = tpu.memref_squeeze %dma_start3A_105 : memref<1x128x128xf32, #tpu.memory_space<vmem>> -> memref<128x128xf32, #tpu.memory_space<vmem>>
        %dma_start3A_107 = arith.constant 0 : i32
        %dma_start3A_108 = tpu.memref_slice %arg7[%add3A_100, %dma_start3A_107] : memref<40x128xi32, #tpu.memory_space<vmem>> -> memref<1x128xi32, #tpu.memory_space<vmem>>
        %dma_start3A_109 = tpu.memref_squeeze %dma_start3A_108 : memref<1x128xi32, #tpu.memory_space<vmem>> -> memref<128xi32, #tpu.memory_space<vmem>>
        %dma_start3A_110 = arith.constant 0 : i32
        %dma_start3A_111 = arith.constant 0 : i32
        %dma_start3A_112 = tpu.memref_slice %arg2[%dma_start3A_110, %dma_start3A_111] : memref<10000x128xf32, #tpu.memory_space<hbm>> -> memref<10000x128xf32, #tpu.memory_space<hbm>>
        %dma_start3A_113 = tpu.memref_slice %arg11[%dma_start3A_102] : memref<2x!tpu.dma_semaphore, #tpu.memory_space<semaphore_mem>> -> memref<1x!tpu.dma_semaphore, #tpu.memory_space<semaphore_mem>>
        %dma_start3A_114 = tpu.memref_squeeze %dma_start3A_113 : memref<1x!tpu.dma_semaphore, #tpu.memory_space<semaphore_mem>> -> memref<!tpu.dma_semaphore, #tpu.memory_space<semaphore_mem>>
        tpu.enqueue_indirect_dma source(%dma_start3A_112 : memref<10000x128xf32, #tpu.memory_space<hbm>>) target(%dma_start3A_106 : memref<128x128xf32, #tpu.memory_space<vmem>>) offsets(%dma_start3A_109 : memref<128xi32, #tpu.memory_space<vmem>>) semaphore(%dma_start3A_114 : memref<!tpu.dma_semaphore, #tpu.memory_space<semaphore_mem>>)
      } else {
      }
      %add3A_80 = arith.constant 1 : i32
      %add3A_81 = arith.addi %mul3A_46, %add3A_80 : i32
      %dma_wait3A_82 = arith.constant 1 : i32
      %dma_wait3A_83 = arith.constant 1 : i32
      %dma_wait3A_84 = arith.constant 0 : i32
      %dma_wait3A_85 = arith.constant 0 : i32
      %dma_wait3A_86 = tpu.memref_slice %arg9[%dma_wait3A_82, %dma_wait3A_84, %dma_wait3A_85] : memref<2x128x128xf32, #tpu.memory_space<vmem>> -> memref<1x128x128xf32, #tpu.memory_space<vmem>>
      %dma_wait3A_87 = tpu.memref_squeeze %dma_wait3A_86 : memref<1x128x128xf32, #tpu.memory_space<vmem>> -> memref<128x128xf32, #tpu.memory_space<vmem>>
      %dma_wait3A_88 = arith.constant 0 : i32
      %dma_wait3A_89 = tpu.memref_slice %arg7[%add3A_81, %dma_wait3A_88] : memref<40x128xi32, #tpu.memory_space<vmem>> -> memref<1x128xi32, #tpu.memory_space<vmem>>
      %dma_wait3A_90 = tpu.memref_squeeze %dma_wait3A_89 : memref<1x128xi32, #tpu.memory_space<vmem>> -> memref<128xi32, #tpu.memory_space<vmem>>
      %dma_wait3A_91 = arith.constant 0 : i32
      %dma_wait3A_92 = arith.constant 0 : i32
      %dma_wait3A_93 = tpu.memref_slice %arg2[%dma_wait3A_91, %dma_wait3A_92] : memref<10000x128xf32, #tpu.memory_space<hbm>> -> memref<10000x128xf32, #tpu.memory_space<hbm>>
      %dma_wait3A_94 = tpu.memref_slice %arg11[%dma_wait3A_83] : memref<2x!tpu.dma_semaphore, #tpu.memory_space<semaphore_mem>> -> memref<1x!tpu.dma_semaphore, #tpu.memory_space<semaphore_mem>>
      %dma_wait3A_95 = tpu.memref_squeeze %dma_wait3A_94 : memref<1x!tpu.dma_semaphore, #tpu.memory_space<semaphore_mem>> -> memref<!tpu.dma_semaphore, #tpu.memory_space<semaphore_mem>>
      tpu.wait_indirect_dma semaphore(%dma_wait3A_95 : memref<!tpu.dma_semaphore, #tpu.memory_space<semaphore_mem>>) src(%dma_wait3A_93 : memref<10000x128xf32, #tpu.memory_space<hbm>>) dst(%dma_wait3A_87 : memref<128x128xf32, #tpu.memory_space<vmem>>)
      %add3A_96 = arith.constant 1 : i32
      %add3A_97 = arith.addi %mul3A_46, %add3A_96 : i32
      %run_scoped3A_98 = arith.constant 1 : i32
      "tpu.region"() ({
        %run_scoped3A_99 = tpu.sem_alloc : memref<!tpu.dma_semaphore, #tpu.memory_space<semaphore_mem>>
        %dma_start3A_100 = arith.constant 0 : i32
        %dma_start3A_101 = arith.constant 0 : i32
        %dma_start3A_102 = tpu.memref_slice %arg9[%run_scoped3A_98, %dma_start3A_100, %dma_start3A_101] : memref<2x128x128xf32, #tpu.memory_space<vmem>> -> memref<1x128x128xf32, #tpu.memory_space<vmem>>
        %dma_start3A_103 = tpu.memref_squeeze %dma_start3A_102 : memref<1x128x128xf32, #tpu.memory_space<vmem>> -> memref<128x128xf32, #tpu.memory_space<vmem>>
        %dma_start3A_104 = arith.constant 0 : i32
        %dma_start3A_105 = tpu.memref_slice %arg8[%add3A_97, %dma_start3A_104] : memref<40x128xi32, #tpu.memory_space<vmem>> -> memref<1x128xi32, #tpu.memory_space<vmem>>
        %dma_start3A_106 = tpu.memref_squeeze %dma_start3A_105 : memref<1x128xi32, #tpu.memory_space<vmem>> -> memref<128xi32, #tpu.memory_space<vmem>>
        %dma_start3A_107 = arith.constant 0 : i32
        %dma_start3A_108 = arith.constant 0 : i32
        %dma_start3A_109 = tpu.memref_slice %arg10[%dma_start3A_107, %dma_start3A_108] : memref<10112x128xf32, #tpu.memory_space<vmem_shared>> -> memref<10112x128xf32, #tpu.memory_space<vmem_shared>>
        tpu.enqueue_indirect_dma source(%dma_start3A_103 : memref<128x128xf32, #tpu.memory_space<vmem>>) target(%dma_start3A_109 : memref<10112x128xf32, #tpu.memory_space<vmem_shared>>) offsets(%dma_start3A_106 : memref<128xi32, #tpu.memory_space<vmem>>) semaphore(%run_scoped3A_99 : memref<!tpu.dma_semaphore, #tpu.memory_space<semaphore_mem>>) {add = true}
        %dma_wait3A_110 = arith.constant 0 : i32
        %dma_wait3A_111 = arith.constant 0 : i32
        %dma_wait3A_112 = tpu.memref_slice %arg9[%run_scoped3A_98, %dma_wait3A_110, %dma_wait3A_111] : memref<2x128x128xf32, #tpu.memory_space<vmem>> -> memref<1x128x128xf32, #tpu.memory_space<vmem>>
        %dma_wait3A_113 = tpu.memref_squeeze %dma_wait3A_112 : memref<1x128x128xf32, #tpu.memory_space<vmem>> -> memref<128x128xf32, #tpu.memory_space<vmem>>
        %dma_wait3A_114 = arith.constant 0 : i32
        %dma_wait3A_115 = tpu.memref_slice %arg8[%add3A_97, %dma_wait3A_114] : memref<40x128xi32, #tpu.memory_space<vmem>> -> memref<1x128xi32, #tpu.memory_space<vmem>>
        %dma_wait3A_116 = tpu.memref_squeeze %dma_wait3A_115 : memref<1x128xi32, #tpu.memory_space<vmem>> -> memref<128xi32, #tpu.memory_space<vmem>>
        %dma_wait3A_117 = arith.constant 0 : i32
        %dma_wait3A_118 = arith.constant 0 : i32
        %dma_wait3A_119 = tpu.memref_slice %arg10[%dma_wait3A_117, %dma_wait3A_118] : memref<10112x128xf32, #tpu.memory_space<vmem_shared>> -> memref<10112x128xf32, #tpu.memory_space<vmem_shared>>
        tpu.wait_indirect_dma semaphore(%run_scoped3A_99 : memref<!tpu.dma_semaphore, #tpu.memory_space<semaphore_mem>>) src(%dma_wait3A_113 : memref<128x128xf32, #tpu.memory_space<vmem>>) dst(%dma_wait3A_119 : memref<10112x128xf32, #tpu.memory_space<vmem_shared>>)
        tpu.yield
      }) : () -> ()
    }
    %scan3A_21 = arith.constant 20 : i32
    "tpu.region"() ({
      %run_scoped3A = tpu.sem_alloc : memref<!tpu.dma_semaphore, #tpu.memory_space<semaphore_mem>>
      %dma_start3A_44 = arith.constant 40 : i32
      %dma_start3A_45 = arith.constant 0 : i32
      %dma_start3A_46 = tpu.memref_slice %arg3[%add3A, %dma_start3A_44, %dma_start3A_45] : memref<32x80x128xi32, #tpu.memory_space<hbm>> -> memref<1x40x128xi32, #tpu.memory_space<hbm>>
      %dma_start3A_47 = tpu.memref_squeeze %dma_start3A_46 : memref<1x40x128xi32, #tpu.memory_space<hbm>> -> memref<40x128xi32, #tpu.memory_space<hbm>>
      %dma_start3A_48 = arith.constant 40 : i32
      %dma_start3A_49 = arith.constant 0 : i32
      %dma_start3A_50 = tpu.memref_slice %arg3[%add3A, %dma_start3A_48, %dma_start3A_49] : memref<32x80x128xi32, #tpu.memory_space<hbm>> -> memref<1x40x128xi32, #tpu.memory_space<hbm>>
      %dma_start3A_51 = tpu.memref_squeeze %dma_start3A_50 : memref<1x40x128xi32, #tpu.memory_space<hbm>> -> memref<40x128xi32, #tpu.memory_space<hbm>>
      tpu.enqueue_dma source(%dma_start3A_51 : memref<40x128xi32, #tpu.memory_space<hbm>>) target(%arg7 : memref<40x128xi32, #tpu.memory_space<vmem>>) target_semaphore(%run_scoped3A : memref<!tpu.dma_semaphore, #tpu.memory_space<semaphore_mem>>)
      %dma_wait3A = arith.constant 40 : i32
      %dma_wait3A_52 = arith.constant 0 : i32
      %dma_wait3A_53 = tpu.memref_slice %arg3[%add3A, %dma_wait3A, %dma_wait3A_52] : memref<32x80x128xi32, #tpu.memory_space<hbm>> -> memref<1x40x128xi32, #tpu.memory_space<hbm>>
      %dma_wait3A_54 = tpu.memref_squeeze %dma_wait3A_53 : memref<1x40x128xi32, #tpu.memory_space<hbm>> -> memref<40x128xi32, #tpu.memory_space<hbm>>
      %dma_wait3A_55 = arith.constant 40 : i32
      %dma_wait3A_56 = arith.constant 0 : i32
      %dma_wait3A_57 = tpu.memref_slice %arg3[%add3A, %dma_wait3A_55, %dma_wait3A_56] : memref<32x80x128xi32, #tpu.memory_space<hbm>> -> memref<1x40x128xi32, #tpu.memory_space<hbm>>
      %dma_wait3A_58 = tpu.memref_squeeze %dma_wait3A_57 : memref<1x40x128xi32, #tpu.memory_space<hbm>> -> memref<40x128xi32, #tpu.memory_space<hbm>>
      tpu.wait_dma2 semaphore(%run_scoped3A : memref<!tpu.dma_semaphore, #tpu.memory_space<semaphore_mem>>) src(%dma_wait3A_58 : memref<40x128xi32, #tpu.memory_space<hbm>>) dst(%arg7 : memref<40x128xi32, #tpu.memory_space<vmem>>)
      tpu.yield
    }) : () -> ()
    "tpu.region"() ({
      %run_scoped3A = tpu.sem_alloc : memref<!tpu.dma_semaphore, #tpu.memory_space<semaphore_mem>>
      %dma_start3A_44 = arith.constant 40 : i32
      %dma_start3A_45 = arith.constant 0 : i32
      %dma_start3A_46 = tpu.memref_slice %arg4[%add3A, %dma_start3A_44, %dma_start3A_45] : memref<32x80x128xi32, #tpu.memory_space<hbm>> -> memref<1x40x128xi32, #tpu.memory_space<hbm>>
      %dma_start3A_47 = tpu.memref_squeeze %dma_start3A_46 : memref<1x40x128xi32, #tpu.memory_space<hbm>> -> memref<40x128xi32, #tpu.memory_space<hbm>>
      %dma_start3A_48 = arith.constant 40 : i32
      %dma_start3A_49 = arith.constant 0 : i32
      %dma_start3A_50 = tpu.memref_slice %arg4[%add3A, %dma_start3A_48, %dma_start3A_49] : memref<32x80x128xi32, #tpu.memory_space<hbm>> -> memref<1x40x128xi32, #tpu.memory_space<hbm>>
      %dma_start3A_51 = tpu.memref_squeeze %dma_start3A_50 : memref<1x40x128xi32, #tpu.memory_space<hbm>> -> memref<40x128xi32, #tpu.memory_space<hbm>>
      tpu.enqueue_dma source(%dma_start3A_51 : memref<40x128xi32, #tpu.memory_space<hbm>>) target(%arg8 : memref<40x128xi32, #tpu.memory_space<vmem>>) target_semaphore(%run_scoped3A : memref<!tpu.dma_semaphore, #tpu.memory_space<semaphore_mem>>)
      %dma_wait3A = arith.constant 40 : i32
      %dma_wait3A_52 = arith.constant 0 : i32
      %dma_wait3A_53 = tpu.memref_slice %arg4[%add3A, %dma_wait3A, %dma_wait3A_52] : memref<32x80x128xi32, #tpu.memory_space<hbm>> -> memref<1x40x128xi32, #tpu.memory_space<hbm>>
      %dma_wait3A_54 = tpu.memref_squeeze %dma_wait3A_53 : memref<1x40x128xi32, #tpu.memory_space<hbm>> -> memref<40x128xi32, #tpu.memory_space<hbm>>
      %dma_wait3A_55 = arith.constant 40 : i32
      %dma_wait3A_56 = arith.constant 0 : i32
      %dma_wait3A_57 = tpu.memref_slice %arg4[%add3A, %dma_wait3A_55, %dma_wait3A_56] : memref<32x80x128xi32, #tpu.memory_space<hbm>> -> memref<1x40x128xi32, #tpu.memory_space<hbm>>
      %dma_wait3A_58 = tpu.memref_squeeze %dma_wait3A_57 : memref<1x40x128xi32, #tpu.memory_space<hbm>> -> memref<40x128xi32, #tpu.memory_space<hbm>>
      tpu.wait_dma2 semaphore(%run_scoped3A : memref<!tpu.dma_semaphore, #tpu.memory_space<semaphore_mem>>) src(%dma_wait3A_58 : memref<40x128xi32, #tpu.memory_space<hbm>>) dst(%arg8 : memref<40x128xi32, #tpu.memory_space<vmem>>)
      tpu.yield
    }) : () -> ()
    %dma_start3A_22 = arith.constant 0 : i32
    %dma_start3A_23 = arith.constant 0 : i32
    %dma_start3A_24 = arith.constant 0 : i32
    %dma_start3A_25 = arith.constant 0 : i32
    %dma_start3A_26 = arith.constant 0 : i32
    %dma_start3A_27 = tpu.memref_slice %arg9[%dma_start3A_23, %dma_start3A_25, %dma_start3A_26] : memref<2x128x128xf32, #tpu.memory_space<vmem>> -> memref<1x128x128xf32, #tpu.memory_space<vmem>>
    %dma_start3A_28 = tpu.memref_squeeze %dma_start3A_27 : memref<1x128x128xf32, #tpu.memory_space<vmem>> -> memref<128x128xf32, #tpu.memory_space<vmem>>
    %dma_start3A_29 = arith.constant 0 : i32
    %dma_start3A_30 = tpu.memref_slice %arg7[%dma_start3A_22, %dma_start3A_29] : memref<40x128xi32, #tpu.memory_space<vmem>> -> memref<1x128xi32, #tpu.memory_space<vmem>>
    %dma_start3A_31 = tpu.memref_squeeze %dma_start3A_30 : memref<1x128xi32, #tpu.memory_space<vmem>> -> memref<128xi32, #tpu.memory_space<vmem>>
    %dma_start3A_32 = arith.constant 0 : i32
    %dma_start3A_33 = arith.constant 0 : i32
    %dma_start3A_34 = tpu.memref_slice %arg2[%dma_start3A_32, %dma_start3A_33] : memref<10000x128xf32, #tpu.memory_space<hbm>> -> memref<10000x128xf32, #tpu.memory_space<hbm>>
    %dma_start3A_35 = tpu.memref_slice %arg11[%dma_start3A_24] : memref<2x!tpu.dma_semaphore, #tpu.memory_space<semaphore_mem>> -> memref<1x!tpu.dma_semaphore, #tpu.memory_space<semaphore_mem>>
    %dma_start3A_36 = tpu.memref_squeeze %dma_start3A_35 : memref<1x!tpu.dma_semaphore, #tpu.memory_space<semaphore_mem>> -> memref<!tpu.dma_semaphore, #tpu.memory_space<semaphore_mem>>
    tpu.enqueue_indirect_dma source(%dma_start3A_34 : memref<10000x128xf32, #tpu.memory_space<hbm>>) target(%dma_start3A_28 : memref<128x128xf32, #tpu.memory_space<vmem>>) offsets(%dma_start3A_31 : memref<128xi32, #tpu.memory_space<vmem>>) semaphore(%dma_start3A_36 : memref<!tpu.dma_semaphore, #tpu.memory_space<semaphore_mem>>)
    %scan3A_37 = arith.constant 0 : i32
    %scan3A_38 = arith.constant 0 : i32
    %scan3A_39 = arith.constant 20 : i32
    %scan3A_40 = arith.addi %scan3A_38, %scan3A_39 : i32
    %scan3A_41 = arith.constant 1 : i32
    scf.for %scan3A_44 = %scan3A_38 to %scan3A_40 step %scan3A_41  : i32 {
      %mul3A_45 = arith.constant 2 : i32
      %mul3A_46 = arith.muli %mul3A_45, %scan3A_44 : i32
      %add3A_47 = arith.constant 1 : i32
      %add3A_48 = arith.addi %mul3A_46, %add3A_47 : i32
      %dma_start3A_49 = arith.constant 1 : i32
      %dma_start3A_50 = arith.constant 1 : i32
      %dma_start3A_51 = arith.constant 0 : i32
      %dma_start3A_52 = arith.constant 0 : i32
      %dma_start3A_53 = tpu.memref_slice %arg9[%dma_start3A_49, %dma_start3A_51, %dma_start3A_52] : memref<2x128x128xf32, #tpu.memory_space<vmem>> -> memref<1x128x128xf32, #tpu.memory_space<vmem>>
      %dma_start3A_54 = tpu.memref_squeeze %dma_start3A_53 : memref<1x128x128xf32, #tpu.memory_space<vmem>> -> memref<128x128xf32, #tpu.memory_space<vmem>>
      %dma_start3A_55 = arith.constant 0 : i32
      %dma_start3A_56 = tpu.memref_slice %arg7[%add3A_48, %dma_start3A_55] : memref<40x128xi32, #tpu.memory_space<vmem>> -> memref<1x128xi32, #tpu.memory_space<vmem>>
      %dma_start3A_57 = tpu.memref_squeeze %dma_start3A_56 : memref<1x128xi32, #tpu.memory_space<vmem>> -> memref<128xi32, #tpu.memory_space<vmem>>
      %dma_start3A_58 = arith.constant 0 : i32
      %dma_start3A_59 = arith.constant 0 : i32
      %dma_start3A_60 = tpu.memref_slice %arg2[%dma_start3A_58, %dma_start3A_59] : memref<10000x128xf32, #tpu.memory_space<hbm>> -> memref<10000x128xf32, #tpu.memory_space<hbm>>
      %dma_start3A_61 = tpu.memref_slice %arg11[%dma_start3A_50] : memref<2x!tpu.dma_semaphore, #tpu.memory_space<semaphore_mem>> -> memref<1x!tpu.dma_semaphore, #tpu.memory_space<semaphore_mem>>
      %dma_start3A_62 = tpu.memref_squeeze %dma_start3A_61 : memref<1x!tpu.dma_semaphore, #tpu.memory_space<semaphore_mem>> -> memref<!tpu.dma_semaphore, #tpu.memory_space<semaphore_mem>>
      tpu.enqueue_indirect_dma source(%dma_start3A_60 : memref<10000x128xf32, #tpu.memory_space<hbm>>) target(%dma_start3A_54 : memref<128x128xf32, #tpu.memory_space<vmem>>) offsets(%dma_start3A_57 : memref<128xi32, #tpu.memory_space<vmem>>) semaphore(%dma_start3A_62 : memref<!tpu.dma_semaphore, #tpu.memory_space<semaphore_mem>>)
      %dma_wait3A = arith.constant 0 : i32
      %dma_wait3A_63 = arith.constant 0 : i32
      %dma_wait3A_64 = arith.constant 0 : i32
      %dma_wait3A_65 = arith.constant 0 : i32
      %dma_wait3A_66 = tpu.memref_slice %arg9[%dma_wait3A, %dma_wait3A_64, %dma_wait3A_65] : memref<2x128x128xf32, #tpu.memory_space<vmem>> -> memref<1x128x128xf32, #tpu.memory_space<vmem>>
      %dma_wait3A_67 = tpu.memref_squeeze %dma_wait3A_66 : memref<1x128x128xf32, #tpu.memory_space<vmem>> -> memref<128x128xf32, #tpu.memory_space<vmem>>
      %dma_wait3A_68 = arith.constant 0 : i32
      %dma_wait3A_69 = tpu.memref_slice %arg7[%mul3A_46, %dma_wait3A_68] : memref<40x128xi32, #tpu.memory_space<vmem>> -> memref<1x128xi32, #tpu.memory_space<vmem>>
      %dma_wait3A_70 = tpu.memref_squeeze %dma_wait3A_69 : memref<1x128xi32, #tpu.memory_space<vmem>> -> memref<128xi32, #tpu.memory_space<vmem>>
      %dma_wait3A_71 = arith.constant 0 : i32
      %dma_wait3A_72 = arith.constant 0 : i32
      %dma_wait3A_73 = tpu.memref_slice %arg2[%dma_wait3A_71, %dma_wait3A_72] : memref<10000x128xf32, #tpu.memory_space<hbm>> -> memref<10000x128xf32, #tpu.memory_space<hbm>>
      %dma_wait3A_74 = tpu.memref_slice %arg11[%dma_wait3A_63] : memref<2x!tpu.dma_semaphore, #tpu.memory_space<semaphore_mem>> -> memref<1x!tpu.dma_semaphore, #tpu.memory_space<semaphore_mem>>
      %dma_wait3A_75 = tpu.memref_squeeze %dma_wait3A_74 : memref<1x!tpu.dma_semaphore, #tpu.memory_space<semaphore_mem>> -> memref<!tpu.dma_semaphore, #tpu.memory_space<semaphore_mem>>
      tpu.wait_indirect_dma semaphore(%dma_wait3A_75 : memref<!tpu.dma_semaphore, #tpu.memory_space<semaphore_mem>>) src(%dma_wait3A_73 : memref<10000x128xf32, #tpu.memory_space<hbm>>) dst(%dma_wait3A_67 : memref<128x128xf32, #tpu.memory_space<vmem>>)
      %run_scoped3A = arith.constant 0 : i32
      "tpu.region"() ({
        %run_scoped3A_99 = tpu.sem_alloc : memref<!tpu.dma_semaphore, #tpu.memory_space<semaphore_mem>>
        %dma_start3A_100 = arith.constant 0 : i32
        %dma_start3A_101 = arith.constant 0 : i32
        %dma_start3A_102 = tpu.memref_slice %arg9[%run_scoped3A, %dma_start3A_100, %dma_start3A_101] : memref<2x128x128xf32, #tpu.memory_space<vmem>> -> memref<1x128x128xf32, #tpu.memory_space<vmem>>
        %dma_start3A_103 = tpu.memref_squeeze %dma_start3A_102 : memref<1x128x128xf32, #tpu.memory_space<vmem>> -> memref<128x128xf32, #tpu.memory_space<vmem>>
        %dma_start3A_104 = arith.constant 0 : i32
        %dma_start3A_105 = tpu.memref_slice %arg8[%mul3A_46, %dma_start3A_104] : memref<40x128xi32, #tpu.memory_space<vmem>> -> memref<1x128xi32, #tpu.memory_space<vmem>>
        %dma_start3A_106 = tpu.memref_squeeze %dma_start3A_105 : memref<1x128xi32, #tpu.memory_space<vmem>> -> memref<128xi32, #tpu.memory_space<vmem>>
        %dma_start3A_107 = arith.constant 0 : i32
        %dma_start3A_108 = arith.constant 0 : i32
        %dma_start3A_109 = tpu.memref_slice %arg10[%dma_start3A_107, %dma_start3A_108] : memref<10112x128xf32, #tpu.memory_space<vmem_shared>> -> memref<10112x128xf32, #tpu.memory_space<vmem_shared>>
        tpu.enqueue_indirect_dma source(%dma_start3A_103 : memref<128x128xf32, #tpu.memory_space<vmem>>) target(%dma_start3A_109 : memref<10112x128xf32, #tpu.memory_space<vmem_shared>>) offsets(%dma_start3A_106 : memref<128xi32, #tpu.memory_space<vmem>>) semaphore(%run_scoped3A_99 : memref<!tpu.dma_semaphore, #tpu.memory_space<semaphore_mem>>) {add = true}
        %dma_wait3A_110 = arith.constant 0 : i32
        %dma_wait3A_111 = arith.constant 0 : i32
        %dma_wait3A_112 = tpu.memref_slice %arg9[%run_scoped3A, %dma_wait3A_110, %dma_wait3A_111] : memref<2x128x128xf32, #tpu.memory_space<vmem>> -> memref<1x128x128xf32, #tpu.memory_space<vmem>>
        %dma_wait3A_113 = tpu.memref_squeeze %dma_wait3A_112 : memref<1x128x128xf32, #tpu.memory_space<vmem>> -> memref<128x128xf32, #tpu.memory_space<vmem>>
        %dma_wait3A_114 = arith.constant 0 : i32
        %dma_wait3A_115 = tpu.memref_slice %arg8[%mul3A_46, %dma_wait3A_114] : memref<40x128xi32, #tpu.memory_space<vmem>> -> memref<1x128xi32, #tpu.memory_space<vmem>>
        %dma_wait3A_116 = tpu.memref_squeeze %dma_wait3A_115 : memref<1x128xi32, #tpu.memory_space<vmem>> -> memref<128xi32, #tpu.memory_space<vmem>>
        %dma_wait3A_117 = arith.constant 0 : i32
        %dma_wait3A_118 = arith.constant 0 : i32
        %dma_wait3A_119 = tpu.memref_slice %arg10[%dma_wait3A_117, %dma_wait3A_118] : memref<10112x128xf32, #tpu.memory_space<vmem_shared>> -> memref<10112x128xf32, #tpu.memory_space<vmem_shared>>
        tpu.wait_indirect_dma semaphore(%run_scoped3A_99 : memref<!tpu.dma_semaphore, #tpu.memory_space<semaphore_mem>>) src(%dma_wait3A_113 : memref<128x128xf32, #tpu.memory_space<vmem>>) dst(%dma_wait3A_119 : memref<10112x128xf32, #tpu.memory_space<vmem_shared>>)
        tpu.yield
      }) : () -> ()
      %add3A_76 = arith.constant 1 : i32
      %add3A_77 = arith.addi %scan3A_44, %add3A_76 : i32
      %lt3A = arith.constant 20 : i32
      %lt3A_78 = arith.cmpi slt, %add3A_77, %lt3A : i32
      %convert_element_type3A = arith.extui %lt3A_78 : i1 to i32
      %cond3A = arith.constant 0 : i32
      %cond3A_79 = arith.cmpi ne, %convert_element_type3A, %cond3A : i32
      scf.if %cond3A_79 {
        %add3A_99 = arith.constant 2 : i32
        %add3A_100 = arith.addi %mul3A_46, %add3A_99 : i32
        %dma_start3A_101 = arith.constant 0 : i32
        %dma_start3A_102 = arith.constant 0 : i32
        %dma_start3A_103 = arith.constant 0 : i32
        %dma_start3A_104 = arith.constant 0 : i32
        %dma_start3A_105 = tpu.memref_slice %arg9[%dma_start3A_101, %dma_start3A_103, %dma_start3A_104] : memref<2x128x128xf32, #tpu.memory_space<vmem>> -> memref<1x128x128xf32, #tpu.memory_space<vmem>>
        %dma_start3A_106 = tpu.memref_squeeze %dma_start3A_105 : memref<1x128x128xf32, #tpu.memory_space<vmem>> -> memref<128x128xf32, #tpu.memory_space<vmem>>
        %dma_start3A_107 = arith.constant 0 : i32
        %dma_start3A_108 = tpu.memref_slice %arg7[%add3A_100, %dma_start3A_107] : memref<40x128xi32, #tpu.memory_space<vmem>> -> memref<1x128xi32, #tpu.memory_space<vmem>>
        %dma_start3A_109 = tpu.memref_squeeze %dma_start3A_108 : memref<1x128xi32, #tpu.memory_space<vmem>> -> memref<128xi32, #tpu.memory_space<vmem>>
        %dma_start3A_110 = arith.constant 0 : i32
        %dma_start3A_111 = arith.constant 0 : i32
        %dma_start3A_112 = tpu.memref_slice %arg2[%dma_start3A_110, %dma_start3A_111] : memref<10000x128xf32, #tpu.memory_space<hbm>> -> memref<10000x128xf32, #tpu.memory_space<hbm>>
        %dma_start3A_113 = tpu.memref_slice %arg11[%dma_start3A_102] : memref<2x!tpu.dma_semaphore, #tpu.memory_space<semaphore_mem>> -> memref<1x!tpu.dma_semaphore, #tpu.memory_space<semaphore_mem>>
        %dma_start3A_114 = tpu.memref_squeeze %dma_start3A_113 : memref<1x!tpu.dma_semaphore, #tpu.memory_space<semaphore_mem>> -> memref<!tpu.dma_semaphore, #tpu.memory_space<semaphore_mem>>
        tpu.enqueue_indirect_dma source(%dma_start3A_112 : memref<10000x128xf32, #tpu.memory_space<hbm>>) target(%dma_start3A_106 : memref<128x128xf32, #tpu.memory_space<vmem>>) offsets(%dma_start3A_109 : memref<128xi32, #tpu.memory_space<vmem>>) semaphore(%dma_start3A_114 : memref<!tpu.dma_semaphore, #tpu.memory_space<semaphore_mem>>)
      } else {
      }
      %add3A_80 = arith.constant 1 : i32
      %add3A_81 = arith.addi %mul3A_46, %add3A_80 : i32
      %dma_wait3A_82 = arith.constant 1 : i32
      %dma_wait3A_83 = arith.constant 1 : i32
      %dma_wait3A_84 = arith.constant 0 : i32
      %dma_wait3A_85 = arith.constant 0 : i32
      %dma_wait3A_86 = tpu.memref_slice %arg9[%dma_wait3A_82, %dma_wait3A_84, %dma_wait3A_85] : memref<2x128x128xf32, #tpu.memory_space<vmem>> -> memref<1x128x128xf32, #tpu.memory_space<vmem>>
      %dma_wait3A_87 = tpu.memref_squeeze %dma_wait3A_86 : memref<1x128x128xf32, #tpu.memory_space<vmem>> -> memref<128x128xf32, #tpu.memory_space<vmem>>
      %dma_wait3A_88 = arith.constant 0 : i32
      %dma_wait3A_89 = tpu.memref_slice %arg7[%add3A_81, %dma_wait3A_88] : memref<40x128xi32, #tpu.memory_space<vmem>> -> memref<1x128xi32, #tpu.memory_space<vmem>>
      %dma_wait3A_90 = tpu.memref_squeeze %dma_wait3A_89 : memref<1x128xi32, #tpu.memory_space<vmem>> -> memref<128xi32, #tpu.memory_space<vmem>>
      %dma_wait3A_91 = arith.constant 0 : i32
      %dma_wait3A_92 = arith.constant 0 : i32
      %dma_wait3A_93 = tpu.memref_slice %arg2[%dma_wait3A_91, %dma_wait3A_92] : memref<10000x128xf32, #tpu.memory_space<hbm>> -> memref<10000x128xf32, #tpu.memory_space<hbm>>
      %dma_wait3A_94 = tpu.memref_slice %arg11[%dma_wait3A_83] : memref<2x!tpu.dma_semaphore, #tpu.memory_space<semaphore_mem>> -> memref<1x!tpu.dma_semaphore, #tpu.memory_space<semaphore_mem>>
      %dma_wait3A_95 = tpu.memref_squeeze %dma_wait3A_94 : memref<1x!tpu.dma_semaphore, #tpu.memory_space<semaphore_mem>> -> memref<!tpu.dma_semaphore, #tpu.memory_space<semaphore_mem>>
      tpu.wait_indirect_dma semaphore(%dma_wait3A_95 : memref<!tpu.dma_semaphore, #tpu.memory_space<semaphore_mem>>) src(%dma_wait3A_93 : memref<10000x128xf32, #tpu.memory_space<hbm>>) dst(%dma_wait3A_87 : memref<128x128xf32, #tpu.memory_space<vmem>>)
      %add3A_96 = arith.constant 1 : i32
      %add3A_97 = arith.addi %mul3A_46, %add3A_96 : i32
      %run_scoped3A_98 = arith.constant 1 : i32
      "tpu.region"() ({
        %run_scoped3A_99 = tpu.sem_alloc : memref<!tpu.dma_semaphore, #tpu.memory_space<semaphore_mem>>
        %dma_start3A_100 = arith.constant 0 : i32
        %dma_start3A_101 = arith.constant 0 : i32
        %dma_start3A_102 = tpu.memref_slice %arg9[%run_scoped3A_98, %dma_start3A_100, %dma_start3A_101] : memref<2x128x128xf32, #tpu.memory_space<vmem>> -> memref<1x128x128xf32, #tpu.memory_space<vmem>>
        %dma_start3A_103 = tpu.memref_squeeze %dma_start3A_102 : memref<1x128x128xf32, #tpu.memory_space<vmem>> -> memref<128x128xf32, #tpu.memory_space<vmem>>
        %dma_start3A_104 = arith.constant 0 : i32
        %dma_start3A_105 = tpu.memref_slice %arg8[%add3A_97, %dma_start3A_104] : memref<40x128xi32, #tpu.memory_space<vmem>> -> memref<1x128xi32, #tpu.memory_space<vmem>>
        %dma_start3A_106 = tpu.memref_squeeze %dma_start3A_105 : memref<1x128xi32, #tpu.memory_space<vmem>> -> memref<128xi32, #tpu.memory_space<vmem>>
        %dma_start3A_107 = arith.constant 0 : i32
        %dma_start3A_108 = arith.constant 0 : i32
        %dma_start3A_109 = tpu.memref_slice %arg10[%dma_start3A_107, %dma_start3A_108] : memref<10112x128xf32, #tpu.memory_space<vmem_shared>> -> memref<10112x128xf32, #tpu.memory_space<vmem_shared>>
        tpu.enqueue_indirect_dma source(%dma_start3A_103 : memref<128x128xf32, #tpu.memory_space<vmem>>) target(%dma_start3A_109 : memref<10112x128xf32, #tpu.memory_space<vmem_shared>>) offsets(%dma_start3A_106 : memref<128xi32, #tpu.memory_space<vmem>>) semaphore(%run_scoped3A_99 : memref<!tpu.dma_semaphore, #tpu.memory_space<semaphore_mem>>) {add = true}
        %dma_wait3A_110 = arith.constant 0 : i32
        %dma_wait3A_111 = arith.constant 0 : i32
        %dma_wait3A_112 = tpu.memref_slice %arg9[%run_scoped3A_98, %dma_wait3A_110, %dma_wait3A_111] : memref<2x128x128xf32, #tpu.memory_space<vmem>> -> memref<1x128x128xf32, #tpu.memory_space<vmem>>
        %dma_wait3A_113 = tpu.memref_squeeze %dma_wait3A_112 : memref<1x128x128xf32, #tpu.memory_space<vmem>> -> memref<128x128xf32, #tpu.memory_space<vmem>>
        %dma_wait3A_114 = arith.constant 0 : i32
        %dma_wait3A_115 = tpu.memref_slice %arg8[%add3A_97, %dma_wait3A_114] : memref<40x128xi32, #tpu.memory_space<vmem>> -> memref<1x128xi32, #tpu.memory_space<vmem>>
        %dma_wait3A_116 = tpu.memref_squeeze %dma_wait3A_115 : memref<1x128xi32, #tpu.memory_space<vmem>> -> memref<128xi32, #tpu.memory_space<vmem>>
        %dma_wait3A_117 = arith.constant 0 : i32
        %dma_wait3A_118 = arith.constant 0 : i32
        %dma_wait3A_119 = tpu.memref_slice %arg10[%dma_wait3A_117, %dma_wait3A_118] : memref<10112x128xf32, #tpu.memory_space<vmem_shared>> -> memref<10112x128xf32, #tpu.memory_space<vmem_shared>>
        tpu.wait_indirect_dma semaphore(%run_scoped3A_99 : memref<!tpu.dma_semaphore, #tpu.memory_space<semaphore_mem>>) src(%dma_wait3A_113 : memref<128x128xf32, #tpu.memory_space<vmem>>) dst(%dma_wait3A_119 : memref<10112x128xf32, #tpu.memory_space<vmem_shared>>)
        tpu.yield
      }) : () -> ()
    }
    %scan3A_42 = arith.constant 20 : i32
    %barrier3A_43 = arith.constant 0 : index
    tpu.barrier barrier_id(%barrier3A_43)
    "tpu.region"() ({
      %run_scoped3A = tpu.sem_alloc : memref<!tpu.dma_semaphore, #tpu.memory_space<semaphore_mem>>
      %dma_start3A_44 = arith.constant 0 : i32
      %dma_start3A_45 = tpu.memref_slice %arg6[%arg0, %mul3A_2, %dma_start3A_44] : memref<2x10112x128xf32, #tpu.memory_space<hbm>> -> memref<1x632x128xf32, #tpu.memory_space<hbm>>
      %dma_start3A_46 = tpu.memref_squeeze %dma_start3A_45 : memref<1x632x128xf32, #tpu.memory_space<hbm>> -> memref<632x128xf32, #tpu.memory_space<hbm>>
      %dma_start3A_47 = arith.constant 0 : i32
      %dma_start3A_48 = tpu.memref_slice %arg10[%mul3A_2, %dma_start3A_47] : memref<10112x128xf32, #tpu.memory_space<vmem_shared>> -> memref<632x128xf32, #tpu.memory_space<vmem_shared>>
      tpu.enqueue_dma source(%dma_start3A_48 : memref<632x128xf32, #tpu.memory_space<vmem_shared>>) target(%dma_start3A_46 : memref<632x128xf32, #tpu.memory_space<hbm>>) target_semaphore(%run_scoped3A : memref<!tpu.dma_semaphore, #tpu.memory_space<semaphore_mem>>)
      %dma_wait3A = arith.constant 0 : i32
      %dma_wait3A_49 = tpu.memref_slice %arg6[%arg0, %mul3A_2, %dma_wait3A] : memref<2x10112x128xf32, #tpu.memory_space<hbm>> -> memref<1x632x128xf32, #tpu.memory_space<hbm>>
      %dma_wait3A_50 = tpu.memref_squeeze %dma_wait3A_49 : memref<1x632x128xf32, #tpu.memory_space<hbm>> -> memref<632x128xf32, #tpu.memory_space<hbm>>
      %dma_wait3A_51 = arith.constant 0 : i32
      %dma_wait3A_52 = tpu.memref_slice %arg10[%mul3A_2, %dma_wait3A_51] : memref<10112x128xf32, #tpu.memory_space<vmem_shared>> -> memref<632x128xf32, #tpu.memory_space<vmem_shared>>
      tpu.wait_dma2 semaphore(%run_scoped3A : memref<!tpu.dma_semaphore, #tpu.memory_space<semaphore_mem>>) src(%dma_wait3A_52 : memref<632x128xf32, #tpu.memory_space<vmem_shared>>) dst(%dma_wait3A_50 : memref<632x128xf32, #tpu.memory_space<hbm>>)
      tpu.yield
    }) : () -> ()
    return
  }
}

module attributes {stable_mosaic.version = 14 : i64} {
  func.func @_mm0_body(%arg0: i32, %arg1: memref<2000x128xf32, #tpu.memory_space<vmem>>, %arg2: memref<128x128xf32, #tpu.memory_space<vmem>>, %arg3: memref<128x128xf32, #tpu.memory_space<vmem>>, %arg4: memref<1x128xf32, #tpu.memory_space<vmem>>, %arg5: memref<2000x128xf32, #tpu.memory_space<vmem>>, %arg6: memref<2000x128xf32, #tpu.memory_space<vmem>>) attributes {dimension_semantics = [#tpu.dimension_semantics<arbitrary>], iteration_bounds = array<i64: 5>, scalar_prefetch = 0 : i64, scratch_operands = 0 : i64, tpu.core_type = #tpu.core_type<tc>, window_params = [{transform_indices = @transform_0, window_bounds = array<i64: 2000, 128>}, {pipeline_mode = #tpu.pipeline_mode<synchronous>, transform_indices = @transform_1, window_bounds = array<i64: 128, 128>}, {pipeline_mode = #tpu.pipeline_mode<synchronous>, transform_indices = @transform_2, window_bounds = array<i64: 128, 128>}, {pipeline_mode = #tpu.pipeline_mode<synchronous>, transform_indices = @transform_3, window_bounds = array<i64: 1, 128>}, {transform_indices = @transform_4, window_bounds = array<i64: 2000, 128>}, {transform_indices = @transform_5, window_bounds = array<i64: 2000, 128>}]} {
    %get3A = arith.constant 0 : index
    %get3A_0 = arith.constant 0 : index
    %get3A_1 = vector.load %arg1[%get3A, %get3A_0] : memref<2000x128xf32, #tpu.memory_space<vmem>>, vector<2000x128xf32>
    %get3A_2 = arith.constant 0 : index
    %get3A_3 = arith.constant 0 : index
    %get3A_4 = vector.load %arg2[%get3A_2, %get3A_3] : memref<128x128xf32, #tpu.memory_space<vmem>>, vector<128x128xf32>
    %dot_general3A = arith.constant dense<0.000000e+00> : vector<2000x128xf32>
    %dot_general3A_5 = tpu.matmul %get3A_1, %get3A_4, %dot_general3A {dimension_numbers = #tpu.dot_dimension_numbers<[1], [0], [0], [1], [0, 0, 1, 1], [], []>, transpose_lhs_hint = false} : vector<2000x128xf32>, vector<128x128xf32>, vector<2000x128xf32> -> vector<2000x128xf32>
    %get3A_6 = arith.constant 0 : index
    %get3A_7 = arith.constant 0 : index
    %get3A_8 = vector.load %arg4[%get3A_6, %get3A_7] : memref<1x128xf32, #tpu.memory_space<vmem>>, vector<1x128xf32>
    %add3A = vector.broadcast %get3A_8 : vector<1x128xf32> to vector<2000x128xf32>
    %add3A_9 = arith.addf %dot_general3A_5, %add3A : vector<2000x128xf32>
    %swap3A = arith.constant 0 : index
    %swap3A_10 = arith.constant 0 : index
    %swap3A_11 = vector.load %arg5[%swap3A, %swap3A_10] : memref<2000x128xf32, #tpu.memory_space<vmem>>, vector<2000x128xf32>
    tpu.vector_store %arg5[%swap3A, %swap3A_10], %add3A_9 {strides = array<i32>} : memref<2000x128xf32, #tpu.memory_space<vmem>>, vector<2000x128xf32>,
    %get3A_12 = arith.constant 0 : index
    %get3A_13 = arith.constant 0 : index
    %get3A_14 = vector.load %arg3[%get3A_12, %get3A_13] : memref<128x128xf32, #tpu.memory_space<vmem>>, vector<128x128xf32>
    %dot_general3A_15 = arith.constant dense<0.000000e+00> : vector<2000x128xf32>
    %dot_general3A_16 = tpu.matmul %get3A_1, %get3A_14, %dot_general3A_15 {dimension_numbers = #tpu.dot_dimension_numbers<[1], [0], [0], [1], [0, 0, 1, 1], [], []>, transpose_lhs_hint = false} : vector<2000x128xf32>, vector<128x128xf32>, vector<2000x128xf32> -> vector<2000x128xf32>
    %swap3A_17 = arith.constant 0 : index
    %swap3A_18 = arith.constant 0 : index
    %swap3A_19 = vector.load %arg6[%swap3A_17, %swap3A_18] : memref<2000x128xf32, #tpu.memory_space<vmem>>, vector<2000x128xf32>
    tpu.vector_store %arg6[%swap3A_17, %swap3A_18], %dot_general3A_16 {strides = array<i32>} : memref<2000x128xf32, #tpu.memory_space<vmem>>, vector<2000x128xf32>,
    return
  }
  func.func @transform_0(%arg0: i32) -> (i32, i32) {
    %c0_i32 = arith.constant 0 : i32
    %c0_i32_0 = arith.constant 0 : i32
    return %arg0, %c0_i32 : i32, i32
  }
  func.func @transform_1(%arg0: i32) -> (i32, i32) {
    %c0_i32 = arith.constant 0 : i32
    %c0_i32_0 = arith.constant 0 : i32
    %c0_i32_1 = arith.constant 0 : i32
    return %c0_i32, %c0_i32_0 : i32, i32
  }
  func.func @transform_2(%arg0: i32) -> (i32, i32) {
    %c0_i32 = arith.constant 0 : i32
    %c0_i32_0 = arith.constant 0 : i32
    %c0_i32_1 = arith.constant 0 : i32
    return %c0_i32, %c0_i32_0 : i32, i32
  }
  func.func @transform_3(%arg0: i32) -> (i32, i32) {
    %c0_i32 = arith.constant 0 : i32
    %c0_i32_0 = arith.constant 0 : i32
    %c0_i32_1 = arith.constant 0 : i32
    return %c0_i32, %c0_i32_0 : i32, i32
  }
  func.func @transform_4(%arg0: i32) -> (i32, i32) {
    %c0_i32 = arith.constant 0 : i32
    %c0_i32_0 = arith.constant 0 : i32
    return %arg0, %c0_i32 : i32, i32
  }
  func.func @transform_5(%arg0: i32) -> (i32, i32) {
    %c0_i32 = arith.constant 0 : i32
    %c0_i32_0 = arith.constant 0 : i32
    return %arg0, %c0_i32 : i32, i32
  }
}

module attributes {stable_mosaic.version = 14 : i64} {
  func.func @_comb_mm_body(%arg0: i32, %arg1: memref<2000x128xf32, #tpu.memory_space<vmem>>, %arg2: memref<2x2000x128xf32, #tpu.memory_space<vmem>>, %arg3: memref<2x2000x128xf32, #tpu.memory_space<vmem>>, %arg4: memref<128x128xf32, #tpu.memory_space<vmem>>, %arg5: memref<128x128xf32, #tpu.memory_space<vmem>>, %arg6: memref<1x128xf32, #tpu.memory_space<vmem>>, %arg7: memref<2000x128xf32, #tpu.memory_space<vmem>>, %arg8: memref<2000x128xf32, #tpu.memory_space<vmem>>) attributes {dimension_semantics = [#tpu.dimension_semantics<arbitrary>], iteration_bounds = array<i64: 5>, scalar_prefetch = 0 : i64, scratch_operands = 0 : i64, tpu.core_type = #tpu.core_type<tc>, window_params = [{transform_indices = @transform_0, window_bounds = array<i64: 2000, 128>}, {transform_indices = @transform_1, window_bounds = array<i64: 2, 2000, 128>}, {transform_indices = @transform_2, window_bounds = array<i64: 2, 2000, 128>}, {pipeline_mode = #tpu.pipeline_mode<synchronous>, transform_indices = @transform_3, window_bounds = array<i64: 128, 128>}, {pipeline_mode = #tpu.pipeline_mode<synchronous>, transform_indices = @transform_4, window_bounds = array<i64: 128, 128>}, {pipeline_mode = #tpu.pipeline_mode<synchronous>, transform_indices = @transform_5, window_bounds = array<i64: 1, 128>}, {transform_indices = @transform_6, window_bounds = array<i64: 2000, 128>}, {transform_indices = @transform_7, window_bounds = array<i64: 2000, 128>}]} {
    %get3A = arith.constant 0 : index
    %get3A_0 = arith.constant 0 : index
    %get3A_1 = arith.constant 0 : index
    %get3A_2 = vector.load %arg2[%get3A, %get3A_0, %get3A_1] : memref<2x2000x128xf32, #tpu.memory_space<vmem>>, vector<1x2000x128xf32>
    %get3A_3 = vector.shape_cast %get3A_2 : vector<1x2000x128xf32> to vector<2000x128xf32>
    %get3A_4 = arith.constant 1 : index
    %get3A_5 = arith.constant 0 : index
    %get3A_6 = arith.constant 0 : index
    %get3A_7 = vector.load %arg2[%get3A_4, %get3A_5, %get3A_6] : memref<2x2000x128xf32, #tpu.memory_space<vmem>>, vector<1x2000x128xf32>
    %get3A_8 = vector.shape_cast %get3A_7 : vector<1x2000x128xf32> to vector<2000x128xf32>
    %add3A = arith.addf %get3A_3, %get3A_8 : vector<2000x128xf32>
    %get3A_9 = arith.constant 0 : index
    %get3A_10 = arith.constant 0 : index
    %get3A_11 = arith.constant 0 : index
    %get3A_12 = vector.load %arg3[%get3A_9, %get3A_10, %get3A_11] : memref<2x2000x128xf32, #tpu.memory_space<vmem>>, vector<1x2000x1xf32>
    %get3A_13 = vector.shape_cast %get3A_12 : vector<1x2000x1xf32> to vector<2000x1xf32>
    %get3A_14 = arith.constant 1 : index
    %get3A_15 = arith.constant 0 : index
    %get3A_16 = arith.constant 0 : index
    %get3A_17 = vector.load %arg3[%get3A_14, %get3A_15, %get3A_16] : memref<2x2000x128xf32, #tpu.memory_space<vmem>>, vector<1x2000x1xf32>
    %get3A_18 = vector.shape_cast %get3A_17 : vector<1x2000x1xf32> to vector<2000x1xf32>
    %add3A_19 = arith.addf %get3A_13, %get3A_18 : vector<2000x1xf32>
    %max3A = arith.constant 1.000000e+00 : f32
    %max3A_20 = vector.broadcast %max3A : f32 to vector<2000x1xf32>
    %max3A_21 = arith.maximumf %add3A_19, %max3A_20 : vector<2000x1xf32>
    %get3A_22 = arith.constant 0 : index
    %get3A_23 = arith.constant 0 : index
    %get3A_24 = vector.load %arg1[%get3A_22, %get3A_23] : memref<2000x128xf32, #tpu.memory_space<vmem>>, vector<2000x128xf32>
    %div3A = vector.broadcast %max3A_21 : vector<2000x1xf32> to vector<2000x128xf32>
    %div3A_25 = arith.divf %add3A, %div3A : vector<2000x128xf32>
    %add3A_26 = arith.addf %get3A_24, %div3A_25 : vector<2000x128xf32>
    %max3A_27 = arith.constant 0.000000e+00 : f32
    %max3A_28 = vector.broadcast %max3A_27 : f32 to vector<2000x128xf32>
    %max3A_29 = arith.maximumf %add3A_26, %max3A_28 : vector<2000x128xf32>
    %get3A_30 = arith.constant 0 : index
    %get3A_31 = arith.constant 0 : index
    %get3A_32 = vector.load %arg4[%get3A_30, %get3A_31] : memref<128x128xf32, #tpu.memory_space<vmem>>, vector<128x128xf32>
    %dot_general3A = arith.constant dense<0.000000e+00> : vector<2000x128xf32>
    %dot_general3A_33 = tpu.matmul %max3A_29, %get3A_32, %dot_general3A {dimension_numbers = #tpu.dot_dimension_numbers<[1], [0], [0], [1], [0, 0, 1, 1], [], []>, transpose_lhs_hint = false} : vector<2000x128xf32>, vector<128x128xf32>, vector<2000x128xf32> -> vector<2000x128xf32>
    %get3A_34 = arith.constant 0 : index
    %get3A_35 = arith.constant 0 : index
    %get3A_36 = vector.load %arg6[%get3A_34, %get3A_35] : memref<1x128xf32, #tpu.memory_space<vmem>>, vector<1x128xf32>
    %add3A_37 = vector.broadcast %get3A_36 : vector<1x128xf32> to vector<2000x128xf32>
    %add3A_38 = arith.addf %dot_general3A_33, %add3A_37 : vector<2000x128xf32>
    %swap3A = arith.constant 0 : index
    %swap3A_39 = arith.constant 0 : index
    %swap3A_40 = vector.load %arg7[%swap3A, %swap3A_39] : memref<2000x128xf32, #tpu.memory_space<vmem>>, vector<2000x128xf32>
    tpu.vector_store %arg7[%swap3A, %swap3A_39], %add3A_38 {strides = array<i32>} : memref<2000x128xf32, #tpu.memory_space<vmem>>, vector<2000x128xf32>,
    %get3A_41 = arith.constant 0 : index
    %get3A_42 = arith.constant 0 : index
    %get3A_43 = vector.load %arg5[%get3A_41, %get3A_42] : memref<128x128xf32, #tpu.memory_space<vmem>>, vector<128x128xf32>
    %dot_general3A_44 = arith.constant dense<0.000000e+00> : vector<2000x128xf32>
    %dot_general3A_45 = tpu.matmul %max3A_29, %get3A_43, %dot_general3A_44 {dimension_numbers = #tpu.dot_dimension_numbers<[1], [0], [0], [1], [0, 0, 1, 1], [], []>, transpose_lhs_hint = false} : vector<2000x128xf32>, vector<128x128xf32>, vector<2000x128xf32> -> vector<2000x128xf32>
    %swap3A_46 = arith.constant 0 : index
    %swap3A_47 = arith.constant 0 : index
    %swap3A_48 = vector.load %arg8[%swap3A_46, %swap3A_47] : memref<2000x128xf32, #tpu.memory_space<vmem>>, vector<2000x128xf32>
    tpu.vector_store %arg8[%swap3A_46, %swap3A_47], %dot_general3A_45 {strides = array<i32>} : memref<2000x128xf32, #tpu.memory_space<vmem>>, vector<2000x128xf32>,
    return
  }
  func.func @transform_0(%arg0: i32) -> (i32, i32) {
    %c0_i32 = arith.constant 0 : i32
    %c0_i32_0 = arith.constant 0 : i32
    return %arg0, %c0_i32 : i32, i32
  }
  func.func @transform_1(%arg0: i32) -> (i32, i32, i32) {
    %c0_i32 = arith.constant 0 : i32
    %c0_i32_0 = arith.constant 0 : i32
    %c0_i32_1 = arith.constant 0 : i32
    return %c0_i32, %arg0, %c0_i32_0 : i32, i32, i32
  }
  func.func @transform_2(%arg0: i32) -> (i32, i32, i32) {
    %c0_i32 = arith.constant 0 : i32
    %c0_i32_0 = arith.constant 0 : i32
    %c0_i32_1 = arith.constant 0 : i32
    return %c0_i32, %arg0, %c0_i32_0 : i32, i32, i32
  }
  func.func @transform_3(%arg0: i32) -> (i32, i32) {
    %c0_i32 = arith.constant 0 : i32
    %c0_i32_0 = arith.constant 0 : i32
    %c0_i32_1 = arith.constant 0 : i32
    return %c0_i32, %c0_i32_0 : i32, i32
  }
  func.func @transform_4(%arg0: i32) -> (i32, i32) {
    %c0_i32 = arith.constant 0 : i32
    %c0_i32_0 = arith.constant 0 : i32
    %c0_i32_1 = arith.constant 0 : i32
    return %c0_i32, %c0_i32_0 : i32, i32
  }
  func.func @transform_5(%arg0: i32) -> (i32, i32) {
    %c0_i32 = arith.constant 0 : i32
    %c0_i32_0 = arith.constant 0 : i32
    %c0_i32_1 = arith.constant 0 : i32
    return %c0_i32, %c0_i32_0 : i32, i32
  }
  func.func @transform_6(%arg0: i32) -> (i32, i32) {
    %c0_i32 = arith.constant 0 : i32
    %c0_i32_0 = arith.constant 0 : i32
    return %arg0, %c0_i32 : i32, i32
  }
  func.func @transform_7(%arg0: i32) -> (i32, i32) {
    %c0_i32 = arith.constant 0 : i32
    %c0_i32_0 = arith.constant 0 : i32
    return %arg0, %c0_i32 : i32, i32
  }
}

module attributes {stable_mosaic.version = 14 : i64} {
  func.func @_final_body(%arg0: i32, %arg1: memref<2000x128xf32, #tpu.memory_space<vmem>>, %arg2: memref<2x2000x128xf32, #tpu.memory_space<vmem>>, %arg3: memref<2x2000x128xf32, #tpu.memory_space<vmem>>, %arg4: memref<2000x128xf32, #tpu.memory_space<vmem>>) attributes {dimension_semantics = [#tpu.dimension_semantics<arbitrary>], iteration_bounds = array<i64: 5>, scalar_prefetch = 0 : i64, scratch_operands = 0 : i64, tpu.core_type = #tpu.core_type<tc>, window_params = [{transform_indices = @transform_0, window_bounds = array<i64: 2000, 128>}, {transform_indices = @transform_1, window_bounds = array<i64: 2, 2000, 128>}, {transform_indices = @transform_2, window_bounds = array<i64: 2, 2000, 128>}, {transform_indices = @transform_3, window_bounds = array<i64: 2000, 128>}]} {
    %get3A = arith.constant 0 : index
    %get3A_0 = arith.constant 0 : index
    %get3A_1 = arith.constant 0 : index
    %get3A_2 = vector.load %arg2[%get3A, %get3A_0, %get3A_1] : memref<2x2000x128xf32, #tpu.memory_space<vmem>>, vector<1x2000x128xf32>
    %get3A_3 = vector.shape_cast %get3A_2 : vector<1x2000x128xf32> to vector<2000x128xf32>
    %get3A_4 = arith.constant 1 : index
    %get3A_5 = arith.constant 0 : index
    %get3A_6 = arith.constant 0 : index
    %get3A_7 = vector.load %arg2[%get3A_4, %get3A_5, %get3A_6] : memref<2x2000x128xf32, #tpu.memory_space<vmem>>, vector<1x2000x128xf32>
    %get3A_8 = vector.shape_cast %get3A_7 : vector<1x2000x128xf32> to vector<2000x128xf32>
    %add3A = arith.addf %get3A_3, %get3A_8 : vector<2000x128xf32>
    %get3A_9 = arith.constant 0 : index
    %get3A_10 = arith.constant 0 : index
    %get3A_11 = arith.constant 0 : index
    %get3A_12 = vector.load %arg3[%get3A_9, %get3A_10, %get3A_11] : memref<2x2000x128xf32, #tpu.memory_space<vmem>>, vector<1x2000x1xf32>
    %get3A_13 = vector.shape_cast %get3A_12 : vector<1x2000x1xf32> to vector<2000x1xf32>
    %get3A_14 = arith.constant 1 : index
    %get3A_15 = arith.constant 0 : index
    %get3A_16 = arith.constant 0 : index
    %get3A_17 = vector.load %arg3[%get3A_14, %get3A_15, %get3A_16] : memref<2x2000x128xf32, #tpu.memory_space<vmem>>, vector<1x2000x1xf32>
    %get3A_18 = vector.shape_cast %get3A_17 : vector<1x2000x1xf32> to vector<2000x1xf32>
    %add3A_19 = arith.addf %get3A_13, %get3A_18 : vector<2000x1xf32>
    %max3A = arith.constant 1.000000e+00 : f32
    %max3A_20 = vector.broadcast %max3A : f32 to vector<2000x1xf32>
    %max3A_21 = arith.maximumf %add3A_19, %max3A_20 : vector<2000x1xf32>
    %get3A_22 = arith.constant 0 : index
    %get3A_23 = arith.constant 0 : index
    %get3A_24 = vector.load %arg1[%get3A_22, %get3A_23] : memref<2000x128xf32, #tpu.memory_space<vmem>>, vector<2000x128xf32>
    %div3A = vector.broadcast %max3A_21 : vector<2000x1xf32> to vector<2000x128xf32>
    %div3A_25 = arith.divf %add3A, %div3A : vector<2000x128xf32>
    %add3A_26 = arith.addf %get3A_24, %div3A_25 : vector<2000x128xf32>
    %swap3A = arith.constant 0 : index
    %swap3A_27 = arith.constant 0 : index
    %swap3A_28 = vector.load %arg4[%swap3A, %swap3A_27] : memref<2000x128xf32, #tpu.memory_space<vmem>>, vector<2000x128xf32>
    tpu.vector_store %arg4[%swap3A, %swap3A_27], %add3A_26 {strides = array<i32>} : memref<2000x128xf32, #tpu.memory_space<vmem>>, vector<2000x128xf32>,
    return
  }
  func.func @transform_0(%arg0: i32) -> (i32, i32) {
    %c0_i32 = arith.constant 0 : i32
    %c0_i32_0 = arith.constant 0 : i32
    return %arg0, %c0_i32 : i32, i32
  }
  func.func @transform_1(%arg0: i32) -> (i32, i32, i32) {
    %c0_i32 = arith.constant 0 : i32
    %c0_i32_0 = arith.constant 0 : i32
    %c0_i32_1 = arith.constant 0 : i32
    return %c0_i32, %arg0, %c0_i32_0 : i32, i32, i32
  }
  func.func @transform_2(%arg0: i32) -> (i32, i32, i32) {
    %c0_i32 = arith.constant 0 : i32
    %c0_i32_0 = arith.constant 0 : i32
    %c0_i32_1 = arith.constant 0 : i32
    return %c0_i32, %arg0, %c0_i32_0 : i32, i32, i32
  }
  func.func @transform_3(%arg0: i32) -> (i32, i32) {
    %c0_i32 = arith.constant 0 : i32
    %c0_i32_0 = arith.constant 0 : i32
    return %arg0, %c0_i32 : i32, i32
  }
}

</mosaic_0001>

<sc_bundles>
// kernel: kernel.10.cloned.1.call-start
scs
__scs_entry_jumppad:
0x0: {  	(pc) =	sbr.rel $0x88, $3  }
0x1: {  	(tag) =	ssettag $0x0;
	lr =	simm.s32 $0x1  }
0x2: {  	[smem:$0x3F96] =	sst lr;
	_ =	strace $0xD0000000  }
0x3: {  	_ = 	snop  }
0x4: {  	_ = 	snop  }
0x5: {  	_ = 	snop  }
0x6: {  	_ = 	snop  }
0x7: {  	_ = 	snop  }
__scs_overlays_trampoline_lowered:
0x8: {  	[smem:$0x3FA5] =	sst s0  }
0x9: {  	[smem:$0x3FA6] =	sst s1  }
0xa: {  	[smem:$0x3FA7] =	sst s2  }
0xb: {  	[smem:$0x3FA8] =	sst s3  }
0xc: {  	[smem:$0x3FA9] =	sst s4  }
0xd: {  	[smem:$0x3FAA] =	sst s5  }
0xe: {  	[smem:$0x3FAB] =	sst s6  }
0xf: {  	[smem:$0x3FAC] =	sst s7  }
0x10: {  	[smem:$0x3FAD] =	sst s8  }
0x11: {  	[smem:$0x3FAE] =	sst s9;
	s0 =	simm.s32 @!p0 $0x0  }
0x12: {  	s1 =	sld [smem:$0x3F94];
	s0 =	simm.s32 @p0 $0x1  }
0x13: {  	[smem:$0x3FAF] =	sst s0;
	s0 =	simm.s32 @!p1 $0x0  }
0x14: {  	s2 =	sld [smem:$0x3F93];
	s0 =	simm.s32 @p1 $0x1  }
0x15: {  	[smem:$0x3FB0] =	sst s0;
	s0 =	simm.s32 @!p2 $0x0  }
0x16: {  	s3 =	sld [smem:$0x3FDB];
	s0 =	simm.s32 @p2 $0x1  }
0x17: {  	s4 =	simm.s32 $0x1BF5;
	[smem:$0x3FB2] =	sst s0  }
0x18: {  	s0 =	sld [smem:$0x3F95];
	_ =	swait.ge [sflag:s4], $0x0  }
0x19: {  	s7 =	sld [smem:$0x3F96]  }
0x1a: {  	s8 =	sadd.s32 $0xFFFFE003, lr  }
0x1b: {  	s9 =	sadd.s32 $0xFFFFFEF7, lr;
	s5 =	simm.s32 $0xFFFFFFFF;
	p2 =	slt.u32 s8, $0xFFFFF086  }
0x1c: {  	p1 =	slt.u32 s9, $0xF7A;
	s5 =	simm.s32 @!p2 $0x0  }
0x1d: {  	s5 =	simm.s32 @p1 $0x1;
	p0 =	seq.s32 s7, s2  }
0x1e: {  	s7 =	smul.u32 @!p0 $0xF7A, s2;
	p2 =	seq.s32 @!p0 s5, $0x0  }
0x1f: {  	s9 =	smul.u32 $0xF7A, s1;
	s8 =	simm.s32 @!p0 $0x1BF5;
	p2 =	por !p2, p0  }
0x20: {  	[sflag:s8] =	ssyncset.s32 @!p0 $0xFFFFF086;
	s6 =	sadd.s32 @!p0 s3, s7;
	s7 =	simm.s32 @!p0 $0x108  }
0x21: {  	s3 =	sadd.s32 s3, s9;
	s6 =	sadd.s32 @!p0 $0x88, s6;
	s7 =	simm.s32 @p2 $0x1082  }
0x22: {  	[simem:s7], [sflag:s8] =	dma.local @!p0 [hbm:s6], $0xF7A  }
0x23: {  	s9 =	sor.u32 $0xD0000000, s2;
	s6 =	simm.s32 $0x108;
	_ =	swait.ge @!p0 [sflag:s8], $0x0  }
0x24: {  	s3 =	sadd.s32 $0x88, s3;
	s6 =	simm.s32 @!p1 $0x1082;
	[sflag:s4] =	ssyncset.s32 $0xFFFFF086  }
0x25: {  	[simem:s6], [sflag:s4] =	dma.local [hbm:s3], $0xF7A  }
0x26: {  	[smem:$0x3F96] =	sst s1;
	(tag) =	ssettag s2;
	_ =	strace s9  }
0x27: {  	s1 =	sld [smem:$0x3FA6]  }
0x28: {  	s2 =	sld [smem:$0x3FA7]  }
0x29: {  	s4 =	sld [smem:$0x3FA9]  }
0x2a: {  	p0 =	seq.s32 s5, $0x0;
	s5 =	sld [smem:$0x3FAA]  }
0x2b: {  	s6 =	sld [smem:$0x3FAB]  }
0x2c: {  	s7 =	sld [smem:$0x3FAC]  }
0x2d: {  	s3 =	simm.s32 $0x108;
	s8 =	sld [smem:$0x3FAD]  }
0x2e: {  	s3 =	simm.s32 @!p0 $0x1082;
	s9 =	sld [smem:$0x3FAE]  }
0x2f: {  	lr =	sadd.s32 s0, s3;
	s0 =	sld [smem:$0x3FA5]  }
0x30: {  	s3 =	sld [smem:$0x3FA8]  }
0x31: {  	[smem:$0x3FB1] =	sst s10  }
0x32: {  	s10 =	sld [smem:$0x3FAF];
	_ =	sdelay $0x3  }
0x33: {  	p0 =	seq.s32 s10, $0x1;
	s10 =	sld [smem:$0x3FB1];
	_ =	sdelay $0x3  }
0x34: {  	[smem:$0x3FB1] =	sst s10  }
0x35: {  	s10 =	sld [smem:$0x3FB0];
	_ =	sdelay $0x3  }
0x36: {  	p1 =	seq.s32 s10, $0x1;
	s10 =	sld [smem:$0x3FB1];
	_ =	sdelay $0x3  }
0x37: {  	[smem:$0x3FB1] =	sst s10  }
0x38: {  	s10 =	sld [smem:$0x3FB2]  }
0x39: {  	_ = 	snop;
	(pc) =	sbr.ind lr, $3  }
0x3a: {  	_ = 	snop  }
0x3b: {  	_ = 	snop  }
0x3c: {  	p2 =	seq.s32 s10, $0x1;
	s10 =	sld [smem:$0x3FB1]  }
0x3d: {  	_ =	shalt  }
0x3e: {  	_ =	shalt  }
0x3f: {  	_ =	shalt  }
0x40: {  	_ =	shalt  }
0x41: {  	_ =	shalt  }
0x42: {  	_ =	shalt  }
0x43: {  	_ =	shalt  }
0x44: {  	_ =	shalt  }
0x45: {  	_ =	shalt  }
0x46: {  	_ =	shalt  }
0x47: {  	_ =	shalt  }
0x48: {  	_ =	shalt  }
0x49: {  	_ =	shalt  }
0x4a: {  	_ =	shalt  }
0x4b: {  	_ =	shalt  }
0x4c: {  	_ =	shalt  }
0x4d: {  	_ =	shalt  }
0x4e: {  	_ =	shalt  }
0x4f: {  	_ =	shalt  }
0x50: {  	_ =	shalt  }
0x51: {  	_ =	shalt  }
0x52: {  	_ =	shalt  }
0x53: {  	_ =	shalt  }
0x54: {  	_ =	shalt  }
0x55: {  	_ =	shalt  }
0x56: {  	_ =	shalt  }
0x57: {  	_ =	shalt  }
0x58: {  	_ =	shalt  }
0x59: {  	_ =	shalt  }
0x5a: {  	_ =	shalt  }
0x5b: {  	_ =	shalt  }
0x5c: {  	_ =	shalt  }
0x5d: {  	_ =	shalt  }
0x5e: {  	_ =	shalt  }
0x5f: {  	_ =	shalt  }
0x60: {  	_ =	shalt  }
0x61: {  	_ =	shalt  }
0x62: {  	_ =	shalt  }
0x63: {  	_ =	shalt  }
0x64: {  	_ =	shalt  }
0x65: {  	_ =	shalt  }
0x66: {  	_ =	shalt  }
0x67: {  	_ =	shalt  }
0x68: {  	_ =	shalt  }
0x69: {  	_ =	shalt  }
0x6a: {  	_ =	shalt  }
0x6b: {  	_ =	shalt  }
0x6c: {  	_ =	shalt  }
0x6d: {  	_ =	shalt  }
0x6e: {  	_ =	shalt  }
0x6f: {  	_ =	shalt  }
0x70: {  	_ =	shalt  }
0x71: {  	_ =	shalt  }
0x72: {  	_ =	shalt  }
0x73: {  	_ =	shalt  }
0x74: {  	_ =	shalt  }
0x75: {  	_ =	shalt  }
0x76: {  	_ =	shalt  }
0x77: {  	_ =	shalt  }
0x78: {  	_ =	shalt  }
0x79: {  	_ =	shalt  }
0x7a: {  	_ =	shalt  }
0x7b: {  	_ =	shalt  }
0x7c: {  	_ =	shalt  }
0x7d: {  	_ =	shalt  }
0x7e: {  	_ =	shalt  }
0x7f: {  	_ =	shalt  }
0x80: {  	_ =	shalt  }
0x81: {  	_ =	shalt  }
0x82: {  	_ =	shalt  }
0x83: {  	_ =	shalt  }
0x84: {  	_ =	shalt  }
0x85: {  	_ =	shalt  }
0x86: {  	_ =	shalt  }
0x87: {  	_ =	shalt  }
.Lfunc_end0:
.L_simem_size_0:
called_computation_lowered:
.L_overlay_start_0:
0x88: {  	s2 =	sld [smem:$0x3FD9]  }
0x89: {  	s3 =	sld [smem:$0x3FFE];
	_ =	sdelay $0x1  }
0x8a: {  	s1 =	srdreg.scid  }
0x8b: {  	s0 =	sand.u32 $0x1, s1  }
0x8c: {  	s17 =	sshll.u32 s0, $0xA;
	s2 =	sadd.s32 s3, s2  }
0x8d: {  	s2 =	sadd.s32 s2, s17  }
0x8e: {  	[smem:$0x3FBD] =	sst s2  }
0x8f: {  	_ = 	snop  }
0x90: {  	(tm) =	ssettm $0x1  }
0x91: {  	s18 =	sld [smem:$0x3FFB];
	_ =	sdelay $0x3  }
0x92: {  	_ =	strace s18  }
0x93: {  	s2 =	sld [smem:$0x3FFC];
	_ =	sdelay $0x3  }
0x94: {  	_ =	strace s2  }
0x95: {  	s2 =	sld [smem:$0x3FFD];
	_ =	sdelay $0x3  }
0x96: {  	_ =	strace s2  }
0x97: {  	_ =	strace $0x8FFFFFFF  }
0x98: {  	s19 =	sld [smem:$0x3FDB];
	_ =	sdelay $0x1  }
0x99: {  	s20 =	simm.s32 $_scs_section_size  }
0x9a: {  	s4 =	simm.s32 $_size__tile_overlayer_lowered;
	s5 =	simm.s32 $_tile_overlayer_lowered  }
0x9b: {  	s6 =	simm.s32 $0x1BFF;
	s21 =	sshll.u32 s5, $0x1;
	s3 =	sadd.s32 s20, s19  }
0x9c: {  	s22 =	simm.s32 $0x0;
	s4 =	sshll.u32 s4, $0x1;
	s5 =	sadd.s32 s21, s3  }
0x9d: {  	[timem:s22], [sflag:s6] =	dma.local [hbm:s5], s4  }
0x9e: {  	_ =	swait.ge [sflag:s6], s4  }
0x9f: {  	s4 =	ssub.s32 $0x0, s4;
	[sflag:s6] =	ssyncset.done $0x0  }
0xa0: {  	[sflag:s6] =	ssyncadd.s32 s4;
	_ =	sdelay $0x1  }
0xa1: {  	s23 =	simm.s32 $0x1B8B  }
0xa2: {  	_ =	swait.ge [sflag:s23], $0x1  }
0xa3: {  	[sflag:s23] =	ssyncset.done $0x0  }
0xa4: {  	[sflag:s23] =	ssyncadd.s32 $0xFFFFFFFF  }
0xa5: {  	s4 =	sld [smem:$0x0]  }
0xa6: {  	s5 =	sand.u32 $0xFFFFFFFE, s1  }
0xa7: {  	p0 =	sne.s32 s1, s5  }
0xa8: {  	s5 =	sshll.u32 @p0 s5, $0xE  }
0xa9: {  	s5 =	sadd.s32 @p0 $0x11B8D, s5;
	s6 =	sshll.u32 @p0 s4, $0x11  }
0xaa: {  	s5 =	sor.u32 @p0 s6, s5  }
0xab: {  	[sflag:s5] =	ssyncadd.remote.s32 @p0 $0x1;
	_ =	sdelay $0x1  }
0xac: {  	s5 =	simm.s32 @p0 $0x1B8D  }
0xad: {  	_ =	swait.eq @p0 [sflag:s5], $0x1  }
0xae: {  	[sflag:s5] =	ssyncadd.s32 @p0 $0xFFFFFFFF  }
0xaf: {  	s6 =	sshll.u32 @!p0 s1, $0xE  }
0xb0: {  	s6 =	sor.u32 @!p0 $0x4000, s6;
	s5 =	simm.s32 @!p0 $0x1B8D  }
0xb1: {  	s4 =	sshll.u32 @!p0 s4, $0x11;
	s6 =	sadd.s32 @!p0 $0x11B8D, s6;
	_ =	swait.eq @!p0 [sflag:s5], $0x1  }
0xb2: {  	s4 =	sor.u32 @!p0 s4, s6;
	[sflag:s5] =	ssyncadd.s32 @!p0 $0xFFFFFFFF  }
0xb3: {  	s25 =	simm.s32 $0x1B8E;
	s24 =	sld [smem:$0x3FFE];
	[sflag:s4] =	ssyncadd.remote.s32 @!p0 $0x1  }
0xb4: {  	s26 =	simm.s32 $execute0_lowered;
	[smem:$0x3FD2] =	sst s25  }
0xb5: {  	s5 =	sshll.u32 s26, $0x1;
	_ =	strace $0x80000049;
	[dreg:$0x1] =	wrdreg $0xFFFFFFFF  }
0xb6: {  	s28 =	simm.s32 $_size_execute0_lowered;
	s3 =	sadd.s32 s3, s5;
	[dreg:$0x0] =	wrdreg $0x0  }
0xb7: {  	s5 =	sshll.u32 s28, $0x1;
	[dreg:$0x2] =	wrdreg s3  }
0xb8: {  	[dreg:$0x3] =	wrdreg s5  }
0xb9: {  	[dreg:$0x4] =	wrdreg $0xC0  }
0xba: {  	_ =	task [dreg:s22], $0x5FFFF  }
0xbb: {  	[dreg:$0x1] =	wrdreg $0xFFFFFFFF  }
0xbc: {  	[dreg:$0x0] =	wrdreg $0x60  }
0xbd: {  	[dreg:$0x2] =	wrdreg s24  }
0xbe: {  	[dreg:$0x3] =	wrdreg $0x68000  }
0xbf: {  	[dreg:$0x4] =	wrdreg $0x9  }
0xc0: {  	_ =	task.clear_ibuf [dreg:s22], $0x5FFFF;
	_ =	strace $0x90000049  }
0xc1: {  	s29 =	simm.s32 $0x9;
	_ =	strace $0x8000004B  }
0xc2: {  	_ =	swait.ge [sflag:s29], $0x1  }
0xc3: {  	[sflag:s29] =	ssyncadd.s32 $0xFFFFFFFF  }
0xc4: {  	_ =	strace $0x9000004B  }
0xc5: {  	_ =	sfence  }
0xc6: {  	s30 =	sld [smem:$0x0];
	_ =	sdelay $0x2  }
0xc7: {  	s31 =	sshll.u32 s1, $0xD;
	s1 =	sshrl.u32 s1, $0x2  }
0xc8: {  	s4 =	sand.u32 $0x4000, s31;
	s1 =	sadd.s32 s1, s30  }
0xc9: {  	s0 =	sor.u32 s4, s0;
	s1 =	sshll.u32 s1, $0x11  }
0xca: {  	s0 =	sor.u32 s1, s0  }
0xcb: {  	s0 =	sadd.s32 $0x8F2B, s0  }
0xcc: {  	[sflag:s0] =	ssyncadd.remote.s32 $0x1  }
0xcd: {  	_ =	sfence.sel $0xFFFF  }
0xce: {  	[dreg:$0x0] =	wrdreg $0xFFFFFFFF;
	(pc) =	sbr.abs _section_cstart, $3  }
0xcf: {  	[dreg:$0x1] =	wrdreg $0xFFFFFFFF  }
0xd0: {  	_ =	task.clear_ibuf [dreg:s22], $0x2FFFF;
	_ =	strace $0x9FFFFFFF  }
0xd1: {  	(tm) =	ssettm $0x7FFFFFFF  }
tec
execute0_lowered:
.L_overlay_start_1:
0x0: {  	(tag) =	ssettag $0x1  }
0x1: {  	s7 =	rddreg [dreg:$0x0]  }
0x2: {  	s0 =	srdreg.scid;
	s2 =	rddreg [dreg:$0x1]  }
0x3: {  	s3 =	simm.s32 $0x0;
	s13 =	simm.s32 $0x80;
	s6 =	sand.u32 $0x1, s0  }
0x4: {  	s14 =	simm.s32 $0x0;
	s0 =	stileid.u32;
	s5 =	smul.u32 $0x13C000, s6  }
0x5: {  	[smem:$0x7FF] =	sst s3;
	s1 =	sshll.u32 s6, $0x4;
	s8 =	smul.u32 $0x13C00, s0  }
0x6: {  	s10 =	smul.u32 $0x4F000, s0;
	s6 =	ssub.s32 $0x2, s6;
	s11 =	sshll.u32 s0, $0x6  }
0x7: {  	s1 =	sor.u32 s0, s1;
	s31 =	sshrl.u32 s6, $0x1;
	s11 =	sor.u32 $0x1C01, s11  }
0x8: {  	s4 =	smul.u32 $0x500, s1;
	s1 =	rddreg [dreg:$0x2];
	_ =	strace $0x8000004A  }
0x9: {  	s8 =	sadd.s32 s8, s5;
	s5 =	sadd.s32 $0x68200, s7;
	s10 =	sshrl.u32 s10, $0x2  }
0xa: {  	s8 =	sshrl.u32 s8, $0x3;
	s12 =	sadd.s32 s10, s2;
	s10 =	simm.s32 $0x2800  }
0xb: {  	s9 =	sadd.s32 s4, s7;
	s4 =	sadd.s32 $0x16A00, s7;
	s7 =	sadd.s32 s8, s7  }
0xc: {  	s8 =	ssub.s32 s6, s31;
	s12 =	sshrl.u32 s12, $0x3;
	s6 =	sadd.s32 $0x2A00, s9  }
0xd: {  	s7 =	sadd.s32 $0x68A00, s7;
	s8 =	smax.u32 s8, $0x1;
	s9 =	simm.s32 $0x1  }
.LBB2_1:
0xe: {  	[tilespmem:s3], [sflag:$0x1] =	stream.linear.gather [hbm4b:s6+s3], $0x2800, $0x38;
	[tilespmem:$0x1A400] =	vst v63  }
0xf: {  	_ =	swait.ge [sflag:s9], $0x2800  }
0x10: {  	[sflag:s9] =	ssyncset.done $0x0  }
0x11: {  	[sflag:s9] =	ssyncadd.s32 $0xFFFFD800  }
0x12: {  	[tilespmem:s10], [sflag:$0x1] =	stream.linear.gather [hbm4b:s5+s3], $0x4000, $0x38;
	[tilespmem:$0x1A400] =	vst v63  }
0x13: {  	_ =	swait.ge [sflag:s9], $0x4000  }
0x14: {  	[sflag:s9] =	ssyncset.done $0x0  }
0x15: {  	[sflag:s9] =	ssyncadd.s32 $0xFFFFC000  }
0x16: {  	[spmem:s12], [sflag:s11] =	dma.local [hbm:s4], $0x2780  }
0x17: {  	_ =	swait.ge [sflag:s9], $0x2780  }
0x18: {  	[sflag:s9] =	ssyncset.done $0x0  }
0x19: {  	[sflag:s9] =	ssyncadd.s32 $0xFFFFD880  }
0x1a: {  	s15 =	simm.s32 $0x0;
	[bflag:$0x0] =	sbarrier.arrive $0xFFFF  }
0x1b: {  	[spmem:s2] =	stream.indirect.scatter.add.f32 [tilespmem:s10], [sflag:$0x1], $0x80, s15, s13, $0xb8;
	[tilespmem:$0x1A400] =	vst v63  }
0x1c: {  	_ =	swait.ge [sflag:s9], $0x4000  }
0x1d: {  	s15 =	simm.s32 $0x200;
	[sflag:s9] =	ssyncset.done $0x0  }
.LBB2_2:
0x1e: {  	s16 =	sshra.s32 s15, $0x2;
	[sflag:s9] =	ssyncadd.s32 $0xFFFFC000;
	p0 =	sne.s32 s15, $0x9E00  }
0x1f: {  	[spmem:s2] =	stream.indirect.scatter.add.f32 [tilespmem:s10], [sflag:$0x1], $0x80, s16, s13, $0xb8;
	[tilespmem:$0x1A400] =	vst v63  }
.Ltmp0:
0x20: {  	_ = 	snop;
	(pc) =	sbr.rel @p0 .LBB2_2-.Ltmp0, $4  }
0x21: {  	_ = 	snop  }
0x22: {  	s15 =	sadd.s32 $0x200, s15  }
0x23: {  	_ =	swait.ge [sflag:s9], $0x4000  }
0x24: {  	[sflag:s9] =	ssyncset.done $0x0  }
0x25: {  	s14 =	sadd.s32 $0x1, s14  }
0x26: {  	[sflag:s9] =	ssyncadd.s32 $0xFFFFC000;
	p0 =	sne.s32 s14, s8  }
.Ltmp1:
0x27: {  	[bflag:$0x0] =	sbarrier.arrive $0xFFFF;
	(pc) =	sbr.rel @p0 .LBB2_1-.Ltmp1, $4  }
0x28: {  	[hbm:s7], [sflag:s11] =	dma.local [spmem:s12], $0x2780  }
0x29: {  	_ =	swait.ge [sflag:s9], $0x2780  }
0x2a: {  	[sflag:s9] =	ssyncset.done $0x0  }
0x2b: {  	[sflag:s9] =	ssyncadd.s32 $0xFFFFD880  }
0x2c: {  	_ =	sfence.sel $0x180000  }
0x2d: {  	[bflag:$0x0] =	sbarrier.arrive $0xFFFF  }
0x2e: {  	p0 =	sne.s32 s0, $0x0;
	_ =	strace $0x9000004A  }
0x2f: {  	s0 =	sadd.s32 @!p0 $0x100000, s1;
	[bflag:$0x2] =	sbarrier.arrive $0xFFFF  }
0x30: {  	[sflag:s0] =	ssyncadd.tile.s32 @!p0 $0x1;
	_ =	shalt  }
.Lfunc_end2:
_tile_overlayer_lowered:
.L_overlay_start_2:
0x31: {  	(tag) =	ssettag $0x2  }
0x32: {  	s0 =	rddreg [dreg:$0x0];
	s2 =	stileid.u32  }
0x33: {  	s1 =	rddreg [dreg:$0x1];
	p0 =	sne.s32 s2, $0x0  }
0x34: {  	s3 =	rddreg [dreg:$0x2];
	[bflag:$0x3] =	sbarrier.arrive $0xFFFF;
	s2 =	simm.s32 @!p0 $0x1C01  }
0x35: {  	[timem:s3], [sflag:s2] =	dma.local @!p0 [hbm:s0], s1  }
0x36: {  	s0 =	simm.s32 @!p0 $0x1  }
0x37: {  	_ =	swait.ge @!p0 [sflag:s0], s1  }
0x38: {  	s1 =	ssub.s32 @!p0 $0x0, s1;
	[sflag:s0] =	ssyncset.done @!p0 $0x0  }
0x39: {  	[sflag:s0] =	ssyncadd.s32 @!p0 s1  }
0x3a: {  	[bflag:$0x3] =	sbarrier.arrive $0xFFFF  }
0x3b: {  	_ =	shalt  }

// kernel: kernel.13.cloned.1.call-start
scs
__scs_entry_jumppad:
0x0: {  	(pc) =	sbr.rel $0x88, $3  }
0x1: {  	(tag) =	ssettag $0x0;
	lr =	simm.s32 $0x1  }
0x2: {  	[smem:$0x3F96] =	sst lr;
	_ =	strace $0xD0000000  }
0x3: {  	_ = 	snop  }
0x4: {  	_ = 	snop  }
0x5: {  	_ = 	snop  }
0x6: {  	_ = 	snop  }
0x7: {  	_ = 	snop  }
__scs_overlays_trampoline_lowered:
0x8: {  	[smem:$0x3FA5] =	sst s0  }
0x9: {  	[smem:$0x3FA6] =	sst s1  }
0xa: {  	[smem:$0x3FA7] =	sst s2  }
0xb: {  	[smem:$0x3FA8] =	sst s3  }
0xc: {  	[smem:$0x3FA9] =	sst s4  }
0xd: {  	[smem:$0x3FAA] =	sst s5  }
0xe: {  	[smem:$0x3FAB] =	sst s6  }
0xf: {  	[smem:$0x3FAC] =	sst s7  }
0x10: {  	[smem:$0x3FAD] =	sst s8  }
0x11: {  	[smem:$0x3FAE] =	sst s9;
	s0 =	simm.s32 @!p0 $0x0  }
0x12: {  	s1 =	sld [smem:$0x3F94];
	s0 =	simm.s32 @p0 $0x1  }
0x13: {  	[smem:$0x3FAF] =	sst s0;
	s0 =	simm.s32 @!p1 $0x0  }
0x14: {  	s2 =	sld [smem:$0x3F93];
	s0 =	simm.s32 @p1 $0x1  }
0x15: {  	[smem:$0x3FB0] =	sst s0;
	s0 =	simm.s32 @!p2 $0x0  }
0x16: {  	s3 =	sld [smem:$0x3FDB];
	s0 =	simm.s32 @p2 $0x1  }
0x17: {  	s4 =	simm.s32 $0x1BF5;
	[smem:$0x3FB2] =	sst s0  }
0x18: {  	s0 =	sld [smem:$0x3F95];
	_ =	swait.ge [sflag:s4], $0x0  }
0x19: {  	s7 =	sld [smem:$0x3F96]  }
0x1a: {  	s8 =	sadd.s32 $0xFFFFE003, lr  }
0x1b: {  	s9 =	sadd.s32 $0xFFFFFEF7, lr;
	s5 =	simm.s32 $0xFFFFFFFF;
	p2 =	slt.u32 s8, $0xFFFFF086  }
0x1c: {  	p1 =	slt.u32 s9, $0xF7A;
	s5 =	simm.s32 @!p2 $0x0  }
0x1d: {  	s5 =	simm.s32 @p1 $0x1;
	p0 =	seq.s32 s7, s2  }
0x1e: {  	s7 =	smul.u32 @!p0 $0xF7A, s2;
	p2 =	seq.s32 @!p0 s5, $0x0  }
0x1f: {  	s9 =	smul.u32 $0xF7A, s1;
	s8 =	simm.s32 @!p0 $0x1BF5;
	p2 =	por !p2, p0  }
0x20: {  	[sflag:s8] =	ssyncset.s32 @!p0 $0xFFFFF086;
	s6 =	sadd.s32 @!p0 s3, s7;
	s7 =	simm.s32 @!p0 $0x108  }
0x21: {  	s3 =	sadd.s32 s3, s9;
	s6 =	sadd.s32 @!p0 $0x88, s6;
	s7 =	simm.s32 @p2 $0x1082  }
0x22: {  	[simem:s7], [sflag:s8] =	dma.local @!p0 [hbm:s6], $0xF7A  }
0x23: {  	s9 =	sor.u32 $0xD0000000, s2;
	s6 =	simm.s32 $0x108;
	_ =	swait.ge @!p0 [sflag:s8], $0x0  }
0x24: {  	s3 =	sadd.s32 $0x88, s3;
	s6 =	simm.s32 @!p1 $0x1082;
	[sflag:s4] =	ssyncset.s32 $0xFFFFF086  }
0x25: {  	[simem:s6], [sflag:s4] =	dma.local [hbm:s3], $0xF7A  }
0x26: {  	[smem:$0x3F96] =	sst s1;
	(tag) =	ssettag s2;
	_ =	strace s9  }
0x27: {  	s1 =	sld [smem:$0x3FA6]  }
0x28: {  	s2 =	sld [smem:$0x3FA7]  }
0x29: {  	s4 =	sld [smem:$0x3FA9]  }
0x2a: {  	p0 =	seq.s32 s5, $0x0;
	s5 =	sld [smem:$0x3FAA]  }
0x2b: {  	s6 =	sld [smem:$0x3FAB]  }
0x2c: {  	s7 =	sld [smem:$0x3FAC]  }
0x2d: {  	s3 =	simm.s32 $0x108;
	s8 =	sld [smem:$0x3FAD]  }
0x2e: {  	s3 =	simm.s32 @!p0 $0x1082;
	s9 =	sld [smem:$0x3FAE]  }
0x2f: {  	lr =	sadd.s32 s0, s3;
	s0 =	sld [smem:$0x3FA5]  }
0x30: {  	s3 =	sld [smem:$0x3FA8]  }
0x31: {  	[smem:$0x3FB1] =	sst s10  }
0x32: {  	s10 =	sld [smem:$0x3FAF];
	_ =	sdelay $0x3  }
0x33: {  	p0 =	seq.s32 s10, $0x1;
	s10 =	sld [smem:$0x3FB1];
	_ =	sdelay $0x3  }
0x34: {  	[smem:$0x3FB1] =	sst s10  }
0x35: {  	s10 =	sld [smem:$0x3FB0];
	_ =	sdelay $0x3  }
0x36: {  	p1 =	seq.s32 s10, $0x1;
	s10 =	sld [smem:$0x3FB1];
	_ =	sdelay $0x3  }
0x37: {  	[smem:$0x3FB1] =	sst s10  }
0x38: {  	s10 =	sld [smem:$0x3FB2]  }
0x39: {  	_ = 	snop;
	(pc) =	sbr.ind lr, $3  }
0x3a: {  	_ = 	snop  }
0x3b: {  	_ = 	snop  }
0x3c: {  	p2 =	seq.s32 s10, $0x1;
	s10 =	sld [smem:$0x3FB1]  }
0x3d: {  	_ =	shalt  }
0x3e: {  	_ =	shalt  }
0x3f: {  	_ =	shalt  }
0x40: {  	_ =	shalt  }
0x41: {  	_ =	shalt  }
0x42: {  	_ =	shalt  }
0x43: {  	_ =	shalt  }
0x44: {  	_ =	shalt  }
0x45: {  	_ =	shalt  }
0x46: {  	_ =	shalt  }
0x47: {  	_ =	shalt  }
0x48: {  	_ =	shalt  }
0x49: {  	_ =	shalt  }
0x4a: {  	_ =	shalt  }
0x4b: {  	_ =	shalt  }
0x4c: {  	_ =	shalt  }
0x4d: {  	_ =	shalt  }
0x4e: {  	_ =	shalt  }
0x4f: {  	_ =	shalt  }
0x50: {  	_ =	shalt  }
0x51: {  	_ =	shalt  }
0x52: {  	_ =	shalt  }
0x53: {  	_ =	shalt  }
0x54: {  	_ =	shalt  }
0x55: {  	_ =	shalt  }
0x56: {  	_ =	shalt  }
0x57: {  	_ =	shalt  }
0x58: {  	_ =	shalt  }
0x59: {  	_ =	shalt  }
0x5a: {  	_ =	shalt  }
0x5b: {  	_ =	shalt  }
0x5c: {  	_ =	shalt  }
0x5d: {  	_ =	shalt  }
0x5e: {  	_ =	shalt  }
0x5f: {  	_ =	shalt  }
0x60: {  	_ =	shalt  }
0x61: {  	_ =	shalt  }
0x62: {  	_ =	shalt  }
0x63: {  	_ =	shalt  }
0x64: {  	_ =	shalt  }
0x65: {  	_ =	shalt  }
0x66: {  	_ =	shalt  }
0x67: {  	_ =	shalt  }
0x68: {  	_ =	shalt  }
0x69: {  	_ =	shalt  }
0x6a: {  	_ =	shalt  }
0x6b: {  	_ =	shalt  }
0x6c: {  	_ =	shalt  }
0x6d: {  	_ =	shalt  }
0x6e: {  	_ =	shalt  }
0x6f: {  	_ =	shalt  }
0x70: {  	_ =	shalt  }
0x71: {  	_ =	shalt  }
0x72: {  	_ =	shalt  }
0x73: {  	_ =	shalt  }
0x74: {  	_ =	shalt  }
0x75: {  	_ =	shalt  }
0x76: {  	_ =	shalt  }
0x77: {  	_ =	shalt  }
0x78: {  	_ =	shalt  }
0x79: {  	_ =	shalt  }
0x7a: {  	_ =	shalt  }
0x7b: {  	_ =	shalt  }
0x7c: {  	_ =	shalt  }
0x7d: {  	_ =	shalt  }
0x7e: {  	_ =	shalt  }
0x7f: {  	_ =	shalt  }
0x80: {  	_ =	shalt  }
0x81: {  	_ =	shalt  }
0x82: {  	_ =	shalt  }
0x83: {  	_ =	shalt  }
0x84: {  	_ =	shalt  }
0x85: {  	_ =	shalt  }
0x86: {  	_ =	shalt  }
0x87: {  	_ =	shalt  }
.Lfunc_end0:
.L_simem_size_0:
called_computation.1_lowered:
.L_overlay_start_0:
0x88: {  	s2 =	sld [smem:$0x3FD9]  }
0x89: {  	s3 =	sld [smem:$0x3FFE];
	_ =	sdelay $0x1  }
0x8a: {  	s1 =	srdreg.scid  }
0x8b: {  	s0 =	sand.u32 $0x1, s1  }
0x8c: {  	s17 =	sshll.u32 s0, $0xA;
	s2 =	sadd.s32 s3, s2  }
0x8d: {  	s2 =	sadd.s32 s2, s17  }
0x8e: {  	[smem:$0x3FBD] =	sst s2  }
0x8f: {  	_ = 	snop  }
0x90: {  	s2 =	sld [smem:$0x3FD0];
	(tm) =	ssettm $0x1  }
0x91: {  	s18 =	sld [smem:$0x3FFB];
	_ =	sdelay $0x3  }
0x92: {  	_ =	strace s18  }
0x93: {  	s3 =	sld [smem:$0x3FFC];
	_ =	sdelay $0x3  }
0x94: {  	_ =	strace s3  }
0x95: {  	s3 =	sld [smem:$0x3FFD];
	_ =	sdelay $0x3  }
0x96: {  	_ =	strace s3  }
0x97: {  	_ =	strace $0x8FFFFFFF  }
0x98: {  	s19 =	sld [smem:$0x3FDB];
	_ =	sdelay $0x1  }
0x99: {  	s4 =	simm.s32 $_scs_section_size  }
0x9a: {  	s5 =	simm.s32 $_size__tile_overlayer_lowered;
	s6 =	simm.s32 $_tile_overlayer_lowered  }
0x9b: {  	s22 =	simm.s32 $0x1BFF;
	s21 =	sshll.u32 s6, $0x1;
	s3 =	sadd.s32 s4, s19  }
0x9c: {  	s7 =	simm.s32 $0x0;
	s20 =	sshll.u32 s5, $0x1;
	s5 =	sadd.s32 s21, s3  }
0x9d: {  	[timem:s7], [sflag:s22] =	dma.local [hbm:s5], s20  }
0x9e: {  	_ =	swait.ge [sflag:s22], s20  }
0x9f: {  	s4 =	ssub.s32 $0x0, s20;
	[sflag:s22] =	ssyncset.done $0x0  }
0xa0: {  	[sflag:s22] =	ssyncadd.s32 s4;
	_ =	sdelay $0x1  }
0xa1: {  	s23 =	simm.s32 $0x1B8B  }
0xa2: {  	_ =	swait.ge [sflag:s23], $0x1  }
0xa3: {  	[sflag:s23] =	ssyncset.done $0x0  }
0xa4: {  	s25 =	simm.s32 $0x1B8E;
	s24 =	sld [smem:$0x3FFE];
	[sflag:s23] =	ssyncadd.s32 $0xFFFFFFFF  }
0xa5: {  	s26 =	simm.s32 $execute0_lowered;
	[smem:$0x3FD2] =	sst s25  }
0xa6: {  	s5 =	sshll.u32 s26, $0x1;
	_ =	strace $0x80000046;
	[dreg:$0x1] =	wrdreg $0xFFFFFFFF  }
0xa7: {  	s28 =	simm.s32 $_size_execute0_lowered;
	s3 =	sadd.s32 s3, s5;
	[dreg:$0x0] =	wrdreg $0x0  }
0xa8: {  	s5 =	sshll.u32 s28, $0x1;
	[dreg:$0x2] =	wrdreg s3  }
0xa9: {  	[dreg:$0x3] =	wrdreg s5  }
0xaa: {  	[dreg:$0x4] =	wrdreg $0xC0  }
0xab: {  	_ =	task [dreg:s7], $0x5FFFF  }
0xac: {  	[dreg:$0x1] =	wrdreg $0xFFFFFFFF  }
0xad: {  	[dreg:$0x0] =	wrdreg $0x60  }
0xae: {  	[dreg:$0x2] =	wrdreg s2  }
0xaf: {  	[dreg:$0x3] =	wrdreg s24  }
0xb0: {  	[dreg:$0x4] =	wrdreg $0xA8000  }
0xb1: {  	[dreg:$0x5] =	wrdreg $0xA  }
0xb2: {  	_ =	task.clear_ibuf [dreg:s7], $0x6FFFF;
	_ =	strace $0x90000046  }
0xb3: {  	s29 =	simm.s32 $0xA;
	_ =	strace $0x80000048  }
0xb4: {  	_ =	swait.ge [sflag:s29], $0x1  }
0xb5: {  	[sflag:s29] =	ssyncadd.s32 $0xFFFFFFFF  }
0xb6: {  	_ =	strace $0x90000048  }
0xb7: {  	_ =	sfence  }
0xb8: {  	s30 =	sld [smem:$0x0];
	_ =	sdelay $0x2  }
0xb9: {  	s31 =	sshll.u32 s1, $0xD;
	s1 =	sshrl.u32 s1, $0x2  }
0xba: {  	s3 =	sand.u32 $0x4000, s31;
	s1 =	sadd.s32 s1, s30  }
0xbb: {  	s0 =	sor.u32 s3, s0;
	s1 =	sshll.u32 s1, $0x11  }
0xbc: {  	s0 =	sor.u32 s1, s0  }
0xbd: {  	s0 =	sadd.s32 $0x8F2B, s0  }
0xbe: {  	[sflag:s0] =	ssyncadd.remote.s32 $0x1  }
0xbf: {  	_ =	sfence.sel $0xFFFF  }
0xc0: {  	[dreg:$0x0] =	wrdreg $0xFFFFFFFF;
	(pc) =	sbr.abs _section_cstart, $3  }
0xc1: {  	[dreg:$0x1] =	wrdreg $0xFFFFFFFF  }
0xc2: {  	_ =	task.clear_ibuf [dreg:s7], $0x2FFFF;
	_ =	strace $0x9FFFFFFF  }
0xc3: {  	(tm) =	ssettm $0x7FFFFFFF  }
tec
execute0_lowered:
.L_overlay_start_1:
0x0: {  	(tag) =	ssettag $0x1  }
0x1: {  	s1 =	rddreg [dreg:$0x0]  }
0x2: {  	s6 =	rddreg [dreg:$0x1]  }
0x3: {  	s2 =	rddreg [dreg:$0x2];
	s3 =	srdreg.scid  }
0x4: {  	s0 =	rddreg [dreg:$0x3];
	s4 =	simm.s32 $0x0;
	s15 =	simm.s32 $0x1400  }
0x5: {  	s16 =	simm.s32 $0x80;
	s17 =	simm.s32 $0x2800;
	s18 =	simm.s32 $0x6800  }
0x6: {  	s19 =	simm.s32 $0x1;
	s20 =	simm.s32 $0x2;
	s21 =	simm.s32 $0x1380  }
0x7: {  	s22 =	simm.s32 $0x2700;
	s5 =	sand.u32 $0x1, s3;
	s3 =	stileid.u32  }
0x8: {  	[smem:$0x7FF] =	sst s4;
	s9 =	sadd.s32 $0xCA00, s6;
	s7 =	smul.u32 $0x13C000, s5  }
0x9: {  	s10 =	sadd.s32 $0x2A00, s6;
	s8 =	smul.u32 $0x13C00, s3;
	_ =	strace $0x80000047  }
0xa: {  	s23 =	sshll.u32 s5, $0x4;
	s11 =	ssub.s32 $0x2, s5;
	s25 =	smul.u32 $0x4F000, s3  }
0xb: {  	s5 =	sadd.s32 $0x16A00, s6;
	s28 =	sshll.u32 s3, $0x6;
	s24 =	sor.u32 s3, s23  }
0xc: {  	s12 =	sshrl.u32 s11, $0x1;
	s23 =	simm.s32 $0x2780;
	s7 =	sadd.s32 s8, s7  }
0xd: {  	s13 =	smul.u32 $0x2800, s24;
	s12 =	ssub.s32 s11, s12;
	s26 =	sshrl.u32 s25, $0x2  }
0xe: {  	s24 =	simm.s32 $0x0;
	s7 =	sshrl.u32 s7, $0x3;
	s30 =	sadd.s32 s26, s2  }
0xf: {  	s12 =	smax.u32 s12, $0x1;
	s14 =	sadd.s32 s7, s6;
	s29 =	sshrl.u32 s13, $0x3  }
0x10: {  	s6 =	sor.u32 $0x1C03, s28;
	s13 =	sshrl.u32 s30, $0x3;
	s31 =	sadd.s32 $0x280, s29  }
0x11: {  	s7 =	sadd.s32 s9, s29;
	s8 =	sadd.s32 s10, s29;
	s11 =	sadd.s32 $0x19200, s14  }
0x12: {  	s14 =	simm.s32 $0x3;
	s9 =	sadd.s32 s9, s31;
	s10 =	sadd.s32 s10, s31  }
.LBB2_1:
0x13: {  	[spmem:s13], [sflag:s6] =	dma.local [hbm:s5], $0x2780  }
0x14: {  	_ =	swait.ge [sflag:s14], $0x2780  }
0x15: {  	[sflag:s14] =	ssyncset.done $0x0  }
0x16: {  	[sflag:s14] =	ssyncadd.s32 $0xFFFFD880  }
0x17: {  	[bflag:$0x0] =	sbarrier.arrive $0xFFFF  }
0x18: {  	[tilespmem:s4], [sflag:$0x3] =	stream.linear.gather [hbm4b:s7+s4], $0x1400, $0x38;
	[tilespmem:$0x1E400] =	vst v63  }
0x19: {  	_ =	swait.ge [sflag:s14], $0x1400  }
0x1a: {  	[sflag:s14] =	ssyncset.done $0x0  }
0x1b: {  	[sflag:s14] =	ssyncadd.s32 $0xFFFFEC00  }
0x1c: {  	[tilespmem:s15], [sflag:$0x3] =	stream.linear.gather [hbm4b:s8+s4], $0x1400, $0x38;
	[tilespmem:$0x1E400] =	vst v63  }
0x1d: {  	_ =	swait.ge [sflag:s14], $0x1400  }
0x1e: {  	[sflag:s14] =	ssyncset.done $0x0  }
0x1f: {  	[sflag:s14] =	ssyncadd.s32 $0xFFFFEC00  }
0x20: {  	[tilespmem:s17], [sflag:$0x1] =	stream.indirect.gather [hbm4b:s1+s16], $0x80, s4, s16, $0xb8;
	[tilespmem:$0x1E400] =	vst v63  }
0x21: {  	s25 =	simm.s32 $0x80  }
0x22: {  	[tilespmem:s18], [sflag:$0x2] =	stream.indirect.gather [hbm4b:s1+s16], $0x80, s25, s16, $0xb8;
	[tilespmem:$0x1E400] =	vst v63  }
0x23: {  	_ =	swait.ge [sflag:s19], $0x4000  }
0x24: {  	[sflag:s19] =	ssyncset.done $0x0  }
0x25: {  	s29 =	simm.s32 $0x1400;
	[sflag:s19] =	ssyncadd.s32 $0xFFFFC000  }
0x26: {  	[spmem:s2] =	stream.indirect.scatter.add.f32 [tilespmem:s17], [sflag:$0x3], $0x80, s29, s16, $0xb8;
	[tilespmem:$0x1E400] =	vst v63  }
0x27: {  	_ =	swait.ge [sflag:s14], $0x4000  }
0x28: {  	[sflag:s14] =	ssyncset.done $0x0  }
0x29: {  	s30 =	simm.s32 $0x100;
	[sflag:s14] =	ssyncadd.s32 $0xFFFFC000  }
0x2a: {  	[tilespmem:s17], [sflag:$0x1] =	stream.indirect.gather [hbm4b:s1+s16], $0x80, s30, s16, $0xb8;
	[tilespmem:$0x1E400] =	vst v63  }
0x2b: {  	_ =	swait.ge [sflag:s20], $0x4000  }
0x2c: {  	[sflag:s20] =	ssyncset.done $0x0  }
0x2d: {  	s31 =	simm.s32 $0x1480;
	[sflag:s20] =	ssyncadd.s32 $0xFFFFC000  }
0x2e: {  	[spmem:s2] =	stream.indirect.scatter.add.f32 [tilespmem:s18], [sflag:$0x3], $0x80, s31, s16, $0xb8;
	[tilespmem:$0x1E400] =	vst v63  }
0x2f: {  	_ =	swait.ge [sflag:s14], $0x4000  }
0x30: {  	s26 =	simm.s32 $0x800;
	s25 =	simm.s32 $0x100;
	[sflag:s14] =	ssyncset.done $0x0  }
.LBB2_2:
0x31: {  	s28 =	sadd.s32 $0x80, s25  }
0x32: {  	[sflag:s14] =	ssyncadd.s32 $0xFFFFC000;
	s29 =	smov.u32 s26;
	s30 =	sadd.s32 $0x400, s26  }
0x33: {  	[tilespmem:s18], [sflag:$0x2] =	stream.indirect.gather [hbm4b:s1+s16], $0x80, s28, s16, $0xb8;
	[tilespmem:$0x1E400] =	vst v63  }
0x34: {  	p0 =	sne.s32 s26, $0x4800;
	_ =	swait.ge [sflag:s19], $0x4000  }
0x35: {  	[sflag:s19] =	ssyncset.done $0x0  }
0x36: {  	s26 =	sadd.s32 $0x1400, s25;
	[sflag:s19] =	ssyncadd.s32 $0xFFFFC000  }
0x37: {  	[spmem:s2] =	stream.indirect.scatter.add.f32 [tilespmem:s17], [sflag:$0x3], $0x80, s26, s16, $0xb8;
	[tilespmem:$0x1E400] =	vst v63  }
0x38: {  	_ =	swait.ge [sflag:s14], $0x4000  }
0x39: {  	[sflag:s14] =	ssyncset.done $0x0  }
0x3a: {  	s26 =	sadd.s32 $0x100, s25;
	[sflag:s14] =	ssyncadd.s32 $0xFFFFC000  }
0x3b: {  	[tilespmem:s17], [sflag:$0x1] =	stream.indirect.gather [hbm4b:s1+s16], $0x80, s26, s16, $0xb8;
	[tilespmem:$0x1E400] =	vst v63  }
0x3c: {  	_ =	swait.ge [sflag:s20], $0x4000  }
.Ltmp0:
0x3d: {  	[sflag:s20] =	ssyncset.done $0x0;
	(pc) =	sbr.rel @p0 .LBB2_2-.Ltmp0, $4  }
0x3e: {  	s25 =	sadd.s32 $0x1480, s25;
	[sflag:s20] =	ssyncadd.s32 $0xFFFFC000  }
0x3f: {  	[spmem:s2] =	stream.indirect.scatter.add.f32 [tilespmem:s18], [sflag:$0x3], $0x80, s25, s16, $0xb8;
	[tilespmem:$0x1E400] =	vst v63  }
0x40: {  	_ =	swait.ge [sflag:s14], $0x4000  }
0x41: {  	s26 =	smov.u32 s30;
	s25 =	sshra.s32 s29, $0x2;
	[sflag:s14] =	ssyncset.done $0x0  }
0x42: {  	s26 =	sadd.s32 $0x80, s25;
	[sflag:s14] =	ssyncadd.s32 $0xFFFFC000  }
0x43: {  	[tilespmem:s18], [sflag:$0x2] =	stream.indirect.gather [hbm4b:s1+s16], $0x80, s26, s16, $0xb8;
	[tilespmem:$0x1E400] =	vst v63  }
0x44: {  	_ =	swait.ge [sflag:s19], $0x4000  }
0x45: {  	[sflag:s19] =	ssyncset.done $0x0  }
0x46: {  	s29 =	sadd.s32 $0x1400, s25;
	[sflag:s19] =	ssyncadd.s32 $0xFFFFC000  }
0x47: {  	[spmem:s2] =	stream.indirect.scatter.add.f32 [tilespmem:s17], [sflag:$0x3], $0x80, s29, s16, $0xb8;
	[tilespmem:$0x1E400] =	vst v63  }
0x48: {  	_ =	swait.ge [sflag:s14], $0x4000  }
0x49: {  	[sflag:s14] =	ssyncset.done $0x0  }
0x4a: {  	s30 =	sadd.s32 $0x100, s25;
	[sflag:s14] =	ssyncadd.s32 $0xFFFFC000  }
0x4b: {  	[tilespmem:s17], [sflag:$0x1] =	stream.indirect.gather [hbm4b:s1+s16], $0x80, s30, s16, $0xb8;
	[tilespmem:$0x1E400] =	vst v63  }
0x4c: {  	_ =	swait.ge [sflag:s20], $0x4000  }
0x4d: {  	[sflag:s20] =	ssyncset.done $0x0  }
0x4e: {  	s31 =	sadd.s32 $0x1480, s25;
	[sflag:s20] =	ssyncadd.s32 $0xFFFFC000  }
0x4f: {  	[spmem:s2] =	stream.indirect.scatter.add.f32 [tilespmem:s18], [sflag:$0x3], $0x80, s31, s16, $0xb8;
	[tilespmem:$0x1E400] =	vst v63  }
0x50: {  	_ =	swait.ge [sflag:s14], $0x4000  }
0x51: {  	[sflag:s14] =	ssyncset.done $0x0  }
0x52: {  	[sflag:s14] =	ssyncadd.s32 $0xFFFFC000  }
0x53: {  	[tilespmem:s18], [sflag:$0x2] =	stream.indirect.gather [hbm4b:s1+s16], $0x80, s21, s16, $0xb8;
	[tilespmem:$0x1E400] =	vst v63  }
0x54: {  	_ =	swait.ge [sflag:s19], $0x4000  }
0x55: {  	[sflag:s19] =	ssyncset.done $0x0  }
0x56: {  	[sflag:s19] =	ssyncadd.s32 $0xFFFFC000  }
0x57: {  	[spmem:s2] =	stream.indirect.scatter.add.f32 [tilespmem:s17], [sflag:$0x3], $0x80, s22, s16, $0xb8;
	[tilespmem:$0x1E400] =	vst v63  }
0x58: {  	_ =	swait.ge [sflag:s14], $0x4000  }
0x59: {  	[sflag:s14] =	ssyncset.done $0x0  }
0x5a: {  	[sflag:s14] =	ssyncadd.s32 $0xFFFFC000  }
0x5b: {  	_ =	swait.ge [sflag:s20], $0x4000  }
0x5c: {  	[sflag:s20] =	ssyncset.done $0x0  }
0x5d: {  	[sflag:s20] =	ssyncadd.s32 $0xFFFFC000  }
0x5e: {  	[spmem:s2] =	stream.indirect.scatter.add.f32 [tilespmem:s18], [sflag:$0x3], $0x80, s23, s16, $0xb8;
	[tilespmem:$0x1E400] =	vst v63  }
0x5f: {  	_ =	swait.ge [sflag:s14], $0x4000  }
0x60: {  	[sflag:s14] =	ssyncset.done $0x0  }
0x61: {  	s26 =	simm.s32 $0x0;
	[sflag:s14] =	ssyncadd.s32 $0xFFFFC000  }
0x62: {  	[tilespmem:s26], [sflag:$0x3] =	stream.linear.gather [hbm4b:s9+s26], $0x1400, $0x38;
	[tilespmem:$0x1E400] =	vst v63  }
0x63: {  	_ =	swait.ge [sflag:s14], $0x1400  }
0x64: {  	[sflag:s14] =	ssyncset.done $0x0  }
0x65: {  	[sflag:s14] =	ssyncadd.s32 $0xFFFFEC00  }
0x66: {  	[tilespmem:s15], [sflag:$0x3] =	stream.linear.gather [hbm4b:s10+s26], $0x1400, $0x38;
	[tilespmem:$0x1E400] =	vst v63  }
0x67: {  	_ =	swait.ge [sflag:s14], $0x1400  }
0x68: {  	[sflag:s14] =	ssyncset.done $0x0  }
0x69: {  	[sflag:s14] =	ssyncadd.s32 $0xFFFFEC00  }
0x6a: {  	[tilespmem:s17], [sflag:$0x1] =	stream.indirect.gather [hbm4b:s1+s16], $0x80, s26, s16, $0xb8;
	[tilespmem:$0x1E400] =	vst v63  }
0x6b: {  	s28 =	simm.s32 $0x80  }
0x6c: {  	[tilespmem:s18], [sflag:$0x2] =	stream.indirect.gather [hbm4b:s1+s16], $0x80, s28, s16, $0xb8;
	[tilespmem:$0x1E400] =	vst v63  }
0x6d: {  	_ =	swait.ge [sflag:s19], $0x4000  }
0x6e: {  	[sflag:s19] =	ssyncset.done $0x0  }
0x6f: {  	s29 =	simm.s32 $0x1400;
	[sflag:s19] =	ssyncadd.s32 $0xFFFFC000  }
0x70: {  	[spmem:s2] =	stream.indirect.scatter.add.f32 [tilespmem:s17], [sflag:$0x3], $0x80, s29, s16, $0xb8;
	[tilespmem:$0x1E400] =	vst v63  }
0x71: {  	_ =	swait.ge [sflag:s14], $0x4000  }
0x72: {  	[sflag:s14] =	ssyncset.done $0x0  }
0x73: {  	s30 =	simm.s32 $0x100;
	[sflag:s14] =	ssyncadd.s32 $0xFFFFC000  }
0x74: {  	[tilespmem:s17], [sflag:$0x1] =	stream.indirect.gather [hbm4b:s1+s16], $0x80, s30, s16, $0xb8;
	[tilespmem:$0x1E400] =	vst v63  }
0x75: {  	_ =	swait.ge [sflag:s20], $0x4000  }
0x76: {  	[sflag:s20] =	ssyncset.done $0x0  }
0x77: {  	s31 =	simm.s32 $0x1480;
	[sflag:s20] =	ssyncadd.s32 $0xFFFFC000  }
0x78: {  	[spmem:s2] =	stream.indirect.scatter.add.f32 [tilespmem:s18], [sflag:$0x3], $0x80, s31, s16, $0xb8;
	[tilespmem:$0x1E400] =	vst v63  }
0x79: {  	_ =	swait.ge [sflag:s14], $0x4000  }
0x7a: {  	s25 =	simm.s32 $0x100;
	s26 =	simm.s32 $0x800;
	[sflag:s14] =	ssyncset.done $0x0  }
.LBB2_4:
0x7b: {  	s28 =	sadd.s32 $0x80, s25  }
0x7c: {  	[sflag:s14] =	ssyncadd.s32 $0xFFFFC000;
	s29 =	smov.u32 s26;
	s30 =	sadd.s32 $0x400, s26  }
0x7d: {  	[tilespmem:s18], [sflag:$0x2] =	stream.indirect.gather [hbm4b:s1+s16], $0x80, s28, s16, $0xb8;
	[tilespmem:$0x1E400] =	vst v63  }
0x7e: {  	p0 =	sne.s32 s26, $0x4800;
	_ =	swait.ge [sflag:s19], $0x4000  }
0x7f: {  	[sflag:s19] =	ssyncset.done $0x0  }
0x80: {  	s26 =	sadd.s32 $0x1400, s25;
	[sflag:s19] =	ssyncadd.s32 $0xFFFFC000  }
0x81: {  	[spmem:s2] =	stream.indirect.scatter.add.f32 [tilespmem:s17], [sflag:$0x3], $0x80, s26, s16, $0xb8;
	[tilespmem:$0x1E400] =	vst v63  }
0x82: {  	_ =	swait.ge [sflag:s14], $0x4000  }
0x83: {  	[sflag:s14] =	ssyncset.done $0x0  }
0x84: {  	s26 =	sadd.s32 $0x100, s25;
	[sflag:s14] =	ssyncadd.s32 $0xFFFFC000  }
0x85: {  	[tilespmem:s17], [sflag:$0x1] =	stream.indirect.gather [hbm4b:s1+s16], $0x80, s26, s16, $0xb8;
	[tilespmem:$0x1E400] =	vst v63  }
0x86: {  	_ =	swait.ge [sflag:s20], $0x4000  }
.Ltmp1:
0x87: {  	[sflag:s20] =	ssyncset.done $0x0;
	(pc) =	sbr.rel @p0 .LBB2_4-.Ltmp1, $4  }
0x88: {  	s25 =	sadd.s32 $0x1480, s25;
	[sflag:s20] =	ssyncadd.s32 $0xFFFFC000  }
0x89: {  	[spmem:s2] =	stream.indirect.scatter.add.f32 [tilespmem:s18], [sflag:$0x3], $0x80, s25, s16, $0xb8;
	[tilespmem:$0x1E400] =	vst v63  }
0x8a: {  	_ =	swait.ge [sflag:s14], $0x4000  }
0x8b: {  	s26 =	smov.u32 s30;
	s25 =	sshra.s32 s29, $0x2;
	[sflag:s14] =	ssyncset.done $0x0  }
0x8c: {  	s26 =	sadd.s32 $0x80, s25;
	[sflag:s14] =	ssyncadd.s32 $0xFFFFC000  }
0x8d: {  	[tilespmem:s18], [sflag:$0x2] =	stream.indirect.gather [hbm4b:s1+s16], $0x80, s26, s16, $0xb8;
	[tilespmem:$0x1E400] =	vst v63  }
0x8e: {  	_ =	swait.ge [sflag:s19], $0x4000  }
0x8f: {  	[sflag:s19] =	ssyncset.done $0x0  }
0x90: {  	s29 =	sadd.s32 $0x1400, s25;
	[sflag:s19] =	ssyncadd.s32 $0xFFFFC000  }
0x91: {  	[spmem:s2] =	stream.indirect.scatter.add.f32 [tilespmem:s17], [sflag:$0x3], $0x80, s29, s16, $0xb8;
	[tilespmem:$0x1E400] =	vst v63  }
0x92: {  	_ =	swait.ge [sflag:s14], $0x4000  }
0x93: {  	[sflag:s14] =	ssyncset.done $0x0  }
0x94: {  	s30 =	sadd.s32 $0x100, s25;
	[sflag:s14] =	ssyncadd.s32 $0xFFFFC000  }
0x95: {  	[tilespmem:s17], [sflag:$0x1] =	stream.indirect.gather [hbm4b:s1+s16], $0x80, s30, s16, $0xb8;
	[tilespmem:$0x1E400] =	vst v63  }
0x96: {  	_ =	swait.ge [sflag:s20], $0x4000  }
0x97: {  	[sflag:s20] =	ssyncset.done $0x0  }
0x98: {  	s31 =	sadd.s32 $0x1480, s25;
	[sflag:s20] =	ssyncadd.s32 $0xFFFFC000  }
0x99: {  	[spmem:s2] =	stream.indirect.scatter.add.f32 [tilespmem:s18], [sflag:$0x3], $0x80, s31, s16, $0xb8;
	[tilespmem:$0x1E400] =	vst v63  }
0x9a: {  	_ =	swait.ge [sflag:s14], $0x4000  }
0x9b: {  	[sflag:s14] =	ssyncset.done $0x0  }
0x9c: {  	[sflag:s14] =	ssyncadd.s32 $0xFFFFC000  }
0x9d: {  	[tilespmem:s18], [sflag:$0x2] =	stream.indirect.gather [hbm4b:s1+s16], $0x80, s21, s16, $0xb8;
	[tilespmem:$0x1E400] =	vst v63  }
0x9e: {  	_ =	swait.ge [sflag:s19], $0x4000  }
0x9f: {  	[sflag:s19] =	ssyncset.done $0x0  }
0xa0: {  	[sflag:s19] =	ssyncadd.s32 $0xFFFFC000  }
0xa1: {  	[spmem:s2] =	stream.indirect.scatter.add.f32 [tilespmem:s17], [sflag:$0x3], $0x80, s22, s16, $0xb8;
	[tilespmem:$0x1E400] =	vst v63  }
0xa2: {  	_ =	swait.ge [sflag:s14], $0x4000  }
0xa3: {  	[sflag:s14] =	ssyncset.done $0x0  }
0xa4: {  	[sflag:s14] =	ssyncadd.s32 $0xFFFFC000  }
0xa5: {  	_ =	swait.ge [sflag:s20], $0x4000  }
0xa6: {  	[sflag:s20] =	ssyncset.done $0x0  }
0xa7: {  	[sflag:s20] =	ssyncadd.s32 $0xFFFFC000  }
0xa8: {  	[spmem:s2] =	stream.indirect.scatter.add.f32 [tilespmem:s18], [sflag:$0x3], $0x80, s23, s16, $0xb8;
	[tilespmem:$0x1E400] =	vst v63  }
0xa9: {  	_ =	swait.ge [sflag:s14], $0x4000  }
0xaa: {  	s24 =	sadd.s32 $0x1, s24;
	[sflag:s14] =	ssyncset.done $0x0  }
0xab: {  	p0 =	sne.s32 s24, s12;
	[sflag:s14] =	ssyncadd.s32 $0xFFFFC000  }
.Ltmp2:
0xac: {  	[bflag:$0x0] =	sbarrier.arrive $0xFFFF;
	(pc) =	sbr.rel @p0 .LBB2_1-.Ltmp2, $4  }
0xad: {  	[hbm:s11], [sflag:s6] =	dma.local [spmem:s13], $0x2780  }
0xae: {  	_ =	swait.ge [sflag:s14], $0x2780  }
0xaf: {  	[sflag:s14] =	ssyncset.done $0x0  }
0xb0: {  	[sflag:s14] =	ssyncadd.s32 $0xFFFFD880  }
0xb1: {  	_ =	sfence.sel $0x180000  }
0xb2: {  	[bflag:$0x0] =	sbarrier.arrive $0xFFFF  }
0xb3: {  	p0 =	sne.s32 s3, $0x0;
	_ =	strace $0x90000047  }
0xb4: {  	s0 =	sadd.s32 @!p0 $0x100000, s0;
	[bflag:$0x2] =	sbarrier.arrive $0xFFFF  }
0xb5: {  	[sflag:s0] =	ssyncadd.tile.s32 @!p0 $0x1;
	_ =	shalt  }
.Lfunc_end2:
_tile_overlayer_lowered:
.L_overlay_start_2:
0xb6: {  	(tag) =	ssettag $0x2  }
0xb7: {  	s0 =	rddreg [dreg:$0x0];
	s2 =	stileid.u32  }
0xb8: {  	s1 =	rddreg [dreg:$0x1];
	p0 =	sne.s32 s2, $0x0  }
0xb9: {  	s3 =	rddreg [dreg:$0x2];
	[bflag:$0x3] =	sbarrier.arrive $0xFFFF;
	s2 =	simm.s32 @!p0 $0x1C03  }
0xba: {  	[timem:s3], [sflag:s2] =	dma.local @!p0 [hbm:s0], s1  }
0xbb: {  	s0 =	simm.s32 @!p0 $0x3  }
0xbc: {  	_ =	swait.ge @!p0 [sflag:s0], s1  }
0xbd: {  	s1 =	ssub.s32 @!p0 $0x0, s1;
	[sflag:s0] =	ssyncset.done @!p0 $0x0  }
0xbe: {  	[sflag:s0] =	ssyncadd.s32 @!p0 s1  }
0xbf: {  	[bflag:$0x3] =	sbarrier.arrive $0xFFFF  }
0xc0: {  	_ =	shalt  }

// kernel: kernel.16.cloned.1.call-start
scs
__scs_entry_jumppad:
0x0: {  	(pc) =	sbr.rel $0x88, $3  }
0x1: {  	(tag) =	ssettag $0x0;
	lr =	simm.s32 $0x1  }
0x2: {  	[smem:$0x3F96] =	sst lr;
	_ =	strace $0xD0000000  }
0x3: {  	_ = 	snop  }
0x4: {  	_ = 	snop  }
0x5: {  	_ = 	snop  }
0x6: {  	_ = 	snop  }
0x7: {  	_ = 	snop  }
__scs_overlays_trampoline_lowered:
0x8: {  	[smem:$0x3FA5] =	sst s0  }
0x9: {  	[smem:$0x3FA6] =	sst s1  }
0xa: {  	[smem:$0x3FA7] =	sst s2  }
0xb: {  	[smem:$0x3FA8] =	sst s3  }
0xc: {  	[smem:$0x3FA9] =	sst s4  }
0xd: {  	[smem:$0x3FAA] =	sst s5  }
0xe: {  	[smem:$0x3FAB] =	sst s6  }
0xf: {  	[smem:$0x3FAC] =	sst s7  }
0x10: {  	[smem:$0x3FAD] =	sst s8  }
0x11: {  	[smem:$0x3FAE] =	sst s9;
	s0 =	simm.s32 @!p0 $0x0  }
0x12: {  	s1 =	sld [smem:$0x3F94];
	s0 =	simm.s32 @p0 $0x1  }
0x13: {  	[smem:$0x3FAF] =	sst s0;
	s0 =	simm.s32 @!p1 $0x0  }
0x14: {  	s2 =	sld [smem:$0x3F93];
	s0 =	simm.s32 @p1 $0x1  }
0x15: {  	[smem:$0x3FB0] =	sst s0;
	s0 =	simm.s32 @!p2 $0x0  }
0x16: {  	s3 =	sld [smem:$0x3FDB];
	s0 =	simm.s32 @p2 $0x1  }
0x17: {  	s4 =	simm.s32 $0x1BF5;
	[smem:$0x3FB2] =	sst s0  }
0x18: {  	s0 =	sld [smem:$0x3F95];
	_ =	swait.ge [sflag:s4], $0x0  }
0x19: {  	s7 =	sld [smem:$0x3F96]  }
0x1a: {  	s8 =	sadd.s32 $0xFFFFE003, lr  }
0x1b: {  	s9 =	sadd.s32 $0xFFFFFEF7, lr;
	s5 =	simm.s32 $0xFFFFFFFF;
	p2 =	slt.u32 s8, $0xFFFFF086  }
0x1c: {  	p1 =	slt.u32 s9, $0xF7A;
	s5 =	simm.s32 @!p2 $0x0  }
0x1d: {  	s5 =	simm.s32 @p1 $0x1;
	p0 =	seq.s32 s7, s2  }
0x1e: {  	s7 =	smul.u32 @!p0 $0xF7A, s2;
	p2 =	seq.s32 @!p0 s5, $0x0  }
0x1f: {  	s9 =	smul.u32 $0xF7A, s1;
	s8 =	simm.s32 @!p0 $0x1BF5;
	p2 =	por !p2, p0  }
0x20: {  	[sflag:s8] =	ssyncset.s32 @!p0 $0xFFFFF086;
	s6 =	sadd.s32 @!p0 s3, s7;
	s7 =	simm.s32 @!p0 $0x108  }
0x21: {  	s3 =	sadd.s32 s3, s9;
	s6 =	sadd.s32 @!p0 $0x88, s6;
	s7 =	simm.s32 @p2 $0x1082  }
0x22: {  	[simem:s7], [sflag:s8] =	dma.local @!p0 [hbm:s6], $0xF7A  }
0x23: {  	s9 =	sor.u32 $0xD0000000, s2;
	s6 =	simm.s32 $0x108;
	_ =	swait.ge @!p0 [sflag:s8], $0x0  }
0x24: {  	s3 =	sadd.s32 $0x88, s3;
	s6 =	simm.s32 @!p1 $0x1082;
	[sflag:s4] =	ssyncset.s32 $0xFFFFF086  }
0x25: {  	[simem:s6], [sflag:s4] =	dma.local [hbm:s3], $0xF7A  }
0x26: {  	[smem:$0x3F96] =	sst s1;
	(tag) =	ssettag s2;
	_ =	strace s9  }
0x27: {  	s1 =	sld [smem:$0x3FA6]  }
0x28: {  	s2 =	sld [smem:$0x3FA7]  }
0x29: {  	s4 =	sld [smem:$0x3FA9]  }
0x2a: {  	p0 =	seq.s32 s5, $0x0;
	s5 =	sld [smem:$0x3FAA]  }
0x2b: {  	s6 =	sld [smem:$0x3FAB]  }
0x2c: {  	s7 =	sld [smem:$0x3FAC]  }
0x2d: {  	s3 =	simm.s32 $0x108;
	s8 =	sld [smem:$0x3FAD]  }
0x2e: {  	s3 =	simm.s32 @!p0 $0x1082;
	s9 =	sld [smem:$0x3FAE]  }
0x2f: {  	lr =	sadd.s32 s0, s3;
	s0 =	sld [smem:$0x3FA5]  }
0x30: {  	s3 =	sld [smem:$0x3FA8]  }
0x31: {  	[smem:$0x3FB1] =	sst s10  }
0x32: {  	s10 =	sld [smem:$0x3FAF];
	_ =	sdelay $0x3  }
0x33: {  	p0 =	seq.s32 s10, $0x1;
	s10 =	sld [smem:$0x3FB1];
	_ =	sdelay $0x3  }
0x34: {  	[smem:$0x3FB1] =	sst s10  }
0x35: {  	s10 =	sld [smem:$0x3FB0];
	_ =	sdelay $0x3  }
0x36: {  	p1 =	seq.s32 s10, $0x1;
	s10 =	sld [smem:$0x3FB1];
	_ =	sdelay $0x3  }
0x37: {  	[smem:$0x3FB1] =	sst s10  }
0x38: {  	s10 =	sld [smem:$0x3FB2]  }
0x39: {  	_ = 	snop;
	(pc) =	sbr.ind lr, $3  }
0x3a: {  	_ = 	snop  }
0x3b: {  	_ = 	snop  }
0x3c: {  	p2 =	seq.s32 s10, $0x1;
	s10 =	sld [smem:$0x3FB1]  }
0x3d: {  	_ =	shalt  }
0x3e: {  	_ =	shalt  }
0x3f: {  	_ =	shalt  }
0x40: {  	_ =	shalt  }
0x41: {  	_ =	shalt  }
0x42: {  	_ =	shalt  }
0x43: {  	_ =	shalt  }
0x44: {  	_ =	shalt  }
0x45: {  	_ =	shalt  }
0x46: {  	_ =	shalt  }
0x47: {  	_ =	shalt  }
0x48: {  	_ =	shalt  }
0x49: {  	_ =	shalt  }
0x4a: {  	_ =	shalt  }
0x4b: {  	_ =	shalt  }
0x4c: {  	_ =	shalt  }
0x4d: {  	_ =	shalt  }
0x4e: {  	_ =	shalt  }
0x4f: {  	_ =	shalt  }
0x50: {  	_ =	shalt  }
0x51: {  	_ =	shalt  }
0x52: {  	_ =	shalt  }
0x53: {  	_ =	shalt  }
0x54: {  	_ =	shalt  }
0x55: {  	_ =	shalt  }
0x56: {  	_ =	shalt  }
0x57: {  	_ =	shalt  }
0x58: {  	_ =	shalt  }
0x59: {  	_ =	shalt  }
0x5a: {  	_ =	shalt  }
0x5b: {  	_ =	shalt  }
0x5c: {  	_ =	shalt  }
0x5d: {  	_ =	shalt  }
0x5e: {  	_ =	shalt  }
0x5f: {  	_ =	shalt  }
0x60: {  	_ =	shalt  }
0x61: {  	_ =	shalt  }
0x62: {  	_ =	shalt  }
0x63: {  	_ =	shalt  }
0x64: {  	_ =	shalt  }
0x65: {  	_ =	shalt  }
0x66: {  	_ =	shalt  }
0x67: {  	_ =	shalt  }
0x68: {  	_ =	shalt  }
0x69: {  	_ =	shalt  }
0x6a: {  	_ =	shalt  }
0x6b: {  	_ =	shalt  }
0x6c: {  	_ =	shalt  }
0x6d: {  	_ =	shalt  }
0x6e: {  	_ =	shalt  }
0x6f: {  	_ =	shalt  }
0x70: {  	_ =	shalt  }
0x71: {  	_ =	shalt  }
0x72: {  	_ =	shalt  }
0x73: {  	_ =	shalt  }
0x74: {  	_ =	shalt  }
0x75: {  	_ =	shalt  }
0x76: {  	_ =	shalt  }
0x77: {  	_ =	shalt  }
0x78: {  	_ =	shalt  }
0x79: {  	_ =	shalt  }
0x7a: {  	_ =	shalt  }
0x7b: {  	_ =	shalt  }
0x7c: {  	_ =	shalt  }
0x7d: {  	_ =	shalt  }
0x7e: {  	_ =	shalt  }
0x7f: {  	_ =	shalt  }
0x80: {  	_ =	shalt  }
0x81: {  	_ =	shalt  }
0x82: {  	_ =	shalt  }
0x83: {  	_ =	shalt  }
0x84: {  	_ =	shalt  }
0x85: {  	_ =	shalt  }
0x86: {  	_ =	shalt  }
0x87: {  	_ =	shalt  }
.Lfunc_end0:
.L_simem_size_0:
called_computation.2_lowered:
.L_overlay_start_0:
0x88: {  	s2 =	sld [smem:$0x3FD9]  }
0x89: {  	s3 =	sld [smem:$0x3FFE];
	_ =	sdelay $0x1  }
0x8a: {  	s1 =	srdreg.scid  }
0x8b: {  	s0 =	sand.u32 $0x1, s1  }
0x8c: {  	s17 =	sshll.u32 s0, $0xA;
	s2 =	sadd.s32 s3, s2  }
0x8d: {  	s2 =	sadd.s32 s2, s17  }
0x8e: {  	[smem:$0x3FBD] =	sst s2  }
0x8f: {  	_ = 	snop  }
0x90: {  	s2 =	sld [smem:$0x3FD0];
	(tm) =	ssettm $0x1  }
0x91: {  	s18 =	sld [smem:$0x3FFB];
	_ =	sdelay $0x3  }
0x92: {  	_ =	strace s18  }
0x93: {  	s3 =	sld [smem:$0x3FFC];
	_ =	sdelay $0x3  }
0x94: {  	_ =	strace s3  }
0x95: {  	s3 =	sld [smem:$0x3FFD];
	_ =	sdelay $0x3  }
0x96: {  	_ =	strace s3  }
0x97: {  	_ =	strace $0x8FFFFFFF  }
0x98: {  	s19 =	sld [smem:$0x3FDB];
	_ =	sdelay $0x1  }
0x99: {  	s4 =	simm.s32 $_scs_section_size  }
0x9a: {  	s5 =	simm.s32 $_size__tile_overlayer_lowered;
	s6 =	simm.s32 $_tile_overlayer_lowered  }
0x9b: {  	s22 =	simm.s32 $0x1BFF;
	s21 =	sshll.u32 s6, $0x1;
	s3 =	sadd.s32 s4, s19  }
0x9c: {  	s7 =	simm.s32 $0x0;
	s20 =	sshll.u32 s5, $0x1;
	s5 =	sadd.s32 s21, s3  }
0x9d: {  	[timem:s7], [sflag:s22] =	dma.local [hbm:s5], s20  }
0x9e: {  	_ =	swait.ge [sflag:s22], s20  }
0x9f: {  	s4 =	ssub.s32 $0x0, s20;
	[sflag:s22] =	ssyncset.done $0x0  }
0xa0: {  	[sflag:s22] =	ssyncadd.s32 s4;
	_ =	sdelay $0x1  }
0xa1: {  	s23 =	simm.s32 $0x1B8B  }
0xa2: {  	_ =	swait.ge [sflag:s23], $0x1  }
0xa3: {  	[sflag:s23] =	ssyncset.done $0x0  }
0xa4: {  	s25 =	simm.s32 $0x1B8E;
	s24 =	sld [smem:$0x3FFE];
	[sflag:s23] =	ssyncadd.s32 $0xFFFFFFFF  }
0xa5: {  	s26 =	simm.s32 $execute0_lowered;
	[smem:$0x3FD2] =	sst s25  }
0xa6: {  	s5 =	sshll.u32 s26, $0x1;
	_ =	strace $0x8000004C;
	[dreg:$0x1] =	wrdreg $0xFFFFFFFF  }
0xa7: {  	s28 =	simm.s32 $_size_execute0_lowered;
	s3 =	sadd.s32 s3, s5;
	[dreg:$0x0] =	wrdreg $0x0  }
0xa8: {  	s5 =	sshll.u32 s28, $0x1;
	[dreg:$0x2] =	wrdreg s3  }
0xa9: {  	[dreg:$0x3] =	wrdreg s5  }
0xaa: {  	[dreg:$0x4] =	wrdreg $0xC0  }
0xab: {  	_ =	task [dreg:s7], $0x5FFFF  }
0xac: {  	[dreg:$0x1] =	wrdreg $0xFFFFFFFF  }
0xad: {  	[dreg:$0x0] =	wrdreg $0x60  }
0xae: {  	[dreg:$0x2] =	wrdreg s2  }
0xaf: {  	[dreg:$0x3] =	wrdreg s24  }
0xb0: {  	[dreg:$0x4] =	wrdreg $0xA8000  }
0xb1: {  	[dreg:$0x5] =	wrdreg $0x9  }
0xb2: {  	_ =	task.clear_ibuf [dreg:s7], $0x6FFFF;
	_ =	strace $0x9000004C  }
0xb3: {  	s29 =	simm.s32 $0x9;
	_ =	strace $0x8000004E  }
0xb4: {  	_ =	swait.ge [sflag:s29], $0x1  }
0xb5: {  	[sflag:s29] =	ssyncadd.s32 $0xFFFFFFFF  }
0xb6: {  	_ =	strace $0x9000004E  }
0xb7: {  	_ =	sfence  }
0xb8: {  	s30 =	sld [smem:$0x0];
	_ =	sdelay $0x2  }
0xb9: {  	s31 =	sshll.u32 s1, $0xD;
	s1 =	sshrl.u32 s1, $0x2  }
0xba: {  	s3 =	sand.u32 $0x4000, s31;
	s1 =	sadd.s32 s1, s30  }
0xbb: {  	s0 =	sor.u32 s3, s0;
	s1 =	sshll.u32 s1, $0x11  }
0xbc: {  	s0 =	sor.u32 s1, s0  }
0xbd: {  	s0 =	sadd.s32 $0x8F2B, s0  }
0xbe: {  	[sflag:s0] =	ssyncadd.remote.s32 $0x1  }
0xbf: {  	_ =	sfence.sel $0xFFFF  }
0xc0: {  	[dreg:$0x0] =	wrdreg $0xFFFFFFFF;
	(pc) =	sbr.abs _section_cstart, $3  }
0xc1: {  	[dreg:$0x1] =	wrdreg $0xFFFFFFFF  }
0xc2: {  	_ =	task.clear_ibuf [dreg:s7], $0x2FFFF;
	_ =	strace $0x9FFFFFFF  }
0xc3: {  	(tm) =	ssettm $0x7FFFFFFF  }
tec
execute0_lowered:
.L_overlay_start_1:
0x0: {  	(tag) =	ssettag $0x1  }
0x1: {  	s1 =	rddreg [dreg:$0x0]  }
0x2: {  	s6 =	rddreg [dreg:$0x1]  }
0x3: {  	s2 =	rddreg [dreg:$0x2];
	s3 =	srdreg.scid  }
0x4: {  	s0 =	rddreg [dreg:$0x3];
	s4 =	simm.s32 $0x0;
	s15 =	simm.s32 $0x1400  }
0x5: {  	s16 =	simm.s32 $0x80;
	s17 =	simm.s32 $0x2800;
	s18 =	simm.s32 $0x6800  }
0x6: {  	s19 =	simm.s32 $0x1;
	s20 =	simm.s32 $0x2;
	s21 =	simm.s32 $0x1380  }
0x7: {  	s22 =	simm.s32 $0x2700;
	s5 =	sand.u32 $0x1, s3;
	s3 =	stileid.u32  }
0x8: {  	[smem:$0x7FF] =	sst s4;
	s9 =	sadd.s32 $0xCA00, s6;
	s7 =	smul.u32 $0x13C000, s5  }
0x9: {  	s10 =	sadd.s32 $0x2A00, s6;
	s8 =	smul.u32 $0x13C00, s3;
	_ =	strace $0x8000004D  }
0xa: {  	s23 =	sshll.u32 s5, $0x4;
	s11 =	ssub.s32 $0x2, s5;
	s25 =	smul.u32 $0x4F000, s3  }
0xb: {  	s5 =	sadd.s32 $0x16A00, s6;
	s28 =	sshll.u32 s3, $0x6;
	s24 =	sor.u32 s3, s23  }
0xc: {  	s12 =	sshrl.u32 s11, $0x1;
	s23 =	simm.s32 $0x2780;
	s7 =	sadd.s32 s8, s7  }
0xd: {  	s13 =	smul.u32 $0x2800, s24;
	s12 =	ssub.s32 s11, s12;
	s26 =	sshrl.u32 s25, $0x2  }
0xe: {  	s24 =	simm.s32 $0x0;
	s7 =	sshrl.u32 s7, $0x3;
	s30 =	sadd.s32 s26, s2  }
0xf: {  	s12 =	smax.u32 s12, $0x1;
	s14 =	sadd.s32 s7, s6;
	s29 =	sshrl.u32 s13, $0x3  }
0x10: {  	s6 =	sor.u32 $0x1C03, s28;
	s13 =	sshrl.u32 s30, $0x3;
	s31 =	sadd.s32 $0x280, s29  }
0x11: {  	s7 =	sadd.s32 s9, s29;
	s8 =	sadd.s32 s10, s29;
	s11 =	sadd.s32 $0x19200, s14  }
0x12: {  	s14 =	simm.s32 $0x3;
	s9 =	sadd.s32 s9, s31;
	s10 =	sadd.s32 s10, s31  }
.LBB2_1:
0x13: {  	[spmem:s13], [sflag:s6] =	dma.local [hbm:s5], $0x2780  }
0x14: {  	_ =	swait.ge [sflag:s14], $0x2780  }
0x15: {  	[sflag:s14] =	ssyncset.done $0x0  }
0x16: {  	[sflag:s14] =	ssyncadd.s32 $0xFFFFD880  }
0x17: {  	[bflag:$0x0] =	sbarrier.arrive $0xFFFF  }
0x18: {  	[tilespmem:s4], [sflag:$0x3] =	stream.linear.gather [hbm4b:s7+s4], $0x1400, $0x38;
	[tilespmem:$0x1E400] =	vst v63  }
0x19: {  	_ =	swait.ge [sflag:s14], $0x1400  }
0x1a: {  	[sflag:s14] =	ssyncset.done $0x0  }
0x1b: {  	[sflag:s14] =	ssyncadd.s32 $0xFFFFEC00  }
0x1c: {  	[tilespmem:s15], [sflag:$0x3] =	stream.linear.gather [hbm4b:s8+s4], $0x1400, $0x38;
	[tilespmem:$0x1E400] =	vst v63  }
0x1d: {  	_ =	swait.ge [sflag:s14], $0x1400  }
0x1e: {  	[sflag:s14] =	ssyncset.done $0x0  }
0x1f: {  	[sflag:s14] =	ssyncadd.s32 $0xFFFFEC00  }
0x20: {  	[tilespmem:s17], [sflag:$0x1] =	stream.indirect.gather [hbm4b:s1+s16], $0x80, s4, s16, $0xb8;
	[tilespmem:$0x1E400] =	vst v63  }
0x21: {  	s25 =	simm.s32 $0x80  }
0x22: {  	[tilespmem:s18], [sflag:$0x2] =	stream.indirect.gather [hbm4b:s1+s16], $0x80, s25, s16, $0xb8;
	[tilespmem:$0x1E400] =	vst v63  }
0x23: {  	_ =	swait.ge [sflag:s19], $0x4000  }
0x24: {  	[sflag:s19] =	ssyncset.done $0x0  }
0x25: {  	s29 =	simm.s32 $0x1400;
	[sflag:s19] =	ssyncadd.s32 $0xFFFFC000  }
0x26: {  	[spmem:s2] =	stream.indirect.scatter.add.f32 [tilespmem:s17], [sflag:$0x3], $0x80, s29, s16, $0xb8;
	[tilespmem:$0x1E400] =	vst v63  }
0x27: {  	_ =	swait.ge [sflag:s14], $0x4000  }
0x28: {  	[sflag:s14] =	ssyncset.done $0x0  }
0x29: {  	s30 =	simm.s32 $0x100;
	[sflag:s14] =	ssyncadd.s32 $0xFFFFC000  }
0x2a: {  	[tilespmem:s17], [sflag:$0x1] =	stream.indirect.gather [hbm4b:s1+s16], $0x80, s30, s16, $0xb8;
	[tilespmem:$0x1E400] =	vst v63  }
0x2b: {  	_ =	swait.ge [sflag:s20], $0x4000  }
0x2c: {  	[sflag:s20] =	ssyncset.done $0x0  }
0x2d: {  	s31 =	simm.s32 $0x1480;
	[sflag:s20] =	ssyncadd.s32 $0xFFFFC000  }
0x2e: {  	[spmem:s2] =	stream.indirect.scatter.add.f32 [tilespmem:s18], [sflag:$0x3], $0x80, s31, s16, $0xb8;
	[tilespmem:$0x1E400] =	vst v63  }
0x2f: {  	_ =	swait.ge [sflag:s14], $0x4000  }
0x30: {  	s26 =	simm.s32 $0x800;
	s25 =	simm.s32 $0x100;
	[sflag:s14] =	ssyncset.done $0x0  }
.LBB2_2:
0x31: {  	s28 =	sadd.s32 $0x80, s25  }
0x32: {  	[sflag:s14] =	ssyncadd.s32 $0xFFFFC000;
	s29 =	smov.u32 s26;
	s30 =	sadd.s32 $0x400, s26  }
0x33: {  	[tilespmem:s18], [sflag:$0x2] =	stream.indirect.gather [hbm4b:s1+s16], $0x80, s28, s16, $0xb8;
	[tilespmem:$0x1E400] =	vst v63  }
0x34: {  	p0 =	sne.s32 s26, $0x4800;
	_ =	swait.ge [sflag:s19], $0x4000  }
0x35: {  	[sflag:s19] =	ssyncset.done $0x0  }
0x36: {  	s26 =	sadd.s32 $0x1400, s25;
	[sflag:s19] =	ssyncadd.s32 $0xFFFFC000  }
0x37: {  	[spmem:s2] =	stream.indirect.scatter.add.f32 [tilespmem:s17], [sflag:$0x3], $0x80, s26, s16, $0xb8;
	[tilespmem:$0x1E400] =	vst v63  }
0x38: {  	_ =	swait.ge [sflag:s14], $0x4000  }
0x39: {  	[sflag:s14] =	ssyncset.done $0x0  }
0x3a: {  	s26 =	sadd.s32 $0x100, s25;
	[sflag:s14] =	ssyncadd.s32 $0xFFFFC000  }
0x3b: {  	[tilespmem:s17], [sflag:$0x1] =	stream.indirect.gather [hbm4b:s1+s16], $0x80, s26, s16, $0xb8;
	[tilespmem:$0x1E400] =	vst v63  }
0x3c: {  	_ =	swait.ge [sflag:s20], $0x4000  }
.Ltmp0:
0x3d: {  	[sflag:s20] =	ssyncset.done $0x0;
	(pc) =	sbr.rel @p0 .LBB2_2-.Ltmp0, $4  }
0x3e: {  	s25 =	sadd.s32 $0x1480, s25;
	[sflag:s20] =	ssyncadd.s32 $0xFFFFC000  }
0x3f: {  	[spmem:s2] =	stream.indirect.scatter.add.f32 [tilespmem:s18], [sflag:$0x3], $0x80, s25, s16, $0xb8;
	[tilespmem:$0x1E400] =	vst v63  }
0x40: {  	_ =	swait.ge [sflag:s14], $0x4000  }
0x41: {  	s26 =	smov.u32 s30;
	s25 =	sshra.s32 s29, $0x2;
	[sflag:s14] =	ssyncset.done $0x0  }
0x42: {  	s26 =	sadd.s32 $0x80, s25;
	[sflag:s14] =	ssyncadd.s32 $0xFFFFC000  }
0x43: {  	[tilespmem:s18], [sflag:$0x2] =	stream.indirect.gather [hbm4b:s1+s16], $0x80, s26, s16, $0xb8;
	[tilespmem:$0x1E400] =	vst v63  }
0x44: {  	_ =	swait.ge [sflag:s19], $0x4000  }
0x45: {  	[sflag:s19] =	ssyncset.done $0x0  }
0x46: {  	s29 =	sadd.s32 $0x1400, s25;
	[sflag:s19] =	ssyncadd.s32 $0xFFFFC000  }
0x47: {  	[spmem:s2] =	stream.indirect.scatter.add.f32 [tilespmem:s17], [sflag:$0x3], $0x80, s29, s16, $0xb8;
	[tilespmem:$0x1E400] =	vst v63  }
0x48: {  	_ =	swait.ge [sflag:s14], $0x4000  }
0x49: {  	[sflag:s14] =	ssyncset.done $0x0  }
0x4a: {  	s30 =	sadd.s32 $0x100, s25;
	[sflag:s14] =	ssyncadd.s32 $0xFFFFC000  }
0x4b: {  	[tilespmem:s17], [sflag:$0x1] =	stream.indirect.gather [hbm4b:s1+s16], $0x80, s30, s16, $0xb8;
	[tilespmem:$0x1E400] =	vst v63  }
0x4c: {  	_ =	swait.ge [sflag:s20], $0x4000  }
0x4d: {  	[sflag:s20] =	ssyncset.done $0x0  }
0x4e: {  	s31 =	sadd.s32 $0x1480, s25;
	[sflag:s20] =	ssyncadd.s32 $0xFFFFC000  }
0x4f: {  	[spmem:s2] =	stream.indirect.scatter.add.f32 [tilespmem:s18], [sflag:$0x3], $0x80, s31, s16, $0xb8;
	[tilespmem:$0x1E400] =	vst v63  }
0x50: {  	_ =	swait.ge [sflag:s14], $0x4000  }
0x51: {  	[sflag:s14] =	ssyncset.done $0x0  }
0x52: {  	[sflag:s14] =	ssyncadd.s32 $0xFFFFC000  }
0x53: {  	[tilespmem:s18], [sflag:$0x2] =	stream.indirect.gather [hbm4b:s1+s16], $0x80, s21, s16, $0xb8;
	[tilespmem:$0x1E400] =	vst v63  }
0x54: {  	_ =	swait.ge [sflag:s19], $0x4000  }
0x55: {  	[sflag:s19] =	ssyncset.done $0x0  }
0x56: {  	[sflag:s19] =	ssyncadd.s32 $0xFFFFC000  }
0x57: {  	[spmem:s2] =	stream.indirect.scatter.add.f32 [tilespmem:s17], [sflag:$0x3], $0x80, s22, s16, $0xb8;
	[tilespmem:$0x1E400] =	vst v63  }
0x58: {  	_ =	swait.ge [sflag:s14], $0x4000  }
0x59: {  	[sflag:s14] =	ssyncset.done $0x0  }
0x5a: {  	[sflag:s14] =	ssyncadd.s32 $0xFFFFC000  }
0x5b: {  	_ =	swait.ge [sflag:s20], $0x4000  }
0x5c: {  	[sflag:s20] =	ssyncset.done $0x0  }
0x5d: {  	[sflag:s20] =	ssyncadd.s32 $0xFFFFC000  }
0x5e: {  	[spmem:s2] =	stream.indirect.scatter.add.f32 [tilespmem:s18], [sflag:$0x3], $0x80, s23, s16, $0xb8;
	[tilespmem:$0x1E400] =	vst v63  }
0x5f: {  	_ =	swait.ge [sflag:s14], $0x4000  }
0x60: {  	[sflag:s14] =	ssyncset.done $0x0  }
0x61: {  	s26 =	simm.s32 $0x0;
	[sflag:s14] =	ssyncadd.s32 $0xFFFFC000  }
0x62: {  	[tilespmem:s26], [sflag:$0x3] =	stream.linear.gather [hbm4b:s9+s26], $0x1400, $0x38;
	[tilespmem:$0x1E400] =	vst v63  }
0x63: {  	_ =	swait.ge [sflag:s14], $0x1400  }
0x64: {  	[sflag:s14] =	ssyncset.done $0x0  }
0x65: {  	[sflag:s14] =	ssyncadd.s32 $0xFFFFEC00  }
0x66: {  	[tilespmem:s15], [sflag:$0x3] =	stream.linear.gather [hbm4b:s10+s26], $0x1400, $0x38;
	[tilespmem:$0x1E400] =	vst v63  }
0x67: {  	_ =	swait.ge [sflag:s14], $0x1400  }
0x68: {  	[sflag:s14] =	ssyncset.done $0x0  }
0x69: {  	[sflag:s14] =	ssyncadd.s32 $0xFFFFEC00  }
0x6a: {  	[tilespmem:s17], [sflag:$0x1] =	stream.indirect.gather [hbm4b:s1+s16], $0x80, s26, s16, $0xb8;
	[tilespmem:$0x1E400] =	vst v63  }
0x6b: {  	s28 =	simm.s32 $0x80  }
0x6c: {  	[tilespmem:s18], [sflag:$0x2] =	stream.indirect.gather [hbm4b:s1+s16], $0x80, s28, s16, $0xb8;
	[tilespmem:$0x1E400] =	vst v63  }
0x6d: {  	_ =	swait.ge [sflag:s19], $0x4000  }
0x6e: {  	[sflag:s19] =	ssyncset.done $0x0  }
0x6f: {  	s29 =	simm.s32 $0x1400;
	[sflag:s19] =	ssyncadd.s32 $0xFFFFC000  }
0x70: {  	[spmem:s2] =	stream.indirect.scatter.add.f32 [tilespmem:s17], [sflag:$0x3], $0x80, s29, s16, $0xb8;
	[tilespmem:$0x1E400] =	vst v63  }
0x71: {  	_ =	swait.ge [sflag:s14], $0x4000  }
0x72: {  	[sflag:s14] =	ssyncset.done $0x0  }
0x73: {  	s30 =	simm.s32 $0x100;
	[sflag:s14] =	ssyncadd.s32 $0xFFFFC000  }
0x74: {  	[tilespmem:s17], [sflag:$0x1] =	stream.indirect.gather [hbm4b:s1+s16], $0x80, s30, s16, $0xb8;
	[tilespmem:$0x1E400] =	vst v63  }
0x75: {  	_ =	swait.ge [sflag:s20], $0x4000  }
0x76: {  	[sflag:s20] =	ssyncset.done $0x0  }
0x77: {  	s31 =	simm.s32 $0x1480;
	[sflag:s20] =	ssyncadd.s32 $0xFFFFC000  }
0x78: {  	[spmem:s2] =	stream.indirect.scatter.add.f32 [tilespmem:s18], [sflag:$0x3], $0x80, s31, s16, $0xb8;
	[tilespmem:$0x1E400] =	vst v63  }
0x79: {  	_ =	swait.ge [sflag:s14], $0x4000  }
0x7a: {  	s25 =	simm.s32 $0x100;
	s26 =	simm.s32 $0x800;
	[sflag:s14] =	ssyncset.done $0x0  }
.LBB2_4:
0x7b: {  	s28 =	sadd.s32 $0x80, s25  }
0x7c: {  	[sflag:s14] =	ssyncadd.s32 $0xFFFFC000;
	s29 =	smov.u32 s26;
	s30 =	sadd.s32 $0x400, s26  }
0x7d: {  	[tilespmem:s18], [sflag:$0x2] =	stream.indirect.gather [hbm4b:s1+s16], $0x80, s28, s16, $0xb8;
	[tilespmem:$0x1E400] =	vst v63  }
0x7e: {  	p0 =	sne.s32 s26, $0x4800;
	_ =	swait.ge [sflag:s19], $0x4000  }
0x7f: {  	[sflag:s19] =	ssyncset.done $0x0  }
0x80: {  	s26 =	sadd.s32 $0x1400, s25;
	[sflag:s19] =	ssyncadd.s32 $0xFFFFC000  }
0x81: {  	[spmem:s2] =	stream.indirect.scatter.add.f32 [tilespmem:s17], [sflag:$0x3], $0x80, s26, s16, $0xb8;
	[tilespmem:$0x1E400] =	vst v63  }
0x82: {  	_ =	swait.ge [sflag:s14], $0x4000  }
0x83: {  	[sflag:s14] =	ssyncset.done $0x0  }
0x84: {  	s26 =	sadd.s32 $0x100, s25;
	[sflag:s14] =	ssyncadd.s32 $0xFFFFC000  }
0x85: {  	[tilespmem:s17], [sflag:$0x1] =	stream.indirect.gather [hbm4b:s1+s16], $0x80, s26, s16, $0xb8;
	[tilespmem:$0x1E400] =	vst v63  }
0x86: {  	_ =	swait.ge [sflag:s20], $0x4000  }
.Ltmp1:
0x87: {  	[sflag:s20] =	ssyncset.done $0x0;
	(pc) =	sbr.rel @p0 .LBB2_4-.Ltmp1, $4  }
0x88: {  	s25 =	sadd.s32 $0x1480, s25;
	[sflag:s20] =	ssyncadd.s32 $0xFFFFC000  }
0x89: {  	[spmem:s2] =	stream.indirect.scatter.add.f32 [tilespmem:s18], [sflag:$0x3], $0x80, s25, s16, $0xb8;
	[tilespmem:$0x1E400] =	vst v63  }
0x8a: {  	_ =	swait.ge [sflag:s14], $0x4000  }
0x8b: {  	s26 =	smov.u32 s30;
	s25 =	sshra.s32 s29, $0x2;
	[sflag:s14] =	ssyncset.done $0x0  }
0x8c: {  	s26 =	sadd.s32 $0x80, s25;
	[sflag:s14] =	ssyncadd.s32 $0xFFFFC000  }
0x8d: {  	[tilespmem:s18], [sflag:$0x2] =	stream.indirect.gather [hbm4b:s1+s16], $0x80, s26, s16, $0xb8;
	[tilespmem:$0x1E400] =	vst v63  }
0x8e: {  	_ =	swait.ge [sflag:s19], $0x4000  }
0x8f: {  	[sflag:s19] =	ssyncset.done $0x0  }
0x90: {  	s29 =	sadd.s32 $0x1400, s25;
	[sflag:s19] =	ssyncadd.s32 $0xFFFFC000  }
0x91: {  	[spmem:s2] =	stream.indirect.scatter.add.f32 [tilespmem:s17], [sflag:$0x3], $0x80, s29, s16, $0xb8;
	[tilespmem:$0x1E400] =	vst v63  }
0x92: {  	_ =	swait.ge [sflag:s14], $0x4000  }
0x93: {  	[sflag:s14] =	ssyncset.done $0x0  }
0x94: {  	s30 =	sadd.s32 $0x100, s25;
	[sflag:s14] =	ssyncadd.s32 $0xFFFFC000  }
0x95: {  	[tilespmem:s17], [sflag:$0x1] =	stream.indirect.gather [hbm4b:s1+s16], $0x80, s30, s16, $0xb8;
	[tilespmem:$0x1E400] =	vst v63  }
0x96: {  	_ =	swait.ge [sflag:s20], $0x4000  }
0x97: {  	[sflag:s20] =	ssyncset.done $0x0  }
0x98: {  	s31 =	sadd.s32 $0x1480, s25;
	[sflag:s20] =	ssyncadd.s32 $0xFFFFC000  }
0x99: {  	[spmem:s2] =	stream.indirect.scatter.add.f32 [tilespmem:s18], [sflag:$0x3], $0x80, s31, s16, $0xb8;
	[tilespmem:$0x1E400] =	vst v63  }
0x9a: {  	_ =	swait.ge [sflag:s14], $0x4000  }
0x9b: {  	[sflag:s14] =	ssyncset.done $0x0  }
0x9c: {  	[sflag:s14] =	ssyncadd.s32 $0xFFFFC000  }
0x9d: {  	[tilespmem:s18], [sflag:$0x2] =	stream.indirect.gather [hbm4b:s1+s16], $0x80, s21, s16, $0xb8;
	[tilespmem:$0x1E400] =	vst v63  }
0x9e: {  	_ =	swait.ge [sflag:s19], $0x4000  }
0x9f: {  	[sflag:s19] =	ssyncset.done $0x0  }
0xa0: {  	[sflag:s19] =	ssyncadd.s32 $0xFFFFC000  }
0xa1: {  	[spmem:s2] =	stream.indirect.scatter.add.f32 [tilespmem:s17], [sflag:$0x3], $0x80, s22, s16, $0xb8;
	[tilespmem:$0x1E400] =	vst v63  }
0xa2: {  	_ =	swait.ge [sflag:s14], $0x4000  }
0xa3: {  	[sflag:s14] =	ssyncset.done $0x0  }
0xa4: {  	[sflag:s14] =	ssyncadd.s32 $0xFFFFC000  }
0xa5: {  	_ =	swait.ge [sflag:s20], $0x4000  }
0xa6: {  	[sflag:s20] =	ssyncset.done $0x0  }
0xa7: {  	[sflag:s20] =	ssyncadd.s32 $0xFFFFC000  }
0xa8: {  	[spmem:s2] =	stream.indirect.scatter.add.f32 [tilespmem:s18], [sflag:$0x3], $0x80, s23, s16, $0xb8;
	[tilespmem:$0x1E400] =	vst v63  }
0xa9: {  	_ =	swait.ge [sflag:s14], $0x4000  }
0xaa: {  	s24 =	sadd.s32 $0x1, s24;
	[sflag:s14] =	ssyncset.done $0x0  }
0xab: {  	p0 =	sne.s32 s24, s12;
	[sflag:s14] =	ssyncadd.s32 $0xFFFFC000  }
.Ltmp2:
0xac: {  	[bflag:$0x0] =	sbarrier.arrive $0xFFFF;
	(pc) =	sbr.rel @p0 .LBB2_1-.Ltmp2, $4  }
0xad: {  	[hbm:s11], [sflag:s6] =	dma.local [spmem:s13], $0x2780  }
0xae: {  	_ =	swait.ge [sflag:s14], $0x2780  }
0xaf: {  	[sflag:s14] =	ssyncset.done $0x0  }
0xb0: {  	[sflag:s14] =	ssyncadd.s32 $0xFFFFD880  }
0xb1: {  	_ =	sfence.sel $0x180000  }
0xb2: {  	[bflag:$0x0] =	sbarrier.arrive $0xFFFF  }
0xb3: {  	p0 =	sne.s32 s3, $0x0;
	_ =	strace $0x9000004D  }
0xb4: {  	s0 =	sadd.s32 @!p0 $0x100000, s0;
	[bflag:$0x2] =	sbarrier.arrive $0xFFFF  }
0xb5: {  	[sflag:s0] =	ssyncadd.tile.s32 @!p0 $0x1;
	_ =	shalt  }
.Lfunc_end2:
_tile_overlayer_lowered:
.L_overlay_start_2:
0xb6: {  	(tag) =	ssettag $0x2  }
0xb7: {  	s0 =	rddreg [dreg:$0x0];
	s2 =	stileid.u32  }
0xb8: {  	s1 =	rddreg [dreg:$0x1];
	p0 =	sne.s32 s2, $0x0  }
0xb9: {  	s3 =	rddreg [dreg:$0x2];
	[bflag:$0x3] =	sbarrier.arrive $0xFFFF;
	s2 =	simm.s32 @!p0 $0x1C03  }
0xba: {  	[timem:s3], [sflag:s2] =	dma.local @!p0 [hbm:s0], s1  }
0xbb: {  	s0 =	simm.s32 @!p0 $0x3  }
0xbc: {  	_ =	swait.ge @!p0 [sflag:s0], s1  }
0xbd: {  	s1 =	ssub.s32 @!p0 $0x0, s1;
	[sflag:s0] =	ssyncset.done @!p0 $0x0  }
0xbe: {  	[sflag:s0] =	ssyncadd.s32 @!p0 s1  }
0xbf: {  	[bflag:$0x3] =	sbarrier.arrive $0xFFFF  }
0xc0: {  	_ =	shalt  }

// kernel: kernel.19.cloned.1.call-start
scs
__scs_entry_jumppad:
0x0: {  	(pc) =	sbr.rel $0x88, $3  }
0x1: {  	(tag) =	ssettag $0x0;
	lr =	simm.s32 $0x1  }
0x2: {  	[smem:$0x3F96] =	sst lr;
	_ =	strace $0xD0000000  }
0x3: {  	_ = 	snop  }
0x4: {  	_ = 	snop  }
0x5: {  	_ = 	snop  }
0x6: {  	_ = 	snop  }
0x7: {  	_ = 	snop  }
__scs_overlays_trampoline_lowered:
0x8: {  	[smem:$0x3FA5] =	sst s0  }
0x9: {  	[smem:$0x3FA6] =	sst s1  }
0xa: {  	[smem:$0x3FA7] =	sst s2  }
0xb: {  	[smem:$0x3FA8] =	sst s3  }
0xc: {  	[smem:$0x3FA9] =	sst s4  }
0xd: {  	[smem:$0x3FAA] =	sst s5  }
0xe: {  	[smem:$0x3FAB] =	sst s6  }
0xf: {  	[smem:$0x3FAC] =	sst s7  }
0x10: {  	[smem:$0x3FAD] =	sst s8  }
0x11: {  	[smem:$0x3FAE] =	sst s9;
	s0 =	simm.s32 @!p0 $0x0  }
0x12: {  	s1 =	sld [smem:$0x3F94];
	s0 =	simm.s32 @p0 $0x1  }
0x13: {  	[smem:$0x3FAF] =	sst s0;
	s0 =	simm.s32 @!p1 $0x0  }
0x14: {  	s2 =	sld [smem:$0x3F93];
	s0 =	simm.s32 @p1 $0x1  }
0x15: {  	[smem:$0x3FB0] =	sst s0;
	s0 =	simm.s32 @!p2 $0x0  }
0x16: {  	s3 =	sld [smem:$0x3FDB];
	s0 =	simm.s32 @p2 $0x1  }
0x17: {  	s4 =	simm.s32 $0x1BF5;
	[smem:$0x3FB2] =	sst s0  }
0x18: {  	s0 =	sld [smem:$0x3F95];
	_ =	swait.ge [sflag:s4], $0x0  }
0x19: {  	s7 =	sld [smem:$0x3F96]  }
0x1a: {  	s8 =	sadd.s32 $0xFFFFE003, lr  }
0x1b: {  	s9 =	sadd.s32 $0xFFFFFEF7, lr;
	s5 =	simm.s32 $0xFFFFFFFF;
	p2 =	slt.u32 s8, $0xFFFFF086  }
0x1c: {  	p1 =	slt.u32 s9, $0xF7A;
	s5 =	simm.s32 @!p2 $0x0  }
0x1d: {  	s5 =	simm.s32 @p1 $0x1;
	p0 =	seq.s32 s7, s2  }
0x1e: {  	s7 =	smul.u32 @!p0 $0xF7A, s2;
	p2 =	seq.s32 @!p0 s5, $0x0  }
0x1f: {  	s9 =	smul.u32 $0xF7A, s1;
	s8 =	simm.s32 @!p0 $0x1BF5;
	p2 =	por !p2, p0  }
0x20: {  	[sflag:s8] =	ssyncset.s32 @!p0 $0xFFFFF086;
	s6 =	sadd.s32 @!p0 s3, s7;
	s7 =	simm.s32 @!p0 $0x108  }
0x21: {  	s3 =	sadd.s32 s3, s9;
	s6 =	sadd.s32 @!p0 $0x88, s6;
	s7 =	simm.s32 @p2 $0x1082  }
0x22: {  	[simem:s7], [sflag:s8] =	dma.local @!p0 [hbm:s6], $0xF7A  }
0x23: {  	s9 =	sor.u32 $0xD0000000, s2;
	s6 =	simm.s32 $0x108;
	_ =	swait.ge @!p0 [sflag:s8], $0x0  }
0x24: {  	s3 =	sadd.s32 $0x88, s3;
	s6 =	simm.s32 @!p1 $0x1082;
	[sflag:s4] =	ssyncset.s32 $0xFFFFF086  }
0x25: {  	[simem:s6], [sflag:s4] =	dma.local [hbm:s3], $0xF7A  }
0x26: {  	[smem:$0x3F96] =	sst s1;
	(tag) =	ssettag s2;
	_ =	strace s9  }
0x27: {  	s1 =	sld [smem:$0x3FA6]  }
0x28: {  	s2 =	sld [smem:$0x3FA7]  }
0x29: {  	s4 =	sld [smem:$0x3FA9]  }
0x2a: {  	p0 =	seq.s32 s5, $0x0;
	s5 =	sld [smem:$0x3FAA]  }
0x2b: {  	s6 =	sld [smem:$0x3FAB]  }
0x2c: {  	s7 =	sld [smem:$0x3FAC]  }
0x2d: {  	s3 =	simm.s32 $0x108;
	s8 =	sld [smem:$0x3FAD]  }
0x2e: {  	s3 =	simm.s32 @!p0 $0x1082;
	s9 =	sld [smem:$0x3FAE]  }
0x2f: {  	lr =	sadd.s32 s0, s3;
	s0 =	sld [smem:$0x3FA5]  }
0x30: {  	s3 =	sld [smem:$0x3FA8]  }
0x31: {  	[smem:$0x3FB1] =	sst s10  }
0x32: {  	s10 =	sld [smem:$0x3FAF];
	_ =	sdelay $0x3  }
0x33: {  	p0 =	seq.s32 s10, $0x1;
	s10 =	sld [smem:$0x3FB1];
	_ =	sdelay $0x3  }
0x34: {  	[smem:$0x3FB1] =	sst s10  }
0x35: {  	s10 =	sld [smem:$0x3FB0];
	_ =	sdelay $0x3  }
0x36: {  	p1 =	seq.s32 s10, $0x1;
	s10 =	sld [smem:$0x3FB1];
	_ =	sdelay $0x3  }
0x37: {  	[smem:$0x3FB1] =	sst s10  }
0x38: {  	s10 =	sld [smem:$0x3FB2]  }
0x39: {  	_ = 	snop;
	(pc) =	sbr.ind lr, $3  }
0x3a: {  	_ = 	snop  }
0x3b: {  	_ = 	snop  }
0x3c: {  	p2 =	seq.s32 s10, $0x1;
	s10 =	sld [smem:$0x3FB1]  }
0x3d: {  	_ =	shalt  }
0x3e: {  	_ =	shalt  }
0x3f: {  	_ =	shalt  }
0x40: {  	_ =	shalt  }
0x41: {  	_ =	shalt  }
0x42: {  	_ =	shalt  }
0x43: {  	_ =	shalt  }
0x44: {  	_ =	shalt  }
0x45: {  	_ =	shalt  }
0x46: {  	_ =	shalt  }
0x47: {  	_ =	shalt  }
0x48: {  	_ =	shalt  }
0x49: {  	_ =	shalt  }
0x4a: {  	_ =	shalt  }
0x4b: {  	_ =	shalt  }
0x4c: {  	_ =	shalt  }
0x4d: {  	_ =	shalt  }
0x4e: {  	_ =	shalt  }
0x4f: {  	_ =	shalt  }
0x50: {  	_ =	shalt  }
0x51: {  	_ =	shalt  }
0x52: {  	_ =	shalt  }
0x53: {  	_ =	shalt  }
0x54: {  	_ =	shalt  }
0x55: {  	_ =	shalt  }
0x56: {  	_ =	shalt  }
0x57: {  	_ =	shalt  }
0x58: {  	_ =	shalt  }
0x59: {  	_ =	shalt  }
0x5a: {  	_ =	shalt  }
0x5b: {  	_ =	shalt  }
0x5c: {  	_ =	shalt  }
0x5d: {  	_ =	shalt  }
0x5e: {  	_ =	shalt  }
0x5f: {  	_ =	shalt  }
0x60: {  	_ =	shalt  }
0x61: {  	_ =	shalt  }
0x62: {  	_ =	shalt  }
0x63: {  	_ =	shalt  }
0x64: {  	_ =	shalt  }
0x65: {  	_ =	shalt  }
0x66: {  	_ =	shalt  }
0x67: {  	_ =	shalt  }
0x68: {  	_ =	shalt  }
0x69: {  	_ =	shalt  }
0x6a: {  	_ =	shalt  }
0x6b: {  	_ =	shalt  }
0x6c: {  	_ =	shalt  }
0x6d: {  	_ =	shalt  }
0x6e: {  	_ =	shalt  }
0x6f: {  	_ =	shalt  }
0x70: {  	_ =	shalt  }
0x71: {  	_ =	shalt  }
0x72: {  	_ =	shalt  }
0x73: {  	_ =	shalt  }
0x74: {  	_ =	shalt  }
0x75: {  	_ =	shalt  }
0x76: {  	_ =	shalt  }
0x77: {  	_ =	shalt  }
0x78: {  	_ =	shalt  }
0x79: {  	_ =	shalt  }
0x7a: {  	_ =	shalt  }
0x7b: {  	_ =	shalt  }
0x7c: {  	_ =	shalt  }
0x7d: {  	_ =	shalt  }
0x7e: {  	_ =	shalt  }
0x7f: {  	_ =	shalt  }
0x80: {  	_ =	shalt  }
0x81: {  	_ =	shalt  }
0x82: {  	_ =	shalt  }
0x83: {  	_ =	shalt  }
0x84: {  	_ =	shalt  }
0x85: {  	_ =	shalt  }
0x86: {  	_ =	shalt  }
0x87: {  	_ =	shalt  }
.Lfunc_end0:
.L_simem_size_0:
called_computation.3_lowered:
.L_overlay_start_0:
0x88: {  	s2 =	sld [smem:$0x3FD9]  }
0x89: {  	s3 =	sld [smem:$0x3FFE];
	_ =	sdelay $0x1  }
0x8a: {  	s1 =	srdreg.scid  }
0x8b: {  	s0 =	sand.u32 $0x1, s1  }
0x8c: {  	s17 =	sshll.u32 s0, $0xA;
	s2 =	sadd.s32 s3, s2  }
0x8d: {  	s2 =	sadd.s32 s2, s17  }
0x8e: {  	[smem:$0x3FBD] =	sst s2  }
0x8f: {  	_ = 	snop  }
0x90: {  	s2 =	sld [smem:$0x3FD0];
	(tm) =	ssettm $0x1  }
0x91: {  	s18 =	sld [smem:$0x3FFB];
	_ =	sdelay $0x3  }
0x92: {  	_ =	strace s18  }
0x93: {  	s3 =	sld [smem:$0x3FFC];
	_ =	sdelay $0x3  }
0x94: {  	_ =	strace s3  }
0x95: {  	s3 =	sld [smem:$0x3FFD];
	_ =	sdelay $0x3  }
0x96: {  	_ =	strace s3  }
0x97: {  	_ =	strace $0x8FFFFFFF  }
0x98: {  	s19 =	sld [smem:$0x3FDB];
	_ =	sdelay $0x1  }
0x99: {  	s4 =	simm.s32 $_scs_section_size  }
0x9a: {  	s5 =	simm.s32 $_size__tile_overlayer_lowered;
	s6 =	simm.s32 $_tile_overlayer_lowered  }
0x9b: {  	s22 =	simm.s32 $0x1BFF;
	s21 =	sshll.u32 s6, $0x1;
	s3 =	sadd.s32 s4, s19  }
0x9c: {  	s7 =	simm.s32 $0x0;
	s20 =	sshll.u32 s5, $0x1;
	s5 =	sadd.s32 s21, s3  }
0x9d: {  	[timem:s7], [sflag:s22] =	dma.local [hbm:s5], s20  }
0x9e: {  	_ =	swait.ge [sflag:s22], s20  }
0x9f: {  	s4 =	ssub.s32 $0x0, s20;
	[sflag:s22] =	ssyncset.done $0x0  }
0xa0: {  	[sflag:s22] =	ssyncadd.s32 s4;
	_ =	sdelay $0x1  }
0xa1: {  	s23 =	simm.s32 $0x1B8B  }
0xa2: {  	_ =	swait.ge [sflag:s23], $0x1  }
0xa3: {  	[sflag:s23] =	ssyncset.done $0x0  }
0xa4: {  	s25 =	simm.s32 $0x1B8E;
	s24 =	sld [smem:$0x3FFE];
	[sflag:s23] =	ssyncadd.s32 $0xFFFFFFFF  }
0xa5: {  	s26 =	simm.s32 $execute0_lowered;
	[smem:$0x3FD2] =	sst s25  }
0xa6: {  	s5 =	sshll.u32 s26, $0x1;
	_ =	strace $0x8000004F;
	[dreg:$0x1] =	wrdreg $0xFFFFFFFF  }
0xa7: {  	s28 =	simm.s32 $_size_execute0_lowered;
	s3 =	sadd.s32 s3, s5;
	[dreg:$0x0] =	wrdreg $0x0  }
0xa8: {  	s5 =	sshll.u32 s28, $0x1;
	[dreg:$0x2] =	wrdreg s3  }
0xa9: {  	[dreg:$0x3] =	wrdreg s5  }
0xaa: {  	[dreg:$0x4] =	wrdreg $0xC0  }
0xab: {  	_ =	task [dreg:s7], $0x5FFFF  }
0xac: {  	[dreg:$0x1] =	wrdreg $0xFFFFFFFF  }
0xad: {  	[dreg:$0x0] =	wrdreg $0x60  }
0xae: {  	[dreg:$0x2] =	wrdreg s2  }
0xaf: {  	[dreg:$0x3] =	wrdreg s24  }
0xb0: {  	[dreg:$0x4] =	wrdreg $0xA8000  }
0xb1: {  	[dreg:$0x5] =	wrdreg $0x9  }
0xb2: {  	_ =	task.clear_ibuf [dreg:s7], $0x6FFFF;
	_ =	strace $0x9000004F  }
0xb3: {  	s29 =	simm.s32 $0x9;
	_ =	strace $0x80000051  }
0xb4: {  	_ =	swait.ge [sflag:s29], $0x1  }
0xb5: {  	[sflag:s29] =	ssyncadd.s32 $0xFFFFFFFF  }
0xb6: {  	_ =	strace $0x90000051  }
0xb7: {  	_ =	sfence  }
0xb8: {  	s30 =	sld [smem:$0x0];
	_ =	sdelay $0x2  }
0xb9: {  	s31 =	sshll.u32 s1, $0xD;
	s1 =	sshrl.u32 s1, $0x2  }
0xba: {  	s3 =	sand.u32 $0x4000, s31;
	s1 =	sadd.s32 s1, s30  }
0xbb: {  	s0 =	sor.u32 s3, s0;
	s1 =	sshll.u32 s1, $0x11  }
0xbc: {  	s0 =	sor.u32 s1, s0  }
0xbd: {  	s0 =	sadd.s32 $0x8F2B, s0  }
0xbe: {  	[sflag:s0] =	ssyncadd.remote.s32 $0x1  }
0xbf: {  	_ =	sfence.sel $0xFFFF  }
0xc0: {  	[dreg:$0x0] =	wrdreg $0xFFFFFFFF;
	(pc) =	sbr.abs _section_cstart, $3  }
0xc1: {  	[dreg:$0x1] =	wrdreg $0xFFFFFFFF  }
0xc2: {  	_ =	task.clear_ibuf [dreg:s7], $0x2FFFF;
	_ =	strace $0x9FFFFFFF  }
0xc3: {  	(tm) =	ssettm $0x7FFFFFFF  }
tec
execute0_lowered:
.L_overlay_start_1:
0x0: {  	(tag) =	ssettag $0x1  }
0x1: {  	s1 =	rddreg [dreg:$0x0]  }
0x2: {  	s6 =	rddreg [dreg:$0x1]  }
0x3: {  	s2 =	rddreg [dreg:$0x2];
	s3 =	srdreg.scid  }
0x4: {  	s0 =	rddreg [dreg:$0x3];
	s4 =	simm.s32 $0x0;
	s15 =	simm.s32 $0x1400  }
0x5: {  	s16 =	simm.s32 $0x80;
	s17 =	simm.s32 $0x2800;
	s18 =	simm.s32 $0x6800  }
0x6: {  	s19 =	simm.s32 $0x1;
	s20 =	simm.s32 $0x2;
	s21 =	simm.s32 $0x1380  }
0x7: {  	s22 =	simm.s32 $0x2700;
	s5 =	sand.u32 $0x1, s3;
	s3 =	stileid.u32  }
0x8: {  	[smem:$0x7FF] =	sst s4;
	s9 =	sadd.s32 $0xCA00, s6;
	s7 =	smul.u32 $0x13C000, s5  }
0x9: {  	s10 =	sadd.s32 $0x2A00, s6;
	s8 =	smul.u32 $0x13C00, s3;
	_ =	strace $0x80000050  }
0xa: {  	s23 =	sshll.u32 s5, $0x4;
	s11 =	ssub.s32 $0x2, s5;
	s25 =	smul.u32 $0x4F000, s3  }
0xb: {  	s5 =	sadd.s32 $0x16A00, s6;
	s28 =	sshll.u32 s3, $0x6;
	s24 =	sor.u32 s3, s23  }
0xc: {  	s12 =	sshrl.u32 s11, $0x1;
	s23 =	simm.s32 $0x2780;
	s7 =	sadd.s32 s8, s7  }
0xd: {  	s13 =	smul.u32 $0x2800, s24;
	s12 =	ssub.s32 s11, s12;
	s26 =	sshrl.u32 s25, $0x2  }
0xe: {  	s24 =	simm.s32 $0x0;
	s7 =	sshrl.u32 s7, $0x3;
	s30 =	sadd.s32 s26, s2  }
0xf: {  	s12 =	smax.u32 s12, $0x1;
	s14 =	sadd.s32 s7, s6;
	s29 =	sshrl.u32 s13, $0x3  }
0x10: {  	s6 =	sor.u32 $0x1C03, s28;
	s13 =	sshrl.u32 s30, $0x3;
	s31 =	sadd.s32 $0x280, s29  }
0x11: {  	s7 =	sadd.s32 s9, s29;
	s8 =	sadd.s32 s10, s29;
	s11 =	sadd.s32 $0x19200, s14  }
0x12: {  	s14 =	simm.s32 $0x3;
	s9 =	sadd.s32 s9, s31;
	s10 =	sadd.s32 s10, s31  }
.LBB2_1:
0x13: {  	[spmem:s13], [sflag:s6] =	dma.local [hbm:s5], $0x2780  }
0x14: {  	_ =	swait.ge [sflag:s14], $0x2780  }
0x15: {  	[sflag:s14] =	ssyncset.done $0x0  }
0x16: {  	[sflag:s14] =	ssyncadd.s32 $0xFFFFD880  }
0x17: {  	[bflag:$0x0] =	sbarrier.arrive $0xFFFF  }
0x18: {  	[tilespmem:s4], [sflag:$0x3] =	stream.linear.gather [hbm4b:s7+s4], $0x1400, $0x38;
	[tilespmem:$0x1E400] =	vst v63  }
0x19: {  	_ =	swait.ge [sflag:s14], $0x1400  }
0x1a: {  	[sflag:s14] =	ssyncset.done $0x0  }
0x1b: {  	[sflag:s14] =	ssyncadd.s32 $0xFFFFEC00  }
0x1c: {  	[tilespmem:s15], [sflag:$0x3] =	stream.linear.gather [hbm4b:s8+s4], $0x1400, $0x38;
	[tilespmem:$0x1E400] =	vst v63  }
0x1d: {  	_ =	swait.ge [sflag:s14], $0x1400  }
0x1e: {  	[sflag:s14] =	ssyncset.done $0x0  }
0x1f: {  	[sflag:s14] =	ssyncadd.s32 $0xFFFFEC00  }
0x20: {  	[tilespmem:s17], [sflag:$0x1] =	stream.indirect.gather [hbm4b:s1+s16], $0x80, s4, s16, $0xb8;
	[tilespmem:$0x1E400] =	vst v63  }
0x21: {  	s25 =	simm.s32 $0x80  }
0x22: {  	[tilespmem:s18], [sflag:$0x2] =	stream.indirect.gather [hbm4b:s1+s16], $0x80, s25, s16, $0xb8;
	[tilespmem:$0x1E400] =	vst v63  }
0x23: {  	_ =	swait.ge [sflag:s19], $0x4000  }
0x24: {  	[sflag:s19] =	ssyncset.done $0x0  }
0x25: {  	s29 =	simm.s32 $0x1400;
	[sflag:s19] =	ssyncadd.s32 $0xFFFFC000  }
0x26: {  	[spmem:s2] =	stream.indirect.scatter.add.f32 [tilespmem:s17], [sflag:$0x3], $0x80, s29, s16, $0xb8;
	[tilespmem:$0x1E400] =	vst v63  }
0x27: {  	_ =	swait.ge [sflag:s14], $0x4000  }
0x28: {  	[sflag:s14] =	ssyncset.done $0x0  }
0x29: {  	s30 =	simm.s32 $0x100;
	[sflag:s14] =	ssyncadd.s32 $0xFFFFC000  }
0x2a: {  	[tilespmem:s17], [sflag:$0x1] =	stream.indirect.gather [hbm4b:s1+s16], $0x80, s30, s16, $0xb8;
	[tilespmem:$0x1E400] =	vst v63  }
0x2b: {  	_ =	swait.ge [sflag:s20], $0x4000  }
0x2c: {  	[sflag:s20] =	ssyncset.done $0x0  }
0x2d: {  	s31 =	simm.s32 $0x1480;
	[sflag:s20] =	ssyncadd.s32 $0xFFFFC000  }
0x2e: {  	[spmem:s2] =	stream.indirect.scatter.add.f32 [tilespmem:s18], [sflag:$0x3], $0x80, s31, s16, $0xb8;
	[tilespmem:$0x1E400] =	vst v63  }
0x2f: {  	_ =	swait.ge [sflag:s14], $0x4000  }
0x30: {  	s26 =	simm.s32 $0x800;
	s25 =	simm.s32 $0x100;
	[sflag:s14] =	ssyncset.done $0x0  }
.LBB2_2:
0x31: {  	s28 =	sadd.s32 $0x80, s25  }
0x32: {  	[sflag:s14] =	ssyncadd.s32 $0xFFFFC000;
	s29 =	smov.u32 s26;
	s30 =	sadd.s32 $0x400, s26  }
0x33: {  	[tilespmem:s18], [sflag:$0x2] =	stream.indirect.gather [hbm4b:s1+s16], $0x80, s28, s16, $0xb8;
	[tilespmem:$0x1E400] =	vst v63  }
0x34: {  	p0 =	sne.s32 s26, $0x4800;
	_ =	swait.ge [sflag:s19], $0x4000  }
0x35: {  	[sflag:s19] =	ssyncset.done $0x0  }
0x36: {  	s26 =	sadd.s32 $0x1400, s25;
	[sflag:s19] =	ssyncadd.s32 $0xFFFFC000  }
0x37: {  	[spmem:s2] =	stream.indirect.scatter.add.f32 [tilespmem:s17], [sflag:$0x3], $0x80, s26, s16, $0xb8;
	[tilespmem:$0x1E400] =	vst v63  }
0x38: {  	_ =	swait.ge [sflag:s14], $0x4000  }
0x39: {  	[sflag:s14] =	ssyncset.done $0x0  }
0x3a: {  	s26 =	sadd.s32 $0x100, s25;
	[sflag:s14] =	ssyncadd.s32 $0xFFFFC000  }
0x3b: {  	[tilespmem:s17], [sflag:$0x1] =	stream.indirect.gather [hbm4b:s1+s16], $0x80, s26, s16, $0xb8;
	[tilespmem:$0x1E400] =	vst v63  }
0x3c: {  	_ =	swait.ge [sflag:s20], $0x4000  }
.Ltmp0:
0x3d: {  	[sflag:s20] =	ssyncset.done $0x0;
	(pc) =	sbr.rel @p0 .LBB2_2-.Ltmp0, $4  }
0x3e: {  	s25 =	sadd.s32 $0x1480, s25;
	[sflag:s20] =	ssyncadd.s32 $0xFFFFC000  }
0x3f: {  	[spmem:s2] =	stream.indirect.scatter.add.f32 [tilespmem:s18], [sflag:$0x3], $0x80, s25, s16, $0xb8;
	[tilespmem:$0x1E400] =	vst v63  }
0x40: {  	_ =	swait.ge [sflag:s14], $0x4000  }
0x41: {  	s26 =	smov.u32 s30;
	s25 =	sshra.s32 s29, $0x2;
	[sflag:s14] =	ssyncset.done $0x0  }
0x42: {  	s26 =	sadd.s32 $0x80, s25;
	[sflag:s14] =	ssyncadd.s32 $0xFFFFC000  }
0x43: {  	[tilespmem:s18], [sflag:$0x2] =	stream.indirect.gather [hbm4b:s1+s16], $0x80, s26, s16, $0xb8;
	[tilespmem:$0x1E400] =	vst v63  }
0x44: {  	_ =	swait.ge [sflag:s19], $0x4000  }
0x45: {  	[sflag:s19] =	ssyncset.done $0x0  }
0x46: {  	s29 =	sadd.s32 $0x1400, s25;
	[sflag:s19] =	ssyncadd.s32 $0xFFFFC000  }
0x47: {  	[spmem:s2] =	stream.indirect.scatter.add.f32 [tilespmem:s17], [sflag:$0x3], $0x80, s29, s16, $0xb8;
	[tilespmem:$0x1E400] =	vst v63  }
0x48: {  	_ =	swait.ge [sflag:s14], $0x4000  }
0x49: {  	[sflag:s14] =	ssyncset.done $0x0  }
0x4a: {  	s30 =	sadd.s32 $0x100, s25;
	[sflag:s14] =	ssyncadd.s32 $0xFFFFC000  }
0x4b: {  	[tilespmem:s17], [sflag:$0x1] =	stream.indirect.gather [hbm4b:s1+s16], $0x80, s30, s16, $0xb8;
	[tilespmem:$0x1E400] =	vst v63  }
0x4c: {  	_ =	swait.ge [sflag:s20], $0x4000  }
0x4d: {  	[sflag:s20] =	ssyncset.done $0x0  }
0x4e: {  	s31 =	sadd.s32 $0x1480, s25;
	[sflag:s20] =	ssyncadd.s32 $0xFFFFC000  }
0x4f: {  	[spmem:s2] =	stream.indirect.scatter.add.f32 [tilespmem:s18], [sflag:$0x3], $0x80, s31, s16, $0xb8;
	[tilespmem:$0x1E400] =	vst v63  }
0x50: {  	_ =	swait.ge [sflag:s14], $0x4000  }
0x51: {  	[sflag:s14] =	ssyncset.done $0x0  }
0x52: {  	[sflag:s14] =	ssyncadd.s32 $0xFFFFC000  }
0x53: {  	[tilespmem:s18], [sflag:$0x2] =	stream.indirect.gather [hbm4b:s1+s16], $0x80, s21, s16, $0xb8;
	[tilespmem:$0x1E400] =	vst v63  }
0x54: {  	_ =	swait.ge [sflag:s19], $0x4000  }
0x55: {  	[sflag:s19] =	ssyncset.done $0x0  }
0x56: {  	[sflag:s19] =	ssyncadd.s32 $0xFFFFC000  }
0x57: {  	[spmem:s2] =	stream.indirect.scatter.add.f32 [tilespmem:s17], [sflag:$0x3], $0x80, s22, s16, $0xb8;
	[tilespmem:$0x1E400] =	vst v63  }
0x58: {  	_ =	swait.ge [sflag:s14], $0x4000  }
0x59: {  	[sflag:s14] =	ssyncset.done $0x0  }
0x5a: {  	[sflag:s14] =	ssyncadd.s32 $0xFFFFC000  }
0x5b: {  	_ =	swait.ge [sflag:s20], $0x4000  }
0x5c: {  	[sflag:s20] =	ssyncset.done $0x0  }
0x5d: {  	[sflag:s20] =	ssyncadd.s32 $0xFFFFC000  }
0x5e: {  	[spmem:s2] =	stream.indirect.scatter.add.f32 [tilespmem:s18], [sflag:$0x3], $0x80, s23, s16, $0xb8;
	[tilespmem:$0x1E400] =	vst v63  }
0x5f: {  	_ =	swait.ge [sflag:s14], $0x4000  }
0x60: {  	[sflag:s14] =	ssyncset.done $0x0  }
0x61: {  	s26 =	simm.s32 $0x0;
	[sflag:s14] =	ssyncadd.s32 $0xFFFFC000  }
0x62: {  	[tilespmem:s26], [sflag:$0x3] =	stream.linear.gather [hbm4b:s9+s26], $0x1400, $0x38;
	[tilespmem:$0x1E400] =	vst v63  }
0x63: {  	_ =	swait.ge [sflag:s14], $0x1400  }
0x64: {  	[sflag:s14] =	ssyncset.done $0x0  }
0x65: {  	[sflag:s14] =	ssyncadd.s32 $0xFFFFEC00  }
0x66: {  	[tilespmem:s15], [sflag:$0x3] =	stream.linear.gather [hbm4b:s10+s26], $0x1400, $0x38;
	[tilespmem:$0x1E400] =	vst v63  }
0x67: {  	_ =	swait.ge [sflag:s14], $0x1400  }
0x68: {  	[sflag:s14] =	ssyncset.done $0x0  }
0x69: {  	[sflag:s14] =	ssyncadd.s32 $0xFFFFEC00  }
0x6a: {  	[tilespmem:s17], [sflag:$0x1] =	stream.indirect.gather [hbm4b:s1+s16], $0x80, s26, s16, $0xb8;
	[tilespmem:$0x1E400] =	vst v63  }
0x6b: {  	s28 =	simm.s32 $0x80  }
0x6c: {  	[tilespmem:s18], [sflag:$0x2] =	stream.indirect.gather [hbm4b:s1+s16], $0x80, s28, s16, $0xb8;
	[tilespmem:$0x1E400] =	vst v63  }
0x6d: {  	_ =	swait.ge [sflag:s19], $0x4000  }
0x6e: {  	[sflag:s19] =	ssyncset.done $0x0  }
0x6f: {  	s29 =	simm.s32 $0x1400;
	[sflag:s19] =	ssyncadd.s32 $0xFFFFC000  }
0x70: {  	[spmem:s2] =	stream.indirect.scatter.add.f32 [tilespmem:s17], [sflag:$0x3], $0x80, s29, s16, $0xb8;
	[tilespmem:$0x1E400] =	vst v63  }
0x71: {  	_ =	swait.ge [sflag:s14], $0x4000  }
0x72: {  	[sflag:s14] =	ssyncset.done $0x0  }
0x73: {  	s30 =	simm.s32 $0x100;
	[sflag:s14] =	ssyncadd.s32 $0xFFFFC000  }
0x74: {  	[tilespmem:s17], [sflag:$0x1] =	stream.indirect.gather [hbm4b:s1+s16], $0x80, s30, s16, $0xb8;
	[tilespmem:$0x1E400] =	vst v63  }
0x75: {  	_ =	swait.ge [sflag:s20], $0x4000  }
0x76: {  	[sflag:s20] =	ssyncset.done $0x0  }
0x77: {  	s31 =	simm.s32 $0x1480;
	[sflag:s20] =	ssyncadd.s32 $0xFFFFC000  }
0x78: {  	[spmem:s2] =	stream.indirect.scatter.add.f32 [tilespmem:s18], [sflag:$0x3], $0x80, s31, s16, $0xb8;
	[tilespmem:$0x1E400] =	vst v63  }
0x79: {  	_ =	swait.ge [sflag:s14], $0x4000  }
0x7a: {  	s25 =	simm.s32 $0x100;
	s26 =	simm.s32 $0x800;
	[sflag:s14] =	ssyncset.done $0x0  }
.LBB2_4:
0x7b: {  	s28 =	sadd.s32 $0x80, s25  }
0x7c: {  	[sflag:s14] =	ssyncadd.s32 $0xFFFFC000;
	s29 =	smov.u32 s26;
	s30 =	sadd.s32 $0x400, s26  }
0x7d: {  	[tilespmem:s18], [sflag:$0x2] =	stream.indirect.gather [hbm4b:s1+s16], $0x80, s28, s16, $0xb8;
	[tilespmem:$0x1E400] =	vst v63  }
0x7e: {  	p0 =	sne.s32 s26, $0x4800;
	_ =	swait.ge [sflag:s19], $0x4000  }
0x7f: {  	[sflag:s19] =	ssyncset.done $0x0  }
0x80: {  	s26 =	sadd.s32 $0x1400, s25;
	[sflag:s19] =	ssyncadd.s32 $0xFFFFC000  }
0x81: {  	[spmem:s2] =	stream.indirect.scatter.add.f32 [tilespmem:s17], [sflag:$0x3], $0x80, s26, s16, $0xb8;
	[tilespmem:$0x1E400] =	vst v63  }
0x82: {  	_ =	swait.ge [sflag:s14], $0x4000  }
0x83: {  	[sflag:s14] =	ssyncset.done $0x0  }
0x84: {  	s26 =	sadd.s32 $0x100, s25;
	[sflag:s14] =	ssyncadd.s32 $0xFFFFC000  }
0x85: {  	[tilespmem:s17], [sflag:$0x1] =	stream.indirect.gather [hbm4b:s1+s16], $0x80, s26, s16, $0xb8;
	[tilespmem:$0x1E400] =	vst v63  }
0x86: {  	_ =	swait.ge [sflag:s20], $0x4000  }
.Ltmp1:
0x87: {  	[sflag:s20] =	ssyncset.done $0x0;
	(pc) =	sbr.rel @p0 .LBB2_4-.Ltmp1, $4  }
0x88: {  	s25 =	sadd.s32 $0x1480, s25;
	[sflag:s20] =	ssyncadd.s32 $0xFFFFC000  }
0x89: {  	[spmem:s2] =	stream.indirect.scatter.add.f32 [tilespmem:s18], [sflag:$0x3], $0x80, s25, s16, $0xb8;
	[tilespmem:$0x1E400] =	vst v63  }
0x8a: {  	_ =	swait.ge [sflag:s14], $0x4000  }
0x8b: {  	s26 =	smov.u32 s30;
	s25 =	sshra.s32 s29, $0x2;
	[sflag:s14] =	ssyncset.done $0x0  }
0x8c: {  	s26 =	sadd.s32 $0x80, s25;
	[sflag:s14] =	ssyncadd.s32 $0xFFFFC000  }
0x8d: {  	[tilespmem:s18], [sflag:$0x2] =	stream.indirect.gather [hbm4b:s1+s16], $0x80, s26, s16, $0xb8;
	[tilespmem:$0x1E400] =	vst v63  }
0x8e: {  	_ =	swait.ge [sflag:s19], $0x4000  }
0x8f: {  	[sflag:s19] =	ssyncset.done $0x0  }
0x90: {  	s29 =	sadd.s32 $0x1400, s25;
	[sflag:s19] =	ssyncadd.s32 $0xFFFFC000  }
0x91: {  	[spmem:s2] =	stream.indirect.scatter.add.f32 [tilespmem:s17], [sflag:$0x3], $0x80, s29, s16, $0xb8;
	[tilespmem:$0x1E400] =	vst v63  }
0x92: {  	_ =	swait.ge [sflag:s14], $0x4000  }
0x93: {  	[sflag:s14] =	ssyncset.done $0x0  }
0x94: {  	s30 =	sadd.s32 $0x100, s25;
	[sflag:s14] =	ssyncadd.s32 $0xFFFFC000  }
0x95: {  	[tilespmem:s17], [sflag:$0x1] =	stream.indirect.gather [hbm4b:s1+s16], $0x80, s30, s16, $0xb8;
	[tilespmem:$0x1E400] =	vst v63  }
0x96: {  	_ =	swait.ge [sflag:s20], $0x4000  }
0x97: {  	[sflag:s20] =	ssyncset.done $0x0  }
0x98: {  	s31 =	sadd.s32 $0x1480, s25;
	[sflag:s20] =	ssyncadd.s32 $0xFFFFC000  }
0x99: {  	[spmem:s2] =	stream.indirect.scatter.add.f32 [tilespmem:s18], [sflag:$0x3], $0x80, s31, s16, $0xb8;
	[tilespmem:$0x1E400] =	vst v63  }
0x9a: {  	_ =	swait.ge [sflag:s14], $0x4000  }
0x9b: {  	[sflag:s14] =	ssyncset.done $0x0  }
0x9c: {  	[sflag:s14] =	ssyncadd.s32 $0xFFFFC000  }
0x9d: {  	[tilespmem:s18], [sflag:$0x2] =	stream.indirect.gather [hbm4b:s1+s16], $0x80, s21, s16, $0xb8;
	[tilespmem:$0x1E400] =	vst v63  }
0x9e: {  	_ =	swait.ge [sflag:s19], $0x4000  }
0x9f: {  	[sflag:s19] =	ssyncset.done $0x0  }
0xa0: {  	[sflag:s19] =	ssyncadd.s32 $0xFFFFC000  }
0xa1: {  	[spmem:s2] =	stream.indirect.scatter.add.f32 [tilespmem:s17], [sflag:$0x3], $0x80, s22, s16, $0xb8;
	[tilespmem:$0x1E400] =	vst v63  }
0xa2: {  	_ =	swait.ge [sflag:s14], $0x4000  }
0xa3: {  	[sflag:s14] =	ssyncset.done $0x0  }
0xa4: {  	[sflag:s14] =	ssyncadd.s32 $0xFFFFC000  }
0xa5: {  	_ =	swait.ge [sflag:s20], $0x4000  }
0xa6: {  	[sflag:s20] =	ssyncset.done $0x0  }
0xa7: {  	[sflag:s20] =	ssyncadd.s32 $0xFFFFC000  }
0xa8: {  	[spmem:s2] =	stream.indirect.scatter.add.f32 [tilespmem:s18], [sflag:$0x3], $0x80, s23, s16, $0xb8;
	[tilespmem:$0x1E400] =	vst v63  }
0xa9: {  	_ =	swait.ge [sflag:s14], $0x4000  }
0xaa: {  	s24 =	sadd.s32 $0x1, s24;
	[sflag:s14] =	ssyncset.done $0x0  }
0xab: {  	p0 =	sne.s32 s24, s12;
	[sflag:s14] =	ssyncadd.s32 $0xFFFFC000  }
.Ltmp2:
0xac: {  	[bflag:$0x0] =	sbarrier.arrive $0xFFFF;
	(pc) =	sbr.rel @p0 .LBB2_1-.Ltmp2, $4  }
0xad: {  	[hbm:s11], [sflag:s6] =	dma.local [spmem:s13], $0x2780  }
0xae: {  	_ =	swait.ge [sflag:s14], $0x2780  }
0xaf: {  	[sflag:s14] =	ssyncset.done $0x0  }
0xb0: {  	[sflag:s14] =	ssyncadd.s32 $0xFFFFD880  }
0xb1: {  	_ =	sfence.sel $0x180000  }
0xb2: {  	[bflag:$0x0] =	sbarrier.arrive $0xFFFF  }
0xb3: {  	p0 =	sne.s32 s3, $0x0;
	_ =	strace $0x90000050  }
0xb4: {  	s0 =	sadd.s32 @!p0 $0x100000, s0;
	[bflag:$0x2] =	sbarrier.arrive $0xFFFF  }
0xb5: {  	[sflag:s0] =	ssyncadd.tile.s32 @!p0 $0x1;
	_ =	shalt  }
.Lfunc_end2:
_tile_overlayer_lowered:
.L_overlay_start_2:
0xb6: {  	(tag) =	ssettag $0x2  }
0xb7: {  	s0 =	rddreg [dreg:$0x0];
	s2 =	stileid.u32  }
0xb8: {  	s1 =	rddreg [dreg:$0x1];
	p0 =	sne.s32 s2, $0x0  }
0xb9: {  	s3 =	rddreg [dreg:$0x2];
	[bflag:$0x3] =	sbarrier.arrive $0xFFFF;
	s2 =	simm.s32 @!p0 $0x1C03  }
0xba: {  	[timem:s3], [sflag:s2] =	dma.local @!p0 [hbm:s0], s1  }
0xbb: {  	s0 =	simm.s32 @!p0 $0x3  }
0xbc: {  	_ =	swait.ge @!p0 [sflag:s0], s1  }
0xbd: {  	s1 =	ssub.s32 @!p0 $0x0, s1;
	[sflag:s0] =	ssyncset.done @!p0 $0x0  }
0xbe: {  	[sflag:s0] =	ssyncadd.s32 @!p0 s1  }
0xbf: {  	[bflag:$0x3] =	sbarrier.arrive $0xFFFF  }
0xc0: {  	_ =	shalt  }

</sc_bundles>
